<compile_context>
chip_gen: v7x
topology: tpu7x:2x2x1
jax: 0.10.2.dev20260603
libtpu: 0.0.44.dev20260713+nightly
codegen_flags: <defaults>
</compile_context>

<pallas_src>
import jax
import jax.numpy as jnp
from jax import lax
from jax.experimental import pallas as pl
from jax.experimental.pallas import tpu as pltpu
from jax.experimental.pallas import tpu_sc as plsc

N_NODES = 10000
N_EDGES = 160000
D = 256

NC = 2
NS = 16
L = 16

DH = D // 2
Q = N_NODES // 4
ACC_ROWS = 2 * Q + 120
DUMP = 2 * Q
E_T = N_EDGES // NS
NBUF = 4
G = 16
CAP = 10240
NVEC = E_T // L
ZCOPY = ACC_ROWS // NS
ZROWS = 32
OUT_CHUNKS = 2 * Q // 8


def _body(src_hbm, dst_hbm, x_hbm, out_hbm,
          src_v, dst_v, srcc, dstc, gbuf, zbuf, cnt_v, acc,
          sg0, sg1, sg2, sg3, ss0, ss1, ss2, ss3, sem3):
    sems = (sg0, sg1, sg2, sg3, ss0, ss1, ss2, ss3)
    cid = lax.axis_index("c")
    sid = lax.axis_index("s")
    lo = cid * 2 * Q

    eload0 = pltpu.async_copy(src_hbm.at[pl.ds(sid * E_T, E_T)], src_v,
                              sems[0])
    eload1 = pltpu.async_copy(dst_hbm.at[pl.ds(sid * E_T, E_T)], dst_v,
                              sems[1])

    zf = jnp.zeros((L,), jnp.float32)

    def zero_row(r, carry):
        for j in range(DH // L):
            zbuf[r, pl.ds(j * L, L)] = zf
        return carry

    lax.fori_loop(0, ZROWS, zero_row, 0)
    zbase = sid * ZCOPY

    def zero_acc_fire():
        for q in range(0, ZCOPY, ZROWS):
            n = min(ZROWS, ZCOPY - q)
            pltpu.async_copy(zbuf.at[pl.ds(0, n)],
                             acc.at[pl.ds(zbase + q, n)], sem3)

    def zero_acc_drain():
        for q in range(0, ZCOPY, ZROWS):
            n = min(ZROWS, ZCOPY - q)
            pltpu.make_async_copy(zbuf.at[pl.ds(0, n)],
                                  acc.at[pl.ds(zbase + q, n)], sem3).wait()

    def zero_acc():
        zero_acc_fire()
        zero_acc_drain()

    zero_acc_fire()
    eload0.wait()
    eload1.wait()

    zi = jnp.zeros((L,), jnp.int32)
    iota = lax.broadcasted_iota(jnp.int32, (L,), 0)
    dump_lo = jnp.full((L,), DUMP, jnp.int32) + iota

    lo16 = jnp.full((L,), lo, jnp.int32)
    q16 = jnp.full((L,), Q, jnp.int32)
    one16 = jnp.full((L,), 1, jnp.int32)
    top16 = jnp.full((L,), CAP - 1, jnp.int32)

    @plsc.parallel_loop(
        0, NVEC, unroll=4,
        carry=(jnp.zeros((L,), jnp.int32), jnp.zeros((L,), jnp.int32)))
    def compact(i, ptrs):
        p0, p1 = ptrs
        s16 = src_v[pl.ds(i * L, L)]
        d16 = dst_v[pl.ds(i * L, L)]
        dl = d16 - lo16
        m0 = (dl >= 0) & (dl < q16)
        dl1 = dl - q16
        m1 = (dl1 >= 0) & (dl1 < q16)
        mi0 = jnp.where(m0, one16, zi)
        mi1 = jnp.where(m1, one16, zi)
        pos0 = p0 + plsc.cumsum(mi0) - mi0
        pos1 = top16 - (p1 + plsc.cumsum(mi1) - mi1)
        plsc.store_scatter(srcc, [pos0], s16, mask=m0)
        plsc.store_scatter(srcc, [pos1], s16, mask=m1)
        e0 = dl + dl
        e1 = dl1 + dl1
        plsc.store_scatter(dstc, [pos0 + pos0], e0, mask=m0)
        plsc.store_scatter(dstc, [pos0 + pos0 + one16], e0 + one16, mask=m0)
        plsc.store_scatter(dstc, [pos1 + pos1], e1, mask=m1)
        plsc.store_scatter(dstc, [pos1 + pos1 + one16], e1 + one16, mask=m1)
        return (p0 + plsc.all_reduce_population_count(m0),
                p1 + plsc.all_reduce_population_count(m1))

    ptr0, ptr1 = compact
    cnt_v[pl.ds(0, L)] = ptr0
    cnt_v[pl.ds(L, L)] = ptr1
    cnt0 = cnt_v[pl.ds(0, L)][0]
    cnt1 = cnt_v[pl.ds(L, L)][0]

    c0_16 = jnp.full((L,), cnt0, jnp.int32) + iota
    c1_16 = jnp.full((L,), CAP - cnt1 - NBUF * G, jnp.int32) + iota
    for k in range(NBUF * G // L):
        plsc.store_scatter(srcc, [c0_16 + k * L], zi)
        plsc.store_scatter(srcc, [c1_16 + k * L], zi)
    d0_16 = c0_16 + c0_16 - iota
    d1_16 = jnp.full((L,), 2 * (CAP - cnt1) - 2 * NBUF * G, jnp.int32) + iota
    for k in range(2 * NBUF * G // L):
        plsc.store_scatter(dstc, [d0_16 + k * L], dump_lo + (k % 2) * L)
        plsc.store_scatter(dstc, [d1_16 + k * L], dump_lo + (k % 2) * L)

    zero_acc_drain()
    plsc.subcore_barrier()

    def off0(c):
        return c * G

    def off1(c):
        return CAP - G - c * G

    nchn0 = (cnt0 + (NBUF * G - 1)) // (NBUF * G)
    nchn1 = (cnt1 + (NBUF * G - 1)) // (NBUF * G)

    def start(off, c, b):
        pltpu.async_copy(
            x_hbm.at[srcc.at[pl.ds(off(c), G)]], gbuf.at[b], sems[b])

    def drain(b):
        pltpu.make_async_copy(
            x_hbm.at[pl.ds(0, G)], gbuf.at[b], sems[b]).wait()

    def scatter(off, c, b):
        idx = dstc.at[pl.ds(2 * off(c), 2 * G)]
        pltpu.sync_copy(gbuf.at[b].reshape(2 * G, DH),
                        acc.at[idx], add=True)

    def prologue(off, nchn):
        @pl.when(nchn > 0)
        def _():
            for b in range(NBUF):
                start(off, b, b)

    def hot_loop(off, nchn):
        def chunk_group(cc, carry):
            for b in range(NBUF):
                drain(b)
                scatter(off, NBUF * cc + b, b)

                @pl.when(cc + 1 < nchn)
                def _():
                    start(off, NBUF * (cc + 1) + b, b)

            return carry

        lax.fori_loop(0, nchn, chunk_group, 0)

    def copy_out(p):
        qlo2 = 2 * (lo + p * Q)

        def out_chunk(k, carry):
            j = sid + k * NS

            @pl.when(j < OUT_CHUNKS)
            def _():
                pltpu.async_copy(
                    acc.at[pl.ds(j * 8, 8)],
                    out_hbm.at[pl.ds(qlo2 + j * 8, 8)],
                    sem3)

            return carry

        def out_wait(k, carry):
            j = sid + k * NS

            @pl.when(j < OUT_CHUNKS)
            def _():
                pltpu.make_async_copy(
                    acc.at[pl.ds(0, 8)],
                    out_hbm.at[pl.ds(qlo2, 8)],
                    sem3).wait()

            return carry

        nk = (OUT_CHUNKS + NS - 1) // NS
        lax.fori_loop(0, nk, out_chunk, 0)
        lax.fori_loop(0, nk, out_wait, 0)

    prologue(off0, nchn0)
    hot_loop(off0, nchn0)
    prologue(off1, nchn1)

    plsc.subcore_barrier()
    copy_out(0)
    plsc.subcore_barrier()
    zero_acc()
    plsc.subcore_barrier()

    hot_loop(off1, nchn1)
    plsc.subcore_barrier()
    copy_out(1)


_seg_sum = pl.kernel(
    _body,
    out_type=jax.ShapeDtypeStruct((2 * N_NODES, DH), jnp.float32),
    mesh=plsc.VectorSubcoreMesh(
        core_axis_name="c", subcore_axis_name="s",
        num_cores=NC, num_subcores=NS),
    compiler_params=pltpu.CompilerParams(needs_layout_passes=False),
    scratch_types=[
        pltpu.VMEM((E_T,), jnp.int32),
        pltpu.VMEM((E_T,), jnp.int32),
        pltpu.VMEM((CAP,), jnp.int32),
        pltpu.VMEM((2 * CAP,), jnp.int32),
        pltpu.VMEM((NBUF, G, 2, DH), jnp.float32),
        pltpu.VMEM((ZROWS, DH), jnp.float32),
        pltpu.VMEM((2 * L,), jnp.int32),
        pltpu.VMEM_SHARED((ACC_ROWS, DH), jnp.float32),
        pltpu.SemaphoreType.DMA,
        pltpu.SemaphoreType.DMA,
        pltpu.SemaphoreType.DMA,
        pltpu.SemaphoreType.DMA,
        pltpu.SemaphoreType.DMA,
        pltpu.SemaphoreType.DMA,
        pltpu.SemaphoreType.DMA,
        pltpu.SemaphoreType.DMA,
        pltpu.SemaphoreType.DMA,
    ],
)


@jax.jit
def kernel(edge_index, mask, x):
    del mask
    src = edge_index[0]
    dst = edge_index[1]
    out2 = _seg_sum(src, dst, x.reshape(N_NODES, 2, DH))
    return out2.reshape(N_NODES, D)

# --- scband reference (transcript-rebuilt; emitter-appended) ---
"""Pipeline reference for scband-message-passing-multi-quant-12652973654192 (READ-ONLY COPY).

The authoritative reference and input builder live on the scoring server;
editing this copy changes nothing except your own understanding.
"""

import jax, jax.numpy as jnp
import numpy as np

N_NODES = 10000
N_EDGES = 160000
D_FEAT = 256


def setup_inputs(seed: int = 0) -> dict:
    key = jax.random.key(seed)
    k1, k2, k3 = jax.random.split(key, 3)
    x = jax.random.normal(k1, (N_NODES, D_FEAT), dtype=jnp.float32)
    edge_index = jax.random.randint(k2, (2, N_EDGES), 0, N_NODES, dtype=jnp.int32)
    mask = jax.random.randint(k3, (N_NODES,), 0, 2, dtype=jnp.int32).astype(jnp.bool_)
    return {"edge_index": edge_index, "mask": mask, "x": x}


def reference(edge_index, mask, x):
    # flow='source_to_target' => i=1 (dst/index), j=0 (src/gather)
    # message(x_j) = x_j  (gather from source nodes)
    msg = jnp.take(x, edge_index[0], axis=0)
    # eval mode: message_low quantizer is identity
    # aggregate: scatter_reduce_ with aggr='sum' over dst index, dim_size = N
    out = jax.ops.segment_sum(msg, edge_index[1], num_segments=x.shape[0])
    # eval mode: aggregate_low quantizer is identity
    return out

if __name__ == "__main__":
    import jax
    _d = setup_inputs()
    print(jax.jit(kernel)(*tuple(_d.values())))

</pallas_src>

<mosaic_0001>
#map = affine_map<(d0, d1) -> (0)>
#map1 = affine_map<(d0, d1) -> (0, 0, 0)>
#map2 = affine_map<(d0, d1) -> (0, 0)>
module attributes {stable_mosaic.version = 14 : i64} {
  func.func @_body(%arg0: i32, %arg1: i32, %arg2: memref<160000xi32, #tpu.memory_space<hbm>>, %arg3: memref<160000xi32, #tpu.memory_space<hbm>>, %arg4: memref<10000x2x128xf32, #tpu.memory_space<hbm>>, %arg5: memref<20000x128xf32, #tpu.memory_space<hbm>>, %arg6: memref<10000xi32, #tpu.memory_space<vmem>>, %arg7: memref<10000xi32, #tpu.memory_space<vmem>>, %arg8: memref<10240xi32, #tpu.memory_space<vmem>>, %arg9: memref<20480xi32, #tpu.memory_space<vmem>>, %arg10: memref<4x16x2x128xf32, #tpu.memory_space<vmem>>, %arg11: memref<32x128xf32, #tpu.memory_space<vmem>>, %arg12: memref<32xi32, #tpu.memory_space<vmem>>, %arg13: memref<5120x128xf32, #tpu.memory_space<vmem_shared>>, %arg14: memref<!tpu.dma_semaphore, #tpu.memory_space<semaphore_mem>>, %arg15: memref<!tpu.dma_semaphore, #tpu.memory_space<semaphore_mem>>, %arg16: memref<!tpu.dma_semaphore, #tpu.memory_space<semaphore_mem>>, %arg17: memref<!tpu.dma_semaphore, #tpu.memory_space<semaphore_mem>>, %arg18: memref<!tpu.dma_semaphore, #tpu.memory_space<semaphore_mem>>, %arg19: memref<!tpu.dma_semaphore, #tpu.memory_space<semaphore_mem>>, %arg20: memref<!tpu.dma_semaphore, #tpu.memory_space<semaphore_mem>>, %arg21: memref<!tpu.dma_semaphore, #tpu.memory_space<semaphore_mem>>, %arg22: memref<!tpu.dma_semaphore, #tpu.memory_space<semaphore_mem>>) attributes {dimension_semantics = [#tpu.dimension_semantics<core_parallel>, #tpu.dimension_semantics<subcore_parallel>], iteration_bounds = array<i64: 2, 16>, scalar_prefetch = 0 : i64, scratch_operands = 17 : i64, tpu.core_type = #tpu.core_type<sc_vector_subcore>, window_params = [{transform_indices = #map}, {transform_indices = #map}, {transform_indices = #map1}, {transform_indices = #map2}]} {
    %mul3A = arith.constant 2 : i32
    %mul3A_0 = arith.muli %arg0, %mul3A : i32
    %mul3A_1 = arith.constant 2500 : i32
    %mul3A_2 = arith.muli %mul3A_0, %mul3A_1 : i32
    %mul3A_3 = arith.constant 10000 : i32
    %mul3A_4 = arith.muli %arg1, %mul3A_3 : i32
    %dma_start3A = tpu.memref_slice %arg2[%mul3A_4] : memref<160000xi32, #tpu.memory_space<hbm>> -> memref<10000xi32, #tpu.memory_space<hbm>>
    %dma_start3A_5 = tpu.memref_slice %arg2[%mul3A_4] : memref<160000xi32, #tpu.memory_space<hbm>> -> memref<10000xi32, #tpu.memory_space<hbm>>
    tpu.enqueue_dma source(%dma_start3A_5 : memref<10000xi32, #tpu.memory_space<hbm>>) target(%arg6 : memref<10000xi32, #tpu.memory_space<vmem>>) target_semaphore(%arg14 : memref<!tpu.dma_semaphore, #tpu.memory_space<semaphore_mem>>)
    %mul3A_6 = arith.constant 10000 : i32
    %mul3A_7 = arith.muli %arg1, %mul3A_6 : i32
    %dma_start3A_8 = tpu.memref_slice %arg3[%mul3A_7] : memref<160000xi32, #tpu.memory_space<hbm>> -> memref<10000xi32, #tpu.memory_space<hbm>>
    %dma_start3A_9 = tpu.memref_slice %arg3[%mul3A_7] : memref<160000xi32, #tpu.memory_space<hbm>> -> memref<10000xi32, #tpu.memory_space<hbm>>
    tpu.enqueue_dma source(%dma_start3A_9 : memref<10000xi32, #tpu.memory_space<hbm>>) target(%arg7 : memref<10000xi32, #tpu.memory_space<vmem>>) target_semaphore(%arg15 : memref<!tpu.dma_semaphore, #tpu.memory_space<semaphore_mem>>)
    %broadcast_in_dim3A = arith.constant 0.000000e+00 : f32
    %broadcast_in_dim3A_10 = vector.broadcast %broadcast_in_dim3A : f32 to vector<16xf32>
    %scan3A = arith.constant 0 : i32
    %scan3A_11 = arith.constant 0 : i32
    %scan3A_12 = arith.constant 32 : i32
    %scan3A_13 = arith.addi %scan3A_11, %scan3A_12 : i32
    %scan3A_14 = arith.constant 1 : i32
    scf.for %scan3A_771 = %scan3A_11 to %scan3A_13 step %scan3A_14  : i32 {
      %swap3A_772 = arith.index_cast %scan3A_771 : i32 to index
      %swap3A_773 = arith.constant 0 : index
      %swap3A_774 = tpu.vector_load %arg11[%swap3A_772, %swap3A_773] {strides = array<i32>} : memref<32x128xf32, #tpu.memory_space<vmem>>, vector<16xf32>,
      tpu.vector_store %arg11[%swap3A_772, %swap3A_773], %broadcast_in_dim3A_10 {strides = array<i32>} : memref<32x128xf32, #tpu.memory_space<vmem>>, vector<16xf32>,
      %swap3A_775 = arith.index_cast %scan3A_771 : i32 to index
      %swap3A_776 = arith.constant 16 : index
      %swap3A_777 = tpu.vector_load %arg11[%swap3A_775, %swap3A_776] {strides = array<i32>} : memref<32x128xf32, #tpu.memory_space<vmem>>, vector<16xf32>,
      tpu.vector_store %arg11[%swap3A_775, %swap3A_776], %broadcast_in_dim3A_10 {strides = array<i32>} : memref<32x128xf32, #tpu.memory_space<vmem>>, vector<16xf32>,
      %swap3A_778 = arith.index_cast %scan3A_771 : i32 to index
      %swap3A_779 = arith.constant 32 : index
      %swap3A_780 = tpu.vector_load %arg11[%swap3A_778, %swap3A_779] {strides = array<i32>} : memref<32x128xf32, #tpu.memory_space<vmem>>, vector<16xf32>,
      tpu.vector_store %arg11[%swap3A_778, %swap3A_779], %broadcast_in_dim3A_10 {strides = array<i32>} : memref<32x128xf32, #tpu.memory_space<vmem>>, vector<16xf32>,
      %swap3A_781 = arith.index_cast %scan3A_771 : i32 to index
      %swap3A_782 = arith.constant 48 : index
      %swap3A_783 = tpu.vector_load %arg11[%swap3A_781, %swap3A_782] {strides = array<i32>} : memref<32x128xf32, #tpu.memory_space<vmem>>, vector<16xf32>,
      tpu.vector_store %arg11[%swap3A_781, %swap3A_782], %broadcast_in_dim3A_10 {strides = array<i32>} : memref<32x128xf32, #tpu.memory_space<vmem>>, vector<16xf32>,
      %swap3A_784 = arith.index_cast %scan3A_771 : i32 to index
      %swap3A_785 = arith.constant 64 : index
      %swap3A_786 = tpu.vector_load %arg11[%swap3A_784, %swap3A_785] {strides = array<i32>} : memref<32x128xf32, #tpu.memory_space<vmem>>, vector<16xf32>,
      tpu.vector_store %arg11[%swap3A_784, %swap3A_785], %broadcast_in_dim3A_10 {strides = array<i32>} : memref<32x128xf32, #tpu.memory_space<vmem>>, vector<16xf32>,
      %swap3A_787 = arith.index_cast %scan3A_771 : i32 to index
      %swap3A_788 = arith.constant 80 : index
      %swap3A_789 = tpu.vector_load %arg11[%swap3A_787, %swap3A_788] {strides = array<i32>} : memref<32x128xf32, #tpu.memory_space<vmem>>, vector<16xf32>,
      tpu.vector_store %arg11[%swap3A_787, %swap3A_788], %broadcast_in_dim3A_10 {strides = array<i32>} : memref<32x128xf32, #tpu.memory_space<vmem>>, vector<16xf32>,
      %swap3A_790 = arith.index_cast %scan3A_771 : i32 to index
      %swap3A_791 = arith.constant 96 : index
      %swap3A_792 = tpu.vector_load %arg11[%swap3A_790, %swap3A_791] {strides = array<i32>} : memref<32x128xf32, #tpu.memory_space<vmem>>, vector<16xf32>,
      tpu.vector_store %arg11[%swap3A_790, %swap3A_791], %broadcast_in_dim3A_10 {strides = array<i32>} : memref<32x128xf32, #tpu.memory_space<vmem>>, vector<16xf32>,
      %swap3A_793 = arith.index_cast %scan3A_771 : i32 to index
      %swap3A_794 = arith.constant 112 : index
      %swap3A_795 = tpu.vector_load %arg11[%swap3A_793, %swap3A_794] {strides = array<i32>} : memref<32x128xf32, #tpu.memory_space<vmem>>, vector<16xf32>,
      tpu.vector_store %arg11[%swap3A_793, %swap3A_794], %broadcast_in_dim3A_10 {strides = array<i32>} : memref<32x128xf32, #tpu.memory_space<vmem>>, vector<16xf32>,
    }
    %scan3A_15 = arith.constant 32 : i32
    %mul3A_16 = arith.constant 320 : i32
    %mul3A_17 = arith.muli %arg1, %mul3A_16 : i32
    %add3A = arith.constant 0 : i32
    %add3A_18 = arith.addi %mul3A_17, %add3A : i32
    %dma_start3A_19 = arith.constant 0 : i32
    %dma_start3A_20 = arith.constant 0 : i32
    %dma_start3A_21 = tpu.memref_slice %arg11[%dma_start3A_19, %dma_start3A_20] : memref<32x128xf32, #tpu.memory_space<vmem>> -> memref<32x128xf32, #tpu.memory_space<vmem>>
    %dma_start3A_22 = arith.constant 0 : i32
    %dma_start3A_23 = tpu.memref_slice %arg13[%add3A_18, %dma_start3A_22] : memref<5120x128xf32, #tpu.memory_space<vmem_shared>> -> memref<32x128xf32, #tpu.memory_space<vmem_shared>>
    %dma_start3A_24 = arith.constant 0 : i32
    %dma_start3A_25 = tpu.memref_slice %arg13[%add3A_18, %dma_start3A_24] : memref<5120x128xf32, #tpu.memory_space<vmem_shared>> -> memref<32x128xf32, #tpu.memory_space<vmem_shared>>
    %dma_start3A_26 = arith.constant 0 : i32
    %dma_start3A_27 = arith.constant 0 : i32
    %dma_start3A_28 = tpu.memref_slice %arg11[%dma_start3A_26, %dma_start3A_27] : memref<32x128xf32, #tpu.memory_space<vmem>> -> memref<32x128xf32, #tpu.memory_space<vmem>>
    tpu.enqueue_dma source(%dma_start3A_28 : memref<32x128xf32, #tpu.memory_space<vmem>>) target(%dma_start3A_25 : memref<32x128xf32, #tpu.memory_space<vmem_shared>>) target_semaphore(%arg22 : memref<!tpu.dma_semaphore, #tpu.memory_space<semaphore_mem>>)
    %add3A_29 = arith.constant 32 : i32
    %add3A_30 = arith.addi %mul3A_17, %add3A_29 : i32
    %dma_start3A_31 = arith.constant 0 : i32
    %dma_start3A_32 = arith.constant 0 : i32
    %dma_start3A_33 = tpu.memref_slice %arg11[%dma_start3A_31, %dma_start3A_32] : memref<32x128xf32, #tpu.memory_space<vmem>> -> memref<32x128xf32, #tpu.memory_space<vmem>>
    %dma_start3A_34 = arith.constant 0 : i32
    %dma_start3A_35 = tpu.memref_slice %arg13[%add3A_30, %dma_start3A_34] : memref<5120x128xf32, #tpu.memory_space<vmem_shared>> -> memref<32x128xf32, #tpu.memory_space<vmem_shared>>
    %dma_start3A_36 = arith.constant 0 : i32
    %dma_start3A_37 = tpu.memref_slice %arg13[%add3A_30, %dma_start3A_36] : memref<5120x128xf32, #tpu.memory_space<vmem_shared>> -> memref<32x128xf32, #tpu.memory_space<vmem_shared>>
    %dma_start3A_38 = arith.constant 0 : i32
    %dma_start3A_39 = arith.constant 0 : i32
    %dma_start3A_40 = tpu.memref_slice %arg11[%dma_start3A_38, %dma_start3A_39] : memref<32x128xf32, #tpu.memory_space<vmem>> -> memref<32x128xf32, #tpu.memory_space<vmem>>
    tpu.enqueue_dma source(%dma_start3A_40 : memref<32x128xf32, #tpu.memory_space<vmem>>) target(%dma_start3A_37 : memref<32x128xf32, #tpu.memory_space<vmem_shared>>) target_semaphore(%arg22 : memref<!tpu.dma_semaphore, #tpu.memory_space<semaphore_mem>>)
    %add3A_41 = arith.constant 64 : i32
    %add3A_42 = arith.addi %mul3A_17, %add3A_41 : i32
    %dma_start3A_43 = arith.constant 0 : i32
    %dma_start3A_44 = arith.constant 0 : i32
    %dma_start3A_45 = tpu.memref_slice %arg11[%dma_start3A_43, %dma_start3A_44] : memref<32x128xf32, #tpu.memory_space<vmem>> -> memref<32x128xf32, #tpu.memory_space<vmem>>
    %dma_start3A_46 = arith.constant 0 : i32
    %dma_start3A_47 = tpu.memref_slice %arg13[%add3A_42, %dma_start3A_46] : memref<5120x128xf32, #tpu.memory_space<vmem_shared>> -> memref<32x128xf32, #tpu.memory_space<vmem_shared>>
    %dma_start3A_48 = arith.constant 0 : i32
    %dma_start3A_49 = tpu.memref_slice %arg13[%add3A_42, %dma_start3A_48] : memref<5120x128xf32, #tpu.memory_space<vmem_shared>> -> memref<32x128xf32, #tpu.memory_space<vmem_shared>>
    %dma_start3A_50 = arith.constant 0 : i32
    %dma_start3A_51 = arith.constant 0 : i32
    %dma_start3A_52 = tpu.memref_slice %arg11[%dma_start3A_50, %dma_start3A_51] : memref<32x128xf32, #tpu.memory_space<vmem>> -> memref<32x128xf32, #tpu.memory_space<vmem>>
    tpu.enqueue_dma source(%dma_start3A_52 : memref<32x128xf32, #tpu.memory_space<vmem>>) target(%dma_start3A_49 : memref<32x128xf32, #tpu.memory_space<vmem_shared>>) target_semaphore(%arg22 : memref<!tpu.dma_semaphore, #tpu.memory_space<semaphore_mem>>)
    %add3A_53 = arith.constant 96 : i32
    %add3A_54 = arith.addi %mul3A_17, %add3A_53 : i32
    %dma_start3A_55 = arith.constant 0 : i32
    %dma_start3A_56 = arith.constant 0 : i32
    %dma_start3A_57 = tpu.memref_slice %arg11[%dma_start3A_55, %dma_start3A_56] : memref<32x128xf32, #tpu.memory_space<vmem>> -> memref<32x128xf32, #tpu.memory_space<vmem>>
    %dma_start3A_58 = arith.constant 0 : i32
    %dma_start3A_59 = tpu.memref_slice %arg13[%add3A_54, %dma_start3A_58] : memref<5120x128xf32, #tpu.memory_space<vmem_shared>> -> memref<32x128xf32, #tpu.memory_space<vmem_shared>>
    %dma_start3A_60 = arith.constant 0 : i32
    %dma_start3A_61 = tpu.memref_slice %arg13[%add3A_54, %dma_start3A_60] : memref<5120x128xf32, #tpu.memory_space<vmem_shared>> -> memref<32x128xf32, #tpu.memory_space<vmem_shared>>
    %dma_start3A_62 = arith.constant 0 : i32
    %dma_start3A_63 = arith.constant 0 : i32
    %dma_start3A_64 = tpu.memref_slice %arg11[%dma_start3A_62, %dma_start3A_63] : memref<32x128xf32, #tpu.memory_space<vmem>> -> memref<32x128xf32, #tpu.memory_space<vmem>>
    tpu.enqueue_dma source(%dma_start3A_64 : memref<32x128xf32, #tpu.memory_space<vmem>>) target(%dma_start3A_61 : memref<32x128xf32, #tpu.memory_space<vmem_shared>>) target_semaphore(%arg22 : memref<!tpu.dma_semaphore, #tpu.memory_space<semaphore_mem>>)
    %add3A_65 = arith.constant 128 : i32
    %add3A_66 = arith.addi %mul3A_17, %add3A_65 : i32
    %dma_start3A_67 = arith.constant 0 : i32
    %dma_start3A_68 = arith.constant 0 : i32
    %dma_start3A_69 = tpu.memref_slice %arg11[%dma_start3A_67, %dma_start3A_68] : memref<32x128xf32, #tpu.memory_space<vmem>> -> memref<32x128xf32, #tpu.memory_space<vmem>>
    %dma_start3A_70 = arith.constant 0 : i32
    %dma_start3A_71 = tpu.memref_slice %arg13[%add3A_66, %dma_start3A_70] : memref<5120x128xf32, #tpu.memory_space<vmem_shared>> -> memref<32x128xf32, #tpu.memory_space<vmem_shared>>
    %dma_start3A_72 = arith.constant 0 : i32
    %dma_start3A_73 = tpu.memref_slice %arg13[%add3A_66, %dma_start3A_72] : memref<5120x128xf32, #tpu.memory_space<vmem_shared>> -> memref<32x128xf32, #tpu.memory_space<vmem_shared>>
    %dma_start3A_74 = arith.constant 0 : i32
    %dma_start3A_75 = arith.constant 0 : i32
    %dma_start3A_76 = tpu.memref_slice %arg11[%dma_start3A_74, %dma_start3A_75] : memref<32x128xf32, #tpu.memory_space<vmem>> -> memref<32x128xf32, #tpu.memory_space<vmem>>
    tpu.enqueue_dma source(%dma_start3A_76 : memref<32x128xf32, #tpu.memory_space<vmem>>) target(%dma_start3A_73 : memref<32x128xf32, #tpu.memory_space<vmem_shared>>) target_semaphore(%arg22 : memref<!tpu.dma_semaphore, #tpu.memory_space<semaphore_mem>>)
    %add3A_77 = arith.constant 160 : i32
    %add3A_78 = arith.addi %mul3A_17, %add3A_77 : i32
    %dma_start3A_79 = arith.constant 0 : i32
    %dma_start3A_80 = arith.constant 0 : i32
    %dma_start3A_81 = tpu.memref_slice %arg11[%dma_start3A_79, %dma_start3A_80] : memref<32x128xf32, #tpu.memory_space<vmem>> -> memref<32x128xf32, #tpu.memory_space<vmem>>
    %dma_start3A_82 = arith.constant 0 : i32
    %dma_start3A_83 = tpu.memref_slice %arg13[%add3A_78, %dma_start3A_82] : memref<5120x128xf32, #tpu.memory_space<vmem_shared>> -> memref<32x128xf32, #tpu.memory_space<vmem_shared>>
    %dma_start3A_84 = arith.constant 0 : i32
    %dma_start3A_85 = tpu.memref_slice %arg13[%add3A_78, %dma_start3A_84] : memref<5120x128xf32, #tpu.memory_space<vmem_shared>> -> memref<32x128xf32, #tpu.memory_space<vmem_shared>>
    %dma_start3A_86 = arith.constant 0 : i32
    %dma_start3A_87 = arith.constant 0 : i32
    %dma_start3A_88 = tpu.memref_slice %arg11[%dma_start3A_86, %dma_start3A_87] : memref<32x128xf32, #tpu.memory_space<vmem>> -> memref<32x128xf32, #tpu.memory_space<vmem>>
    tpu.enqueue_dma source(%dma_start3A_88 : memref<32x128xf32, #tpu.memory_space<vmem>>) target(%dma_start3A_85 : memref<32x128xf32, #tpu.memory_space<vmem_shared>>) target_semaphore(%arg22 : memref<!tpu.dma_semaphore, #tpu.memory_space<semaphore_mem>>)
    %add3A_89 = arith.constant 192 : i32
    %add3A_90 = arith.addi %mul3A_17, %add3A_89 : i32
    %dma_start3A_91 = arith.constant 0 : i32
    %dma_start3A_92 = arith.constant 0 : i32
    %dma_start3A_93 = tpu.memref_slice %arg11[%dma_start3A_91, %dma_start3A_92] : memref<32x128xf32, #tpu.memory_space<vmem>> -> memref<32x128xf32, #tpu.memory_space<vmem>>
    %dma_start3A_94 = arith.constant 0 : i32
    %dma_start3A_95 = tpu.memref_slice %arg13[%add3A_90, %dma_start3A_94] : memref<5120x128xf32, #tpu.memory_space<vmem_shared>> -> memref<32x128xf32, #tpu.memory_space<vmem_shared>>
    %dma_start3A_96 = arith.constant 0 : i32
    %dma_start3A_97 = tpu.memref_slice %arg13[%add3A_90, %dma_start3A_96] : memref<5120x128xf32, #tpu.memory_space<vmem_shared>> -> memref<32x128xf32, #tpu.memory_space<vmem_shared>>
    %dma_start3A_98 = arith.constant 0 : i32
    %dma_start3A_99 = arith.constant 0 : i32
    %dma_start3A_100 = tpu.memref_slice %arg11[%dma_start3A_98, %dma_start3A_99] : memref<32x128xf32, #tpu.memory_space<vmem>> -> memref<32x128xf32, #tpu.memory_space<vmem>>
    tpu.enqueue_dma source(%dma_start3A_100 : memref<32x128xf32, #tpu.memory_space<vmem>>) target(%dma_start3A_97 : memref<32x128xf32, #tpu.memory_space<vmem_shared>>) target_semaphore(%arg22 : memref<!tpu.dma_semaphore, #tpu.memory_space<semaphore_mem>>)
    %add3A_101 = arith.constant 224 : i32
    %add3A_102 = arith.addi %mul3A_17, %add3A_101 : i32
    %dma_start3A_103 = arith.constant 0 : i32
    %dma_start3A_104 = arith.constant 0 : i32
    %dma_start3A_105 = tpu.memref_slice %arg11[%dma_start3A_103, %dma_start3A_104] : memref<32x128xf32, #tpu.memory_space<vmem>> -> memref<32x128xf32, #tpu.memory_space<vmem>>
    %dma_start3A_106 = arith.constant 0 : i32
    %dma_start3A_107 = tpu.memref_slice %arg13[%add3A_102, %dma_start3A_106] : memref<5120x128xf32, #tpu.memory_space<vmem_shared>> -> memref<32x128xf32, #tpu.memory_space<vmem_shared>>
    %dma_start3A_108 = arith.constant 0 : i32
    %dma_start3A_109 = tpu.memref_slice %arg13[%add3A_102, %dma_start3A_108] : memref<5120x128xf32, #tpu.memory_space<vmem_shared>> -> memref<32x128xf32, #tpu.memory_space<vmem_shared>>
    %dma_start3A_110 = arith.constant 0 : i32
    %dma_start3A_111 = arith.constant 0 : i32
    %dma_start3A_112 = tpu.memref_slice %arg11[%dma_start3A_110, %dma_start3A_111] : memref<32x128xf32, #tpu.memory_space<vmem>> -> memref<32x128xf32, #tpu.memory_space<vmem>>
    tpu.enqueue_dma source(%dma_start3A_112 : memref<32x128xf32, #tpu.memory_space<vmem>>) target(%dma_start3A_109 : memref<32x128xf32, #tpu.memory_space<vmem_shared>>) target_semaphore(%arg22 : memref<!tpu.dma_semaphore, #tpu.memory_space<semaphore_mem>>)
    %add3A_113 = arith.constant 256 : i32
    %add3A_114 = arith.addi %mul3A_17, %add3A_113 : i32
    %dma_start3A_115 = arith.constant 0 : i32
    %dma_start3A_116 = arith.constant 0 : i32
    %dma_start3A_117 = tpu.memref_slice %arg11[%dma_start3A_115, %dma_start3A_116] : memref<32x128xf32, #tpu.memory_space<vmem>> -> memref<32x128xf32, #tpu.memory_space<vmem>>
    %dma_start3A_118 = arith.constant 0 : i32
    %dma_start3A_119 = tpu.memref_slice %arg13[%add3A_114, %dma_start3A_118] : memref<5120x128xf32, #tpu.memory_space<vmem_shared>> -> memref<32x128xf32, #tpu.memory_space<vmem_shared>>
    %dma_start3A_120 = arith.constant 0 : i32
    %dma_start3A_121 = tpu.memref_slice %arg13[%add3A_114, %dma_start3A_120] : memref<5120x128xf32, #tpu.memory_space<vmem_shared>> -> memref<32x128xf32, #tpu.memory_space<vmem_shared>>
    %dma_start3A_122 = arith.constant 0 : i32
    %dma_start3A_123 = arith.constant 0 : i32
    %dma_start3A_124 = tpu.memref_slice %arg11[%dma_start3A_122, %dma_start3A_123] : memref<32x128xf32, #tpu.memory_space<vmem>> -> memref<32x128xf32, #tpu.memory_space<vmem>>
    tpu.enqueue_dma source(%dma_start3A_124 : memref<32x128xf32, #tpu.memory_space<vmem>>) target(%dma_start3A_121 : memref<32x128xf32, #tpu.memory_space<vmem_shared>>) target_semaphore(%arg22 : memref<!tpu.dma_semaphore, #tpu.memory_space<semaphore_mem>>)
    %add3A_125 = arith.constant 288 : i32
    %add3A_126 = arith.addi %mul3A_17, %add3A_125 : i32
    %dma_start3A_127 = arith.constant 0 : i32
    %dma_start3A_128 = arith.constant 0 : i32
    %dma_start3A_129 = tpu.memref_slice %arg11[%dma_start3A_127, %dma_start3A_128] : memref<32x128xf32, #tpu.memory_space<vmem>> -> memref<32x128xf32, #tpu.memory_space<vmem>>
    %dma_start3A_130 = arith.constant 0 : i32
    %dma_start3A_131 = tpu.memref_slice %arg13[%add3A_126, %dma_start3A_130] : memref<5120x128xf32, #tpu.memory_space<vmem_shared>> -> memref<32x128xf32, #tpu.memory_space<vmem_shared>>
    %dma_start3A_132 = arith.constant 0 : i32
    %dma_start3A_133 = tpu.memref_slice %arg13[%add3A_126, %dma_start3A_132] : memref<5120x128xf32, #tpu.memory_space<vmem_shared>> -> memref<32x128xf32, #tpu.memory_space<vmem_shared>>
    %dma_start3A_134 = arith.constant 0 : i32
    %dma_start3A_135 = arith.constant 0 : i32
    %dma_start3A_136 = tpu.memref_slice %arg11[%dma_start3A_134, %dma_start3A_135] : memref<32x128xf32, #tpu.memory_space<vmem>> -> memref<32x128xf32, #tpu.memory_space<vmem>>
    tpu.enqueue_dma source(%dma_start3A_136 : memref<32x128xf32, #tpu.memory_space<vmem>>) target(%dma_start3A_133 : memref<32x128xf32, #tpu.memory_space<vmem_shared>>) target_semaphore(%arg22 : memref<!tpu.dma_semaphore, #tpu.memory_space<semaphore_mem>>)
    %dma_wait3A = tpu.memref_slice %arg2[%mul3A_4] : memref<160000xi32, #tpu.memory_space<hbm>> -> memref<10000xi32, #tpu.memory_space<hbm>>
    %dma_wait3A_137 = tpu.memref_slice %arg2[%mul3A_4] : memref<160000xi32, #tpu.memory_space<hbm>> -> memref<10000xi32, #tpu.memory_space<hbm>>
    tpu.wait_dma2 semaphore(%arg14 : memref<!tpu.dma_semaphore, #tpu.memory_space<semaphore_mem>>) src(%dma_wait3A_137 : memref<10000xi32, #tpu.memory_space<hbm>>) dst(%arg6 : memref<10000xi32, #tpu.memory_space<vmem>>)
    %dma_wait3A_138 = tpu.memref_slice %arg3[%mul3A_7] : memref<160000xi32, #tpu.memory_space<hbm>> -> memref<10000xi32, #tpu.memory_space<hbm>>
    %dma_wait3A_139 = tpu.memref_slice %arg3[%mul3A_7] : memref<160000xi32, #tpu.memory_space<hbm>> -> memref<10000xi32, #tpu.memory_space<hbm>>
    tpu.wait_dma2 semaphore(%arg15 : memref<!tpu.dma_semaphore, #tpu.memory_space<semaphore_mem>>) src(%dma_wait3A_139 : memref<10000xi32, #tpu.memory_space<hbm>>) dst(%arg7 : memref<10000xi32, #tpu.memory_space<vmem>>)
    %broadcast_in_dim3A_140 = arith.constant 0 : i32
    %broadcast_in_dim3A_141 = vector.broadcast %broadcast_in_dim3A_140 : i32 to vector<16xi32>
    %iota3A = tpu.iota {dimensions = array<i32: 0>} : vector<16xi32>
    %broadcast_in_dim3A_142 = arith.constant 5000 : i32
    %broadcast_in_dim3A_143 = vector.broadcast %broadcast_in_dim3A_142 : i32 to vector<16xi32>
    %add3A_144 = arith.addi %broadcast_in_dim3A_143, %iota3A : vector<16xi32>
    %broadcast_in_dim3A_145 = vector.broadcast %mul3A_2 : i32 to vector<16xi32>
    %broadcast_in_dim3A_146 = arith.constant 2500 : i32
    %broadcast_in_dim3A_147 = vector.broadcast %broadcast_in_dim3A_146 : i32 to vector<16xi32>
    %broadcast_in_dim3A_148 = arith.constant 1 : i32
    %broadcast_in_dim3A_149 = vector.broadcast %broadcast_in_dim3A_148 : i32 to vector<16xi32>
    %broadcast_in_dim3A_150 = arith.constant 10239 : i32
    %broadcast_in_dim3A_151 = vector.broadcast %broadcast_in_dim3A_150 : i32 to vector<16xi32>
    %broadcast_in_dim3A_152 = arith.constant 0 : i32
    %broadcast_in_dim3A_153 = vector.broadcast %broadcast_in_dim3A_152 : i32 to vector<16xi32>
    %broadcast_in_dim3A_154 = arith.constant 0 : i32
    %broadcast_in_dim3A_155 = vector.broadcast %broadcast_in_dim3A_154 : i32 to vector<16xi32>
    %parallel_loop3A = arith.constant 0 : i32
    %parallel_loop3A_156 = arith.constant 625 : i32
    %parallel_loop3A_157 = arith.constant 1 : i32
    %parallel_loop3A_158:2 = scf.for %parallel_loop3A_771 = %parallel_loop3A to %parallel_loop3A_156 step %parallel_loop3A_157 iter_args(%parallel_loop3A_772 = %broadcast_in_dim3A_153, %parallel_loop3A_773 = %broadcast_in_dim3A_155) -> (vector<16xi32>, vector<16xi32>)  : i32 {
      %parallel_loop3A_774 = arith.constant 16 : i32
      %parallel_loop3A_775 = arith.muli %parallel_loop3A_771, %parallel_loop3A_774 : i32
      %parallel_loop3A_776 = arith.index_cast %parallel_loop3A_775 : i32 to index
      %parallel_loop3A_777 = tpu.vector_load %arg6[%parallel_loop3A_776] {strides = array<i32>} : memref<10000xi32, #tpu.memory_space<vmem>>, vector<16xi32>,
      %parallel_loop3A_778 = arith.constant 16 : i32
      %parallel_loop3A_779 = arith.muli %parallel_loop3A_771, %parallel_loop3A_778 : i32
      %parallel_loop3A_780 = arith.index_cast %parallel_loop3A_779 : i32 to index
      %parallel_loop3A_781 = tpu.vector_load %arg7[%parallel_loop3A_780] {strides = array<i32>} : memref<10000xi32, #tpu.memory_space<vmem>>, vector<16xi32>,
      %parallel_loop3A_782 = arith.subi %parallel_loop3A_781, %broadcast_in_dim3A_145 : vector<16xi32>
      %parallel_loop3A_783 = arith.constant 0 : i32
      %parallel_loop3A_784 = vector.broadcast %parallel_loop3A_783 : i32 to vector<16xi32>
      %parallel_loop3A_785 = arith.cmpi sge, %parallel_loop3A_782, %parallel_loop3A_784 : vector<16xi32>
      %parallel_loop3A_786 = arith.cmpi slt, %parallel_loop3A_782, %broadcast_in_dim3A_147 : vector<16xi32>
      %parallel_loop3A_787 = arith.andi %parallel_loop3A_785, %parallel_loop3A_786 : vector<16xi1>
      %parallel_loop3A_788 = arith.subi %parallel_loop3A_782, %broadcast_in_dim3A_147 : vector<16xi32>
      %parallel_loop3A_789 = arith.constant 0 : i32
      %parallel_loop3A_790 = vector.broadcast %parallel_loop3A_789 : i32 to vector<16xi32>
      %parallel_loop3A_791 = arith.cmpi sge, %parallel_loop3A_788, %parallel_loop3A_790 : vector<16xi32>
      %parallel_loop3A_792 = arith.cmpi slt, %parallel_loop3A_788, %broadcast_in_dim3A_147 : vector<16xi32>
      %parallel_loop3A_793 = arith.andi %parallel_loop3A_791, %parallel_loop3A_792 : vector<16xi1>
      %parallel_loop3A_794 = arith.select %parallel_loop3A_787, %broadcast_in_dim3A_149, %broadcast_in_dim3A_141 : vector<16xi1>, vector<16xi32>
      %parallel_loop3A_795 = arith.select %parallel_loop3A_793, %broadcast_in_dim3A_149, %broadcast_in_dim3A_141 : vector<16xi1>, vector<16xi32>
      %parallel_loop3A_796 = arith.constant true
      %parallel_loop3A_797 = vector.broadcast %parallel_loop3A_796 : i1 to vector<16xi1>
      %parallel_loop3A_798 = tpu.scan <sum>, %parallel_loop3A_794 masked %parallel_loop3A_797 : vector<16xi32>, vector<16xi1> -> vector<16xi32>
      %parallel_loop3A_799 = arith.addi %parallel_loop3A_772, %parallel_loop3A_798 : vector<16xi32>
      %parallel_loop3A_800 = arith.subi %parallel_loop3A_799, %parallel_loop3A_794 : vector<16xi32>
      %parallel_loop3A_801 = arith.constant true
      %parallel_loop3A_802 = vector.broadcast %parallel_loop3A_801 : i1 to vector<16xi1>
      %parallel_loop3A_803 = tpu.scan <sum>, %parallel_loop3A_795 masked %parallel_loop3A_802 : vector<16xi32>, vector<16xi1> -> vector<16xi32>
      %parallel_loop3A_804 = arith.addi %parallel_loop3A_773, %parallel_loop3A_803 : vector<16xi32>
      %parallel_loop3A_805 = arith.subi %parallel_loop3A_804, %parallel_loop3A_795 : vector<16xi32>
      %parallel_loop3A_806 = arith.subi %broadcast_in_dim3A_151, %parallel_loop3A_805 : vector<16xi32>
      tpu.vector_store_idx %arg8[%parallel_loop3A_800], %parallel_loop3A_777 masked %parallel_loop3A_787 : memref<10240xi32, #tpu.memory_space<vmem>>[vector<16xi32>], vector<16xi32>, vector<16xi1>
      tpu.vector_store_idx %arg8[%parallel_loop3A_806], %parallel_loop3A_777 masked %parallel_loop3A_793 : memref<10240xi32, #tpu.memory_space<vmem>>[vector<16xi32>], vector<16xi32>, vector<16xi1>
      %parallel_loop3A_807 = arith.addi %parallel_loop3A_782, %parallel_loop3A_782 : vector<16xi32>
      %parallel_loop3A_808 = arith.addi %parallel_loop3A_788, %parallel_loop3A_788 : vector<16xi32>
      %parallel_loop3A_809 = arith.addi %parallel_loop3A_800, %parallel_loop3A_800 : vector<16xi32>
      tpu.vector_store_idx %arg9[%parallel_loop3A_809], %parallel_loop3A_807 masked %parallel_loop3A_787 : memref<20480xi32, #tpu.memory_space<vmem>>[vector<16xi32>], vector<16xi32>, vector<16xi1>
      %parallel_loop3A_810 = arith.addi %parallel_loop3A_800, %parallel_loop3A_800 : vector<16xi32>
      %parallel_loop3A_811 = arith.addi %parallel_loop3A_810, %broadcast_in_dim3A_149 : vector<16xi32>
      %parallel_loop3A_812 = arith.addi %parallel_loop3A_807, %broadcast_in_dim3A_149 : vector<16xi32>
      tpu.vector_store_idx %arg9[%parallel_loop3A_811], %parallel_loop3A_812 masked %parallel_loop3A_787 : memref<20480xi32, #tpu.memory_space<vmem>>[vector<16xi32>], vector<16xi32>, vector<16xi1>
      %parallel_loop3A_813 = arith.addi %parallel_loop3A_806, %parallel_loop3A_806 : vector<16xi32>
      tpu.vector_store_idx %arg9[%parallel_loop3A_813], %parallel_loop3A_808 masked %parallel_loop3A_793 : memref<20480xi32, #tpu.memory_space<vmem>>[vector<16xi32>], vector<16xi32>, vector<16xi1>
      %parallel_loop3A_814 = arith.addi %parallel_loop3A_806, %parallel_loop3A_806 : vector<16xi32>
      %parallel_loop3A_815 = arith.addi %parallel_loop3A_814, %broadcast_in_dim3A_149 : vector<16xi32>
      %parallel_loop3A_816 = arith.addi %parallel_loop3A_808, %broadcast_in_dim3A_149 : vector<16xi32>
      tpu.vector_store_idx %arg9[%parallel_loop3A_815], %parallel_loop3A_816 masked %parallel_loop3A_793 : memref<20480xi32, #tpu.memory_space<vmem>>[vector<16xi32>], vector<16xi32>, vector<16xi1>
      %parallel_loop3A_817 = tpu.all_reduce %parallel_loop3A_787 {dim = 0 : i64, kind = #tpu.reduction_kind<sum>} : vector<16xi1> -> vector<16xi32>
      %parallel_loop3A_818 = arith.addi %parallel_loop3A_772, %parallel_loop3A_817 : vector<16xi32>
      %parallel_loop3A_819 = tpu.all_reduce %parallel_loop3A_793 {dim = 0 : i64, kind = #tpu.reduction_kind<sum>} : vector<16xi1> -> vector<16xi32>
      %parallel_loop3A_820 = arith.addi %parallel_loop3A_773, %parallel_loop3A_819 : vector<16xi32>
      scf.yield %parallel_loop3A_818, %parallel_loop3A_820 : vector<16xi32>, vector<16xi32>
    } {sc.loop_unroll_factor = 4 : i64, sc.parallel_access}
    %swap3A = arith.constant 0 : index
    %swap3A_159 = tpu.vector_load %arg12[%swap3A] {strides = array<i32>} : memref<32xi32, #tpu.memory_space<vmem>>, vector<16xi32>,
    tpu.vector_store %arg12[%swap3A], %parallel_loop3A_158#0 {strides = array<i32>} : memref<32xi32, #tpu.memory_space<vmem>>, vector<16xi32>,
    %swap3A_160 = arith.constant 16 : index
    %swap3A_161 = tpu.vector_load %arg12[%swap3A_160] {strides = array<i32>} : memref<32xi32, #tpu.memory_space<vmem>>, vector<16xi32>,
    tpu.vector_store %arg12[%swap3A_160], %parallel_loop3A_158#1 {strides = array<i32>} : memref<32xi32, #tpu.memory_space<vmem>>, vector<16xi32>,
    %get3A = arith.constant 0 : index
    %get3A_162 = tpu.vector_load %arg12[%get3A] {strides = array<i32>} : memref<32xi32, #tpu.memory_space<vmem>>, vector<16xi32>,
    %slice3A = vector.extract_strided_slice %get3A_162 {offsets = [0], sizes = [1], strides = [1]} : vector<16xi32> to vector<1xi32>
    %squeeze3A = vector.extract %slice3A[0] : i32 from vector<1xi32>
    %get3A_163 = arith.constant 16 : index
    %get3A_164 = tpu.vector_load %arg12[%get3A_163] {strides = array<i32>} : memref<32xi32, #tpu.memory_space<vmem>>, vector<16xi32>,
    %slice3A_165 = vector.extract_strided_slice %get3A_164 {offsets = [0], sizes = [1], strides = [1]} : vector<16xi32> to vector<1xi32>
    %squeeze3A_166 = vector.extract %slice3A_165[0] : i32 from vector<1xi32>
    %broadcast_in_dim3A_167 = vector.broadcast %squeeze3A : i32 to vector<16xi32>
    %add3A_168 = arith.addi %broadcast_in_dim3A_167, %iota3A : vector<16xi32>
    %sub3A = arith.constant 10240 : i32
    %sub3A_169 = arith.subi %sub3A, %squeeze3A_166 : i32
    %sub3A_170 = arith.constant 64 : i32
    %sub3A_171 = arith.subi %sub3A_169, %sub3A_170 : i32
    %broadcast_in_dim3A_172 = vector.broadcast %sub3A_171 : i32 to vector<16xi32>
    %add3A_173 = arith.addi %broadcast_in_dim3A_172, %iota3A : vector<16xi32>
    %add3A_174 = arith.constant 0 : i32
    %add3A_175 = vector.broadcast %add3A_174 : i32 to vector<16xi32>
    %add3A_176 = arith.addi %add3A_168, %add3A_175 : vector<16xi32>
    tpu.vector_store_idx %arg8[%add3A_176], %broadcast_in_dim3A_141 : memref<10240xi32, #tpu.memory_space<vmem>>[vector<16xi32>], vector<16xi32>,
    %add3A_177 = arith.constant 0 : i32
    %add3A_178 = vector.broadcast %add3A_177 : i32 to vector<16xi32>
    %add3A_179 = arith.addi %add3A_173, %add3A_178 : vector<16xi32>
    tpu.vector_store_idx %arg8[%add3A_179], %broadcast_in_dim3A_141 : memref<10240xi32, #tpu.memory_space<vmem>>[vector<16xi32>], vector<16xi32>,
    %add3A_180 = arith.constant 16 : i32
    %add3A_181 = vector.broadcast %add3A_180 : i32 to vector<16xi32>
    %add3A_182 = arith.addi %add3A_168, %add3A_181 : vector<16xi32>
    tpu.vector_store_idx %arg8[%add3A_182], %broadcast_in_dim3A_141 : memref<10240xi32, #tpu.memory_space<vmem>>[vector<16xi32>], vector<16xi32>,
    %add3A_183 = arith.constant 16 : i32
    %add3A_184 = vector.broadcast %add3A_183 : i32 to vector<16xi32>
    %add3A_185 = arith.addi %add3A_173, %add3A_184 : vector<16xi32>
    tpu.vector_store_idx %arg8[%add3A_185], %broadcast_in_dim3A_141 : memref<10240xi32, #tpu.memory_space<vmem>>[vector<16xi32>], vector<16xi32>,
    %add3A_186 = arith.constant 32 : i32
    %add3A_187 = vector.broadcast %add3A_186 : i32 to vector<16xi32>
    %add3A_188 = arith.addi %add3A_168, %add3A_187 : vector<16xi32>
    tpu.vector_store_idx %arg8[%add3A_188], %broadcast_in_dim3A_141 : memref<10240xi32, #tpu.memory_space<vmem>>[vector<16xi32>], vector<16xi32>,
    %add3A_189 = arith.constant 32 : i32
    %add3A_190 = vector.broadcast %add3A_189 : i32 to vector<16xi32>
    %add3A_191 = arith.addi %add3A_173, %add3A_190 : vector<16xi32>
    tpu.vector_store_idx %arg8[%add3A_191], %broadcast_in_dim3A_141 : memref<10240xi32, #tpu.memory_space<vmem>>[vector<16xi32>], vector<16xi32>,
    %add3A_192 = arith.constant 48 : i32
    %add3A_193 = vector.broadcast %add3A_192 : i32 to vector<16xi32>
    %add3A_194 = arith.addi %add3A_168, %add3A_193 : vector<16xi32>
    tpu.vector_store_idx %arg8[%add3A_194], %broadcast_in_dim3A_141 : memref<10240xi32, #tpu.memory_space<vmem>>[vector<16xi32>], vector<16xi32>,
    %add3A_195 = arith.constant 48 : i32
    %add3A_196 = vector.broadcast %add3A_195 : i32 to vector<16xi32>
    %add3A_197 = arith.addi %add3A_173, %add3A_196 : vector<16xi32>
    tpu.vector_store_idx %arg8[%add3A_197], %broadcast_in_dim3A_141 : memref<10240xi32, #tpu.memory_space<vmem>>[vector<16xi32>], vector<16xi32>,
    %add3A_198 = arith.addi %add3A_168, %add3A_168 : vector<16xi32>
    %sub3A_199 = arith.subi %add3A_198, %iota3A : vector<16xi32>
    %sub3A_200 = arith.constant 10240 : i32
    %sub3A_201 = arith.subi %sub3A_200, %squeeze3A_166 : i32
    %mul3A_202 = arith.constant 2 : i32
    %mul3A_203 = arith.muli %mul3A_202, %sub3A_201 : i32
    %sub3A_204 = arith.constant 128 : i32
    %sub3A_205 = arith.subi %mul3A_203, %sub3A_204 : i32
    %broadcast_in_dim3A_206 = vector.broadcast %sub3A_205 : i32 to vector<16xi32>
    %add3A_207 = arith.addi %broadcast_in_dim3A_206, %iota3A : vector<16xi32>
    %add3A_208 = arith.constant 0 : i32
    %add3A_209 = vector.broadcast %add3A_208 : i32 to vector<16xi32>
    %add3A_210 = arith.addi %sub3A_199, %add3A_209 : vector<16xi32>
    %add3A_211 = arith.constant 0 : i32
    %add3A_212 = vector.broadcast %add3A_211 : i32 to vector<16xi32>
    %add3A_213 = arith.addi %add3A_144, %add3A_212 : vector<16xi32>
    tpu.vector_store_idx %arg9[%add3A_210], %add3A_213 : memref<20480xi32, #tpu.memory_space<vmem>>[vector<16xi32>], vector<16xi32>,
    %add3A_214 = arith.constant 0 : i32
    %add3A_215 = vector.broadcast %add3A_214 : i32 to vector<16xi32>
    %add3A_216 = arith.addi %add3A_207, %add3A_215 : vector<16xi32>
    %add3A_217 = arith.constant 0 : i32
    %add3A_218 = vector.broadcast %add3A_217 : i32 to vector<16xi32>
    %add3A_219 = arith.addi %add3A_144, %add3A_218 : vector<16xi32>
    tpu.vector_store_idx %arg9[%add3A_216], %add3A_219 : memref<20480xi32, #tpu.memory_space<vmem>>[vector<16xi32>], vector<16xi32>,
    %add3A_220 = arith.constant 16 : i32
    %add3A_221 = vector.broadcast %add3A_220 : i32 to vector<16xi32>
    %add3A_222 = arith.addi %sub3A_199, %add3A_221 : vector<16xi32>
    %add3A_223 = arith.constant 16 : i32
    %add3A_224 = vector.broadcast %add3A_223 : i32 to vector<16xi32>
    %add3A_225 = arith.addi %add3A_144, %add3A_224 : vector<16xi32>
    tpu.vector_store_idx %arg9[%add3A_222], %add3A_225 : memref<20480xi32, #tpu.memory_space<vmem>>[vector<16xi32>], vector<16xi32>,
    %add3A_226 = arith.constant 16 : i32
    %add3A_227 = vector.broadcast %add3A_226 : i32 to vector<16xi32>
    %add3A_228 = arith.addi %add3A_207, %add3A_227 : vector<16xi32>
    %add3A_229 = arith.constant 16 : i32
    %add3A_230 = vector.broadcast %add3A_229 : i32 to vector<16xi32>
    %add3A_231 = arith.addi %add3A_144, %add3A_230 : vector<16xi32>
    tpu.vector_store_idx %arg9[%add3A_228], %add3A_231 : memref<20480xi32, #tpu.memory_space<vmem>>[vector<16xi32>], vector<16xi32>,
    %add3A_232 = arith.constant 32 : i32
    %add3A_233 = vector.broadcast %add3A_232 : i32 to vector<16xi32>
    %add3A_234 = arith.addi %sub3A_199, %add3A_233 : vector<16xi32>
    %add3A_235 = arith.constant 0 : i32
    %add3A_236 = vector.broadcast %add3A_235 : i32 to vector<16xi32>
    %add3A_237 = arith.addi %add3A_144, %add3A_236 : vector<16xi32>
    tpu.vector_store_idx %arg9[%add3A_234], %add3A_237 : memref<20480xi32, #tpu.memory_space<vmem>>[vector<16xi32>], vector<16xi32>,
    %add3A_238 = arith.constant 32 : i32
    %add3A_239 = vector.broadcast %add3A_238 : i32 to vector<16xi32>
    %add3A_240 = arith.addi %add3A_207, %add3A_239 : vector<16xi32>
    %add3A_241 = arith.constant 0 : i32
    %add3A_242 = vector.broadcast %add3A_241 : i32 to vector<16xi32>
    %add3A_243 = arith.addi %add3A_144, %add3A_242 : vector<16xi32>
    tpu.vector_store_idx %arg9[%add3A_240], %add3A_243 : memref<20480xi32, #tpu.memory_space<vmem>>[vector<16xi32>], vector<16xi32>,
    %add3A_244 = arith.constant 48 : i32
    %add3A_245 = vector.broadcast %add3A_244 : i32 to vector<16xi32>
    %add3A_246 = arith.addi %sub3A_199, %add3A_245 : vector<16xi32>
    %add3A_247 = arith.constant 16 : i32
    %add3A_248 = vector.broadcast %add3A_247 : i32 to vector<16xi32>
    %add3A_249 = arith.addi %add3A_144, %add3A_248 : vector<16xi32>
    tpu.vector_store_idx %arg9[%add3A_246], %add3A_249 : memref<20480xi32, #tpu.memory_space<vmem>>[vector<16xi32>], vector<16xi32>,
    %add3A_250 = arith.constant 48 : i32
    %add3A_251 = vector.broadcast %add3A_250 : i32 to vector<16xi32>
    %add3A_252 = arith.addi %add3A_207, %add3A_251 : vector<16xi32>
    %add3A_253 = arith.constant 16 : i32
    %add3A_254 = vector.broadcast %add3A_253 : i32 to vector<16xi32>
    %add3A_255 = arith.addi %add3A_144, %add3A_254 : vector<16xi32>
    tpu.vector_store_idx %arg9[%add3A_252], %add3A_255 : memref<20480xi32, #tpu.memory_space<vmem>>[vector<16xi32>], vector<16xi32>,
    %add3A_256 = arith.constant 64 : i32
    %add3A_257 = vector.broadcast %add3A_256 : i32 to vector<16xi32>
    %add3A_258 = arith.addi %sub3A_199, %add3A_257 : vector<16xi32>
    %add3A_259 = arith.constant 0 : i32
    %add3A_260 = vector.broadcast %add3A_259 : i32 to vector<16xi32>
    %add3A_261 = arith.addi %add3A_144, %add3A_260 : vector<16xi32>
    tpu.vector_store_idx %arg9[%add3A_258], %add3A_261 : memref<20480xi32, #tpu.memory_space<vmem>>[vector<16xi32>], vector<16xi32>,
    %add3A_262 = arith.constant 64 : i32
    %add3A_263 = vector.broadcast %add3A_262 : i32 to vector<16xi32>
    %add3A_264 = arith.addi %add3A_207, %add3A_263 : vector<16xi32>
    %add3A_265 = arith.constant 0 : i32
    %add3A_266 = vector.broadcast %add3A_265 : i32 to vector<16xi32>
    %add3A_267 = arith.addi %add3A_144, %add3A_266 : vector<16xi32>
    tpu.vector_store_idx %arg9[%add3A_264], %add3A_267 : memref<20480xi32, #tpu.memory_space<vmem>>[vector<16xi32>], vector<16xi32>,
    %add3A_268 = arith.constant 80 : i32
    %add3A_269 = vector.broadcast %add3A_268 : i32 to vector<16xi32>
    %add3A_270 = arith.addi %sub3A_199, %add3A_269 : vector<16xi32>
    %add3A_271 = arith.constant 16 : i32
    %add3A_272 = vector.broadcast %add3A_271 : i32 to vector<16xi32>
    %add3A_273 = arith.addi %add3A_144, %add3A_272 : vector<16xi32>
    tpu.vector_store_idx %arg9[%add3A_270], %add3A_273 : memref<20480xi32, #tpu.memory_space<vmem>>[vector<16xi32>], vector<16xi32>,
    %add3A_274 = arith.constant 80 : i32
    %add3A_275 = vector.broadcast %add3A_274 : i32 to vector<16xi32>
    %add3A_276 = arith.addi %add3A_207, %add3A_275 : vector<16xi32>
    %add3A_277 = arith.constant 16 : i32
    %add3A_278 = vector.broadcast %add3A_277 : i32 to vector<16xi32>
    %add3A_279 = arith.addi %add3A_144, %add3A_278 : vector<16xi32>
    tpu.vector_store_idx %arg9[%add3A_276], %add3A_279 : memref<20480xi32, #tpu.memory_space<vmem>>[vector<16xi32>], vector<16xi32>,
    %add3A_280 = arith.constant 96 : i32
    %add3A_281 = vector.broadcast %add3A_280 : i32 to vector<16xi32>
    %add3A_282 = arith.addi %sub3A_199, %add3A_281 : vector<16xi32>
    %add3A_283 = arith.constant 0 : i32
    %add3A_284 = vector.broadcast %add3A_283 : i32 to vector<16xi32>
    %add3A_285 = arith.addi %add3A_144, %add3A_284 : vector<16xi32>
    tpu.vector_store_idx %arg9[%add3A_282], %add3A_285 : memref<20480xi32, #tpu.memory_space<vmem>>[vector<16xi32>], vector<16xi32>,
    %add3A_286 = arith.constant 96 : i32
    %add3A_287 = vector.broadcast %add3A_286 : i32 to vector<16xi32>
    %add3A_288 = arith.addi %add3A_207, %add3A_287 : vector<16xi32>
    %add3A_289 = arith.constant 0 : i32
    %add3A_290 = vector.broadcast %add3A_289 : i32 to vector<16xi32>
    %add3A_291 = arith.addi %add3A_144, %add3A_290 : vector<16xi32>
    tpu.vector_store_idx %arg9[%add3A_288], %add3A_291 : memref<20480xi32, #tpu.memory_space<vmem>>[vector<16xi32>], vector<16xi32>,
    %add3A_292 = arith.constant 112 : i32
    %add3A_293 = vector.broadcast %add3A_292 : i32 to vector<16xi32>
    %add3A_294 = arith.addi %sub3A_199, %add3A_293 : vector<16xi32>
    %add3A_295 = arith.constant 16 : i32
    %add3A_296 = vector.broadcast %add3A_295 : i32 to vector<16xi32>
    %add3A_297 = arith.addi %add3A_144, %add3A_296 : vector<16xi32>
    tpu.vector_store_idx %arg9[%add3A_294], %add3A_297 : memref<20480xi32, #tpu.memory_space<vmem>>[vector<16xi32>], vector<16xi32>,
    %add3A_298 = arith.constant 112 : i32
    %add3A_299 = vector.broadcast %add3A_298 : i32 to vector<16xi32>
    %add3A_300 = arith.addi %add3A_207, %add3A_299 : vector<16xi32>
    %add3A_301 = arith.constant 16 : i32
    %add3A_302 = vector.broadcast %add3A_301 : i32 to vector<16xi32>
    %add3A_303 = arith.addi %add3A_144, %add3A_302 : vector<16xi32>
    tpu.vector_store_idx %arg9[%add3A_300], %add3A_303 : memref<20480xi32, #tpu.memory_space<vmem>>[vector<16xi32>], vector<16xi32>,
    %add3A_304 = arith.constant 0 : i32
    %add3A_305 = arith.addi %mul3A_17, %add3A_304 : i32
    %dma_wait3A_306 = arith.constant 0 : i32
    %dma_wait3A_307 = arith.constant 0 : i32
    %dma_wait3A_308 = tpu.memref_slice %arg11[%dma_wait3A_306, %dma_wait3A_307] : memref<32x128xf32, #tpu.memory_space<vmem>> -> memref<32x128xf32, #tpu.memory_space<vmem>>
    %dma_wait3A_309 = arith.constant 0 : i32
    %dma_wait3A_310 = tpu.memref_slice %arg13[%add3A_305, %dma_wait3A_309] : memref<5120x128xf32, #tpu.memory_space<vmem_shared>> -> memref<32x128xf32, #tpu.memory_space<vmem_shared>>
    %dma_wait3A_311 = arith.constant 0 : i32
    %dma_wait3A_312 = tpu.memref_slice %arg13[%add3A_305, %dma_wait3A_311] : memref<5120x128xf32, #tpu.memory_space<vmem_shared>> -> memref<32x128xf32, #tpu.memory_space<vmem_shared>>
    %dma_wait3A_313 = arith.constant 0 : i32
    %dma_wait3A_314 = arith.constant 0 : i32
    %dma_wait3A_315 = tpu.memref_slice %arg11[%dma_wait3A_313, %dma_wait3A_314] : memref<32x128xf32, #tpu.memory_space<vmem>> -> memref<32x128xf32, #tpu.memory_space<vmem>>
    tpu.wait_dma2 semaphore(%arg22 : memref<!tpu.dma_semaphore, #tpu.memory_space<semaphore_mem>>) src(%dma_wait3A_315 : memref<32x128xf32, #tpu.memory_space<vmem>>) dst(%dma_wait3A_312 : memref<32x128xf32, #tpu.memory_space<vmem_shared>>)
    %add3A_316 = arith.constant 32 : i32
    %add3A_317 = arith.addi %mul3A_17, %add3A_316 : i32
    %dma_wait3A_318 = arith.constant 0 : i32
    %dma_wait3A_319 = arith.constant 0 : i32
    %dma_wait3A_320 = tpu.memref_slice %arg11[%dma_wait3A_318, %dma_wait3A_319] : memref<32x128xf32, #tpu.memory_space<vmem>> -> memref<32x128xf32, #tpu.memory_space<vmem>>
    %dma_wait3A_321 = arith.constant 0 : i32
    %dma_wait3A_322 = tpu.memref_slice %arg13[%add3A_317, %dma_wait3A_321] : memref<5120x128xf32, #tpu.memory_space<vmem_shared>> -> memref<32x128xf32, #tpu.memory_space<vmem_shared>>
    %dma_wait3A_323 = arith.constant 0 : i32
    %dma_wait3A_324 = tpu.memref_slice %arg13[%add3A_317, %dma_wait3A_323] : memref<5120x128xf32, #tpu.memory_space<vmem_shared>> -> memref<32x128xf32, #tpu.memory_space<vmem_shared>>
    %dma_wait3A_325 = arith.constant 0 : i32
    %dma_wait3A_326 = arith.constant 0 : i32
    %dma_wait3A_327 = tpu.memref_slice %arg11[%dma_wait3A_325, %dma_wait3A_326] : memref<32x128xf32, #tpu.memory_space<vmem>> -> memref<32x128xf32, #tpu.memory_space<vmem>>
    tpu.wait_dma2 semaphore(%arg22 : memref<!tpu.dma_semaphore, #tpu.memory_space<semaphore_mem>>) src(%dma_wait3A_327 : memref<32x128xf32, #tpu.memory_space<vmem>>) dst(%dma_wait3A_324 : memref<32x128xf32, #tpu.memory_space<vmem_shared>>)
    %add3A_328 = arith.constant 64 : i32
    %add3A_329 = arith.addi %mul3A_17, %add3A_328 : i32
    %dma_wait3A_330 = arith.constant 0 : i32
    %dma_wait3A_331 = arith.constant 0 : i32
    %dma_wait3A_332 = tpu.memref_slice %arg11[%dma_wait3A_330, %dma_wait3A_331] : memref<32x128xf32, #tpu.memory_space<vmem>> -> memref<32x128xf32, #tpu.memory_space<vmem>>
    %dma_wait3A_333 = arith.constant 0 : i32
    %dma_wait3A_334 = tpu.memref_slice %arg13[%add3A_329, %dma_wait3A_333] : memref<5120x128xf32, #tpu.memory_space<vmem_shared>> -> memref<32x128xf32, #tpu.memory_space<vmem_shared>>
    %dma_wait3A_335 = arith.constant 0 : i32
    %dma_wait3A_336 = tpu.memref_slice %arg13[%add3A_329, %dma_wait3A_335] : memref<5120x128xf32, #tpu.memory_space<vmem_shared>> -> memref<32x128xf32, #tpu.memory_space<vmem_shared>>
    %dma_wait3A_337 = arith.constant 0 : i32
    %dma_wait3A_338 = arith.constant 0 : i32
    %dma_wait3A_339 = tpu.memref_slice %arg11[%dma_wait3A_337, %dma_wait3A_338] : memref<32x128xf32, #tpu.memory_space<vmem>> -> memref<32x128xf32, #tpu.memory_space<vmem>>
    tpu.wait_dma2 semaphore(%arg22 : memref<!tpu.dma_semaphore, #tpu.memory_space<semaphore_mem>>) src(%dma_wait3A_339 : memref<32x128xf32, #tpu.memory_space<vmem>>) dst(%dma_wait3A_336 : memref<32x128xf32, #tpu.memory_space<vmem_shared>>)
    %add3A_340 = arith.constant 96 : i32
    %add3A_341 = arith.addi %mul3A_17, %add3A_340 : i32
    %dma_wait3A_342 = arith.constant 0 : i32
    %dma_wait3A_343 = arith.constant 0 : i32
    %dma_wait3A_344 = tpu.memref_slice %arg11[%dma_wait3A_342, %dma_wait3A_343] : memref<32x128xf32, #tpu.memory_space<vmem>> -> memref<32x128xf32, #tpu.memory_space<vmem>>
    %dma_wait3A_345 = arith.constant 0 : i32
    %dma_wait3A_346 = tpu.memref_slice %arg13[%add3A_341, %dma_wait3A_345] : memref<5120x128xf32, #tpu.memory_space<vmem_shared>> -> memref<32x128xf32, #tpu.memory_space<vmem_shared>>
    %dma_wait3A_347 = arith.constant 0 : i32
    %dma_wait3A_348 = tpu.memref_slice %arg13[%add3A_341, %dma_wait3A_347] : memref<5120x128xf32, #tpu.memory_space<vmem_shared>> -> memref<32x128xf32, #tpu.memory_space<vmem_shared>>
    %dma_wait3A_349 = arith.constant 0 : i32
    %dma_wait3A_350 = arith.constant 0 : i32
    %dma_wait3A_351 = tpu.memref_slice %arg11[%dma_wait3A_349, %dma_wait3A_350] : memref<32x128xf32, #tpu.memory_space<vmem>> -> memref<32x128xf32, #tpu.memory_space<vmem>>
    tpu.wait_dma2 semaphore(%arg22 : memref<!tpu.dma_semaphore, #tpu.memory_space<semaphore_mem>>) src(%dma_wait3A_351 : memref<32x128xf32, #tpu.memory_space<vmem>>) dst(%dma_wait3A_348 : memref<32x128xf32, #tpu.memory_space<vmem_shared>>)
    %add3A_352 = arith.constant 128 : i32
    %add3A_353 = arith.addi %mul3A_17, %add3A_352 : i32
    %dma_wait3A_354 = arith.constant 0 : i32
    %dma_wait3A_355 = arith.constant 0 : i32
    %dma_wait3A_356 = tpu.memref_slice %arg11[%dma_wait3A_354, %dma_wait3A_355] : memref<32x128xf32, #tpu.memory_space<vmem>> -> memref<32x128xf32, #tpu.memory_space<vmem>>
    %dma_wait3A_357 = arith.constant 0 : i32
    %dma_wait3A_358 = tpu.memref_slice %arg13[%add3A_353, %dma_wait3A_357] : memref<5120x128xf32, #tpu.memory_space<vmem_shared>> -> memref<32x128xf32, #tpu.memory_space<vmem_shared>>
    %dma_wait3A_359 = arith.constant 0 : i32
    %dma_wait3A_360 = tpu.memref_slice %arg13[%add3A_353, %dma_wait3A_359] : memref<5120x128xf32, #tpu.memory_space<vmem_shared>> -> memref<32x128xf32, #tpu.memory_space<vmem_shared>>
    %dma_wait3A_361 = arith.constant 0 : i32
    %dma_wait3A_362 = arith.constant 0 : i32
    %dma_wait3A_363 = tpu.memref_slice %arg11[%dma_wait3A_361, %dma_wait3A_362] : memref<32x128xf32, #tpu.memory_space<vmem>> -> memref<32x128xf32, #tpu.memory_space<vmem>>
    tpu.wait_dma2 semaphore(%arg22 : memref<!tpu.dma_semaphore, #tpu.memory_space<semaphore_mem>>) src(%dma_wait3A_363 : memref<32x128xf32, #tpu.memory_space<vmem>>) dst(%dma_wait3A_360 : memref<32x128xf32, #tpu.memory_space<vmem_shared>>)
    %add3A_364 = arith.constant 160 : i32
    %add3A_365 = arith.addi %mul3A_17, %add3A_364 : i32
    %dma_wait3A_366 = arith.constant 0 : i32
    %dma_wait3A_367 = arith.constant 0 : i32
    %dma_wait3A_368 = tpu.memref_slice %arg11[%dma_wait3A_366, %dma_wait3A_367] : memref<32x128xf32, #tpu.memory_space<vmem>> -> memref<32x128xf32, #tpu.memory_space<vmem>>
    %dma_wait3A_369 = arith.constant 0 : i32
    %dma_wait3A_370 = tpu.memref_slice %arg13[%add3A_365, %dma_wait3A_369] : memref<5120x128xf32, #tpu.memory_space<vmem_shared>> -> memref<32x128xf32, #tpu.memory_space<vmem_shared>>
    %dma_wait3A_371 = arith.constant 0 : i32
    %dma_wait3A_372 = tpu.memref_slice %arg13[%add3A_365, %dma_wait3A_371] : memref<5120x128xf32, #tpu.memory_space<vmem_shared>> -> memref<32x128xf32, #tpu.memory_space<vmem_shared>>
    %dma_wait3A_373 = arith.constant 0 : i32
    %dma_wait3A_374 = arith.constant 0 : i32
    %dma_wait3A_375 = tpu.memref_slice %arg11[%dma_wait3A_373, %dma_wait3A_374] : memref<32x128xf32, #tpu.memory_space<vmem>> -> memref<32x128xf32, #tpu.memory_space<vmem>>
    tpu.wait_dma2 semaphore(%arg22 : memref<!tpu.dma_semaphore, #tpu.memory_space<semaphore_mem>>) src(%dma_wait3A_375 : memref<32x128xf32, #tpu.memory_space<vmem>>) dst(%dma_wait3A_372 : memref<32x128xf32, #tpu.memory_space<vmem_shared>>)
    %add3A_376 = arith.constant 192 : i32
    %add3A_377 = arith.addi %mul3A_17, %add3A_376 : i32
    %dma_wait3A_378 = arith.constant 0 : i32
    %dma_wait3A_379 = arith.constant 0 : i32
    %dma_wait3A_380 = tpu.memref_slice %arg11[%dma_wait3A_378, %dma_wait3A_379] : memref<32x128xf32, #tpu.memory_space<vmem>> -> memref<32x128xf32, #tpu.memory_space<vmem>>
    %dma_wait3A_381 = arith.constant 0 : i32
    %dma_wait3A_382 = tpu.memref_slice %arg13[%add3A_377, %dma_wait3A_381] : memref<5120x128xf32, #tpu.memory_space<vmem_shared>> -> memref<32x128xf32, #tpu.memory_space<vmem_shared>>
    %dma_wait3A_383 = arith.constant 0 : i32
    %dma_wait3A_384 = tpu.memref_slice %arg13[%add3A_377, %dma_wait3A_383] : memref<5120x128xf32, #tpu.memory_space<vmem_shared>> -> memref<32x128xf32, #tpu.memory_space<vmem_shared>>
    %dma_wait3A_385 = arith.constant 0 : i32
    %dma_wait3A_386 = arith.constant 0 : i32
    %dma_wait3A_387 = tpu.memref_slice %arg11[%dma_wait3A_385, %dma_wait3A_386] : memref<32x128xf32, #tpu.memory_space<vmem>> -> memref<32x128xf32, #tpu.memory_space<vmem>>
    tpu.wait_dma2 semaphore(%arg22 : memref<!tpu.dma_semaphore, #tpu.memory_space<semaphore_mem>>) src(%dma_wait3A_387 : memref<32x128xf32, #tpu.memory_space<vmem>>) dst(%dma_wait3A_384 : memref<32x128xf32, #tpu.memory_space<vmem_shared>>)
    %add3A_388 = arith.constant 224 : i32
    %add3A_389 = arith.addi %mul3A_17, %add3A_388 : i32
    %dma_wait3A_390 = arith.constant 0 : i32
    %dma_wait3A_391 = arith.constant 0 : i32
    %dma_wait3A_392 = tpu.memref_slice %arg11[%dma_wait3A_390, %dma_wait3A_391] : memref<32x128xf32, #tpu.memory_space<vmem>> -> memref<32x128xf32, #tpu.memory_space<vmem>>
    %dma_wait3A_393 = arith.constant 0 : i32
    %dma_wait3A_394 = tpu.memref_slice %arg13[%add3A_389, %dma_wait3A_393] : memref<5120x128xf32, #tpu.memory_space<vmem_shared>> -> memref<32x128xf32, #tpu.memory_space<vmem_shared>>
    %dma_wait3A_395 = arith.constant 0 : i32
    %dma_wait3A_396 = tpu.memref_slice %arg13[%add3A_389, %dma_wait3A_395] : memref<5120x128xf32, #tpu.memory_space<vmem_shared>> -> memref<32x128xf32, #tpu.memory_space<vmem_shared>>
    %dma_wait3A_397 = arith.constant 0 : i32
    %dma_wait3A_398 = arith.constant 0 : i32
    %dma_wait3A_399 = tpu.memref_slice %arg11[%dma_wait3A_397, %dma_wait3A_398] : memref<32x128xf32, #tpu.memory_space<vmem>> -> memref<32x128xf32, #tpu.memory_space<vmem>>
    tpu.wait_dma2 semaphore(%arg22 : memref<!tpu.dma_semaphore, #tpu.memory_space<semaphore_mem>>) src(%dma_wait3A_399 : memref<32x128xf32, #tpu.memory_space<vmem>>) dst(%dma_wait3A_396 : memref<32x128xf32, #tpu.memory_space<vmem_shared>>)
    %add3A_400 = arith.constant 256 : i32
    %add3A_401 = arith.addi %mul3A_17, %add3A_400 : i32
    %dma_wait3A_402 = arith.constant 0 : i32
    %dma_wait3A_403 = arith.constant 0 : i32
    %dma_wait3A_404 = tpu.memref_slice %arg11[%dma_wait3A_402, %dma_wait3A_403] : memref<32x128xf32, #tpu.memory_space<vmem>> -> memref<32x128xf32, #tpu.memory_space<vmem>>
    %dma_wait3A_405 = arith.constant 0 : i32
    %dma_wait3A_406 = tpu.memref_slice %arg13[%add3A_401, %dma_wait3A_405] : memref<5120x128xf32, #tpu.memory_space<vmem_shared>> -> memref<32x128xf32, #tpu.memory_space<vmem_shared>>
    %dma_wait3A_407 = arith.constant 0 : i32
    %dma_wait3A_408 = tpu.memref_slice %arg13[%add3A_401, %dma_wait3A_407] : memref<5120x128xf32, #tpu.memory_space<vmem_shared>> -> memref<32x128xf32, #tpu.memory_space<vmem_shared>>
    %dma_wait3A_409 = arith.constant 0 : i32
    %dma_wait3A_410 = arith.constant 0 : i32
    %dma_wait3A_411 = tpu.memref_slice %arg11[%dma_wait3A_409, %dma_wait3A_410] : memref<32x128xf32, #tpu.memory_space<vmem>> -> memref<32x128xf32, #tpu.memory_space<vmem>>
    tpu.wait_dma2 semaphore(%arg22 : memref<!tpu.dma_semaphore, #tpu.memory_space<semaphore_mem>>) src(%dma_wait3A_411 : memref<32x128xf32, #tpu.memory_space<vmem>>) dst(%dma_wait3A_408 : memref<32x128xf32, #tpu.memory_space<vmem_shared>>)
    %add3A_412 = arith.constant 288 : i32
    %add3A_413 = arith.addi %mul3A_17, %add3A_412 : i32
    %dma_wait3A_414 = arith.constant 0 : i32
    %dma_wait3A_415 = arith.constant 0 : i32
    %dma_wait3A_416 = tpu.memref_slice %arg11[%dma_wait3A_414, %dma_wait3A_415] : memref<32x128xf32, #tpu.memory_space<vmem>> -> memref<32x128xf32, #tpu.memory_space<vmem>>
    %dma_wait3A_417 = arith.constant 0 : i32
    %dma_wait3A_418 = tpu.memref_slice %arg13[%add3A_413, %dma_wait3A_417] : memref<5120x128xf32, #tpu.memory_space<vmem_shared>> -> memref<32x128xf32, #tpu.memory_space<vmem_shared>>
    %dma_wait3A_419 = arith.constant 0 : i32
    %dma_wait3A_420 = tpu.memref_slice %arg13[%add3A_413, %dma_wait3A_419] : memref<5120x128xf32, #tpu.memory_space<vmem_shared>> -> memref<32x128xf32, #tpu.memory_space<vmem_shared>>
    %dma_wait3A_421 = arith.constant 0 : i32
    %dma_wait3A_422 = arith.constant 0 : i32
    %dma_wait3A_423 = tpu.memref_slice %arg11[%dma_wait3A_421, %dma_wait3A_422] : memref<32x128xf32, #tpu.memory_space<vmem>> -> memref<32x128xf32, #tpu.memory_space<vmem>>
    tpu.wait_dma2 semaphore(%arg22 : memref<!tpu.dma_semaphore, #tpu.memory_space<semaphore_mem>>) src(%dma_wait3A_423 : memref<32x128xf32, #tpu.memory_space<vmem>>) dst(%dma_wait3A_420 : memref<32x128xf32, #tpu.memory_space<vmem_shared>>)
    %barrier3A = arith.constant 0 : index
    tpu.barrier barrier_id(%barrier3A)
    %add3A_424 = arith.constant 63 : i32
    %add3A_425 = arith.addi %squeeze3A, %add3A_424 : i32
    %jit3A = arith.constant 64 : i32
    %div3A = arith.divsi %add3A_425, %jit3A : i32
    %sign3A = arith.constant 0 : i32
    %sign3A_426 = arith.cmpi sgt, %add3A_425, %sign3A : i32
    %sign3A_427 = arith.extui %sign3A_426 : i1 to i32
    %sign3A_428 = arith.constant 0 : i32
    %sign3A_429 = arith.cmpi slt, %add3A_425, %sign3A_428 : i32
    %sign3A_430 = arith.extui %sign3A_429 : i1 to i32
    %sign3A_431 = arith.subi %sign3A_427, %sign3A_430 : i32
    %sign3A_432 = arith.constant 0 : i32
    %sign3A_433 = arith.cmpi sgt, %jit3A, %sign3A_432 : i32
    %sign3A_434 = arith.extui %sign3A_433 : i1 to i32
    %sign3A_435 = arith.constant 0 : i32
    %sign3A_436 = arith.cmpi slt, %jit3A, %sign3A_435 : i32
    %sign3A_437 = arith.extui %sign3A_436 : i1 to i32
    %sign3A_438 = arith.subi %sign3A_434, %sign3A_437 : i32
    %ne3A = arith.cmpi ne, %sign3A_431, %sign3A_438 : i32
    %rem3A = arith.remsi %add3A_425, %jit3A : i32
    %ne3A_439 = arith.constant 0 : i32
    %ne3A_440 = arith.cmpi ne, %rem3A, %ne3A_439 : i32
    %and3A = arith.andi %ne3A, %ne3A_440 : i1
    %sub3A_441 = arith.constant 1 : i32
    %sub3A_442 = arith.subi %div3A, %sub3A_441 : i32
    %select_n3A = arith.select %and3A, %sub3A_442, %div3A : i32
    %add3A_443 = arith.constant 63 : i32
    %add3A_444 = arith.addi %squeeze3A_166, %add3A_443 : i32
    %jit3A_445 = arith.constant 64 : i32
    %div3A_446 = arith.divsi %add3A_444, %jit3A_445 : i32
    %sign3A_447 = arith.constant 0 : i32
    %sign3A_448 = arith.cmpi sgt, %add3A_444, %sign3A_447 : i32
    %sign3A_449 = arith.extui %sign3A_448 : i1 to i32
    %sign3A_450 = arith.constant 0 : i32
    %sign3A_451 = arith.cmpi slt, %add3A_444, %sign3A_450 : i32
    %sign3A_452 = arith.extui %sign3A_451 : i1 to i32
    %sign3A_453 = arith.subi %sign3A_449, %sign3A_452 : i32
    %sign3A_454 = arith.constant 0 : i32
    %sign3A_455 = arith.cmpi sgt, %jit3A_445, %sign3A_454 : i32
    %sign3A_456 = arith.extui %sign3A_455 : i1 to i32
    %sign3A_457 = arith.constant 0 : i32
    %sign3A_458 = arith.cmpi slt, %jit3A_445, %sign3A_457 : i32
    %sign3A_459 = arith.extui %sign3A_458 : i1 to i32
    %sign3A_460 = arith.subi %sign3A_456, %sign3A_459 : i32
    %ne3A_461 = arith.cmpi ne, %sign3A_453, %sign3A_460 : i32
    %rem3A_462 = arith.remsi %add3A_444, %jit3A_445 : i32
    %ne3A_463 = arith.constant 0 : i32
    %ne3A_464 = arith.cmpi ne, %rem3A_462, %ne3A_463 : i32
    %and3A_465 = arith.andi %ne3A_461, %ne3A_464 : i1
    %sub3A_466 = arith.constant 1 : i32
    %sub3A_467 = arith.subi %div3A_446, %sub3A_466 : i32
    %select_n3A_468 = arith.select %and3A_465, %sub3A_467, %div3A_446 : i32
    %gt3A = arith.constant 0 : i32
    %gt3A_469 = arith.cmpi sgt, %select_n3A, %gt3A : i32
    %convert_element_type3A = arith.extui %gt3A_469 : i1 to i32
    %cond3A = arith.constant 0 : i32
    %cond3A_470 = arith.cmpi ne, %convert_element_type3A, %cond3A : i32
    scf.if %cond3A_470 {
      %dma_start3A_771 = arith.constant 0 : i32
      %dma_start3A_772 = arith.constant 0 : i32
      %dma_start3A_773 = arith.constant 0 : i32
      %dma_start3A_774 = arith.constant 0 : i32
      %dma_start3A_775 = tpu.memref_slice %arg10[%dma_start3A_771, %dma_start3A_772, %dma_start3A_773, %dma_start3A_774] : memref<4x16x2x128xf32, #tpu.memory_space<vmem>> -> memref<1x16x2x128xf32, #tpu.memory_space<vmem>>
      %dma_start3A_776 = tpu.memref_squeeze %dma_start3A_775 : memref<1x16x2x128xf32, #tpu.memory_space<vmem>> -> memref<16x2x128xf32, #tpu.memory_space<vmem>>
      %dma_start3A_777 = arith.constant 0 : i32
      %dma_start3A_778 = tpu.memref_slice %arg8[%dma_start3A_777] : memref<10240xi32, #tpu.memory_space<vmem>> -> memref<16xi32, #tpu.memory_space<vmem>>
      %dma_start3A_779 = arith.constant 0 : i32
      %dma_start3A_780 = arith.constant 0 : i32
      %dma_start3A_781 = arith.constant 0 : i32
      %dma_start3A_782 = tpu.memref_slice %arg4[%dma_start3A_779, %dma_start3A_780, %dma_start3A_781] : memref<10000x2x128xf32, #tpu.memory_space<hbm>> -> memref<10000x2x128xf32, #tpu.memory_space<hbm>>
      tpu.enqueue_indirect_dma source(%dma_start3A_782 : memref<10000x2x128xf32, #tpu.memory_space<hbm>>) target(%dma_start3A_776 : memref<16x2x128xf32, #tpu.memory_space<vmem>>) offsets(%dma_start3A_778 : memref<16xi32, #tpu.memory_space<vmem>>) semaphore(%arg14 : memref<!tpu.dma_semaphore, #tpu.memory_space<semaphore_mem>>)
      %dma_start3A_783 = arith.constant 1 : i32
      %dma_start3A_784 = arith.constant 0 : i32
      %dma_start3A_785 = arith.constant 0 : i32
      %dma_start3A_786 = arith.constant 0 : i32
      %dma_start3A_787 = tpu.memref_slice %arg10[%dma_start3A_783, %dma_start3A_784, %dma_start3A_785, %dma_start3A_786] : memref<4x16x2x128xf32, #tpu.memory_space<vmem>> -> memref<1x16x2x128xf32, #tpu.memory_space<vmem>>
      %dma_start3A_788 = tpu.memref_squeeze %dma_start3A_787 : memref<1x16x2x128xf32, #tpu.memory_space<vmem>> -> memref<16x2x128xf32, #tpu.memory_space<vmem>>
      %dma_start3A_789 = arith.constant 16 : i32
      %dma_start3A_790 = tpu.memref_slice %arg8[%dma_start3A_789] : memref<10240xi32, #tpu.memory_space<vmem>> -> memref<16xi32, #tpu.memory_space<vmem>>
      %dma_start3A_791 = arith.constant 0 : i32
      %dma_start3A_792 = arith.constant 0 : i32
      %dma_start3A_793 = arith.constant 0 : i32
      %dma_start3A_794 = tpu.memref_slice %arg4[%dma_start3A_791, %dma_start3A_792, %dma_start3A_793] : memref<10000x2x128xf32, #tpu.memory_space<hbm>> -> memref<10000x2x128xf32, #tpu.memory_space<hbm>>
      tpu.enqueue_indirect_dma source(%dma_start3A_794 : memref<10000x2x128xf32, #tpu.memory_space<hbm>>) target(%dma_start3A_788 : memref<16x2x128xf32, #tpu.memory_space<vmem>>) offsets(%dma_start3A_790 : memref<16xi32, #tpu.memory_space<vmem>>) semaphore(%arg15 : memref<!tpu.dma_semaphore, #tpu.memory_space<semaphore_mem>>)
      %dma_start3A_795 = arith.constant 2 : i32
      %dma_start3A_796 = arith.constant 0 : i32
      %dma_start3A_797 = arith.constant 0 : i32
      %dma_start3A_798 = arith.constant 0 : i32
      %dma_start3A_799 = tpu.memref_slice %arg10[%dma_start3A_795, %dma_start3A_796, %dma_start3A_797, %dma_start3A_798] : memref<4x16x2x128xf32, #tpu.memory_space<vmem>> -> memref<1x16x2x128xf32, #tpu.memory_space<vmem>>
      %dma_start3A_800 = tpu.memref_squeeze %dma_start3A_799 : memref<1x16x2x128xf32, #tpu.memory_space<vmem>> -> memref<16x2x128xf32, #tpu.memory_space<vmem>>
      %dma_start3A_801 = arith.constant 32 : i32
      %dma_start3A_802 = tpu.memref_slice %arg8[%dma_start3A_801] : memref<10240xi32, #tpu.memory_space<vmem>> -> memref<16xi32, #tpu.memory_space<vmem>>
      %dma_start3A_803 = arith.constant 0 : i32
      %dma_start3A_804 = arith.constant 0 : i32
      %dma_start3A_805 = arith.constant 0 : i32
      %dma_start3A_806 = tpu.memref_slice %arg4[%dma_start3A_803, %dma_start3A_804, %dma_start3A_805] : memref<10000x2x128xf32, #tpu.memory_space<hbm>> -> memref<10000x2x128xf32, #tpu.memory_space<hbm>>
      tpu.enqueue_indirect_dma source(%dma_start3A_806 : memref<10000x2x128xf32, #tpu.memory_space<hbm>>) target(%dma_start3A_800 : memref<16x2x128xf32, #tpu.memory_space<vmem>>) offsets(%dma_start3A_802 : memref<16xi32, #tpu.memory_space<vmem>>) semaphore(%arg16 : memref<!tpu.dma_semaphore, #tpu.memory_space<semaphore_mem>>)
      %dma_start3A_807 = arith.constant 3 : i32
      %dma_start3A_808 = arith.constant 0 : i32
      %dma_start3A_809 = arith.constant 0 : i32
      %dma_start3A_810 = arith.constant 0 : i32
      %dma_start3A_811 = tpu.memref_slice %arg10[%dma_start3A_807, %dma_start3A_808, %dma_start3A_809, %dma_start3A_810] : memref<4x16x2x128xf32, #tpu.memory_space<vmem>> -> memref<1x16x2x128xf32, #tpu.memory_space<vmem>>
      %dma_start3A_812 = tpu.memref_squeeze %dma_start3A_811 : memref<1x16x2x128xf32, #tpu.memory_space<vmem>> -> memref<16x2x128xf32, #tpu.memory_space<vmem>>
      %dma_start3A_813 = arith.constant 48 : i32
      %dma_start3A_814 = tpu.memref_slice %arg8[%dma_start3A_813] : memref<10240xi32, #tpu.memory_space<vmem>> -> memref<16xi32, #tpu.memory_space<vmem>>
      %dma_start3A_815 = arith.constant 0 : i32
      %dma_start3A_816 = arith.constant 0 : i32
      %dma_start3A_817 = arith.constant 0 : i32
      %dma_start3A_818 = tpu.memref_slice %arg4[%dma_start3A_815, %dma_start3A_816, %dma_start3A_817] : memref<10000x2x128xf32, #tpu.memory_space<hbm>> -> memref<10000x2x128xf32, #tpu.memory_space<hbm>>
      tpu.enqueue_indirect_dma source(%dma_start3A_818 : memref<10000x2x128xf32, #tpu.memory_space<hbm>>) target(%dma_start3A_812 : memref<16x2x128xf32, #tpu.memory_space<vmem>>) offsets(%dma_start3A_814 : memref<16xi32, #tpu.memory_space<vmem>>) semaphore(%arg17 : memref<!tpu.dma_semaphore, #tpu.memory_space<semaphore_mem>>)
    } else {
    }
    %while3A = arith.constant 0 : i32
    %while3A_471 = arith.constant 0 : i32
    %while3A_472 = arith.subi %select_n3A, %while3A_471 : i32
    %while3A_473 = arith.addi %while3A_471, %while3A_472 : i32
    %while3A_474 = arith.constant 1 : i32
    %while3A_475 = arith.divsi %while3A_472, %while3A_474 : i32
    %while3A_476 = arith.muli %while3A_475, %while3A_474 : i32
    %while3A_477 = arith.addi %while3A_471, %while3A_476 : i32
    %while3A_478 = arith.constant 1 : i32
    scf.for %while3A_771 = %while3A_471 to %while3A_477 step %while3A_478  : i32 {
      %dma_wait3A_772 = arith.constant 0 : i32
      %dma_wait3A_773 = arith.constant 0 : i32
      %dma_wait3A_774 = arith.constant 0 : i32
      %dma_wait3A_775 = arith.constant 0 : i32
      %dma_wait3A_776 = tpu.memref_slice %arg10[%dma_wait3A_772, %dma_wait3A_773, %dma_wait3A_774, %dma_wait3A_775] : memref<4x16x2x128xf32, #tpu.memory_space<vmem>> -> memref<1x16x2x128xf32, #tpu.memory_space<vmem>>
      %dma_wait3A_777 = tpu.memref_squeeze %dma_wait3A_776 : memref<1x16x2x128xf32, #tpu.memory_space<vmem>> -> memref<16x2x128xf32, #tpu.memory_space<vmem>>
      %dma_wait3A_778 = arith.constant 0 : i32
      %dma_wait3A_779 = arith.constant 0 : i32
      %dma_wait3A_780 = arith.constant 0 : i32
      %dma_wait3A_781 = tpu.memref_slice %arg4[%dma_wait3A_778, %dma_wait3A_779, %dma_wait3A_780] : memref<10000x2x128xf32, #tpu.memory_space<hbm>> -> memref<16x2x128xf32, #tpu.memory_space<hbm>>
      %dma_wait3A_782 = arith.constant 0 : i32
      %dma_wait3A_783 = arith.constant 0 : i32
      %dma_wait3A_784 = arith.constant 0 : i32
      %dma_wait3A_785 = tpu.memref_slice %arg10[%dma_wait3A_772, %dma_wait3A_782, %dma_wait3A_783, %dma_wait3A_784] : memref<4x16x2x128xf32, #tpu.memory_space<vmem>> -> memref<1x16x2x128xf32, #tpu.memory_space<vmem>>
      %dma_wait3A_786 = tpu.memref_squeeze %dma_wait3A_785 : memref<1x16x2x128xf32, #tpu.memory_space<vmem>> -> memref<16x2x128xf32, #tpu.memory_space<vmem>>
      %dma_wait3A_787 = arith.constant 0 : i32
      %dma_wait3A_788 = arith.constant 0 : i32
      %dma_wait3A_789 = arith.constant 0 : i32
      %dma_wait3A_790 = tpu.memref_slice %arg4[%dma_wait3A_787, %dma_wait3A_788, %dma_wait3A_789] : memref<10000x2x128xf32, #tpu.memory_space<hbm>> -> memref<16x2x128xf32, #tpu.memory_space<hbm>>
      tpu.wait_dma2 semaphore(%arg14 : memref<!tpu.dma_semaphore, #tpu.memory_space<semaphore_mem>>) src(%dma_wait3A_790 : memref<16x2x128xf32, #tpu.memory_space<hbm>>) dst(%dma_wait3A_786 : memref<16x2x128xf32, #tpu.memory_space<vmem>>)
      %mul3A_791 = arith.constant 4 : i32
      %mul3A_792 = arith.muli %mul3A_791, %while3A_771 : i32
      %add3A_793 = arith.constant 0 : i32
      %add3A_794 = arith.addi %mul3A_792, %add3A_793 : i32
      %mul3A_795 = arith.constant 16 : i32
      %mul3A_796 = arith.muli %add3A_794, %mul3A_795 : i32
      %mul3A_797 = arith.constant 2 : i32
      %mul3A_798 = arith.muli %mul3A_797, %mul3A_796 : i32
      %run_scoped3A = arith.constant 0 : i32
      "tpu.region"() ({
        %run_scoped3A_906 = tpu.sem_alloc : memref<!tpu.dma_semaphore, #tpu.memory_space<semaphore_mem>>
        %dma_start3A_907 = arith.constant 0 : i32
        %dma_start3A_908 = arith.constant 0 : i32
        %dma_start3A_909 = arith.constant 0 : i32
        %dma_start3A_910 = tpu.memref_slice %arg10[%run_scoped3A, %dma_start3A_907, %dma_start3A_908, %dma_start3A_909] : memref<4x16x2x128xf32, #tpu.memory_space<vmem>> -> memref<1x16x2x128xf32, #tpu.memory_space<vmem>>
        %dma_start3A_911 = tpu.memref_squeeze %dma_start3A_910 : memref<1x16x2x128xf32, #tpu.memory_space<vmem>> -> memref<16x2x128xf32, #tpu.memory_space<vmem>>
        %dma_start3A_912 = tpu.memref_reshape %dma_start3A_911 : memref<16x2x128xf32, #tpu.memory_space<vmem>> -> memref<32x128xf32, #tpu.memory_space<vmem>>
        %dma_start3A_913 = tpu.memref_slice %arg9[%mul3A_798] : memref<20480xi32, #tpu.memory_space<vmem>> -> memref<32xi32, #tpu.memory_space<vmem>>
        %dma_start3A_914 = arith.constant 0 : i32
        %dma_start3A_915 = arith.constant 0 : i32
        %dma_start3A_916 = tpu.memref_slice %arg13[%dma_start3A_914, %dma_start3A_915] : memref<5120x128xf32, #tpu.memory_space<vmem_shared>> -> memref<5120x128xf32, #tpu.memory_space<vmem_shared>>
        tpu.enqueue_indirect_dma source(%dma_start3A_912 : memref<32x128xf32, #tpu.memory_space<vmem>>) target(%dma_start3A_916 : memref<5120x128xf32, #tpu.memory_space<vmem_shared>>) offsets(%dma_start3A_913 : memref<32xi32, #tpu.memory_space<vmem>>) semaphore(%run_scoped3A_906 : memref<!tpu.dma_semaphore, #tpu.memory_space<semaphore_mem>>) {add = true}
        %dma_wait3A_917 = arith.constant 0 : i32
        %dma_wait3A_918 = arith.constant 0 : i32
        %dma_wait3A_919 = arith.constant 0 : i32
        %dma_wait3A_920 = tpu.memref_slice %arg10[%run_scoped3A, %dma_wait3A_917, %dma_wait3A_918, %dma_wait3A_919] : memref<4x16x2x128xf32, #tpu.memory_space<vmem>> -> memref<1x16x2x128xf32, #tpu.memory_space<vmem>>
        %dma_wait3A_921 = tpu.memref_squeeze %dma_wait3A_920 : memref<1x16x2x128xf32, #tpu.memory_space<vmem>> -> memref<16x2x128xf32, #tpu.memory_space<vmem>>
        %dma_wait3A_922 = tpu.memref_reshape %dma_wait3A_921 : memref<16x2x128xf32, #tpu.memory_space<vmem>> -> memref<32x128xf32, #tpu.memory_space<vmem>>
        %dma_wait3A_923 = tpu.memref_slice %arg9[%mul3A_798] : memref<20480xi32, #tpu.memory_space<vmem>> -> memref<32xi32, #tpu.memory_space<vmem>>
        %dma_wait3A_924 = arith.constant 0 : i32
        %dma_wait3A_925 = arith.constant 0 : i32
        %dma_wait3A_926 = tpu.memref_slice %arg13[%dma_wait3A_924, %dma_wait3A_925] : memref<5120x128xf32, #tpu.memory_space<vmem_shared>> -> memref<5120x128xf32, #tpu.memory_space<vmem_shared>>
        tpu.wait_indirect_dma semaphore(%run_scoped3A_906 : memref<!tpu.dma_semaphore, #tpu.memory_space<semaphore_mem>>) src(%dma_wait3A_922 : memref<32x128xf32, #tpu.memory_space<vmem>>) dst(%dma_wait3A_926 : memref<5120x128xf32, #tpu.memory_space<vmem_shared>>)
        tpu.yield
      }) : () -> ()
      %add3A_799 = arith.constant 1 : i32
      %add3A_800 = arith.addi %while3A_771, %add3A_799 : i32
      %lt3A = arith.cmpi slt, %add3A_800, %select_n3A : i32
      %convert_element_type3A_801 = arith.extui %lt3A : i1 to i32
      %cond3A_802 = arith.constant 0 : i32
      %cond3A_803 = arith.cmpi ne, %convert_element_type3A_801, %cond3A_802 : i32
      scf.if %cond3A_803 {
        %add3A_906 = arith.constant 1 : i32
        %add3A_907 = arith.addi %while3A_771, %add3A_906 : i32
        %mul3A_908 = arith.constant 4 : i32
        %mul3A_909 = arith.muli %mul3A_908, %add3A_907 : i32
        %add3A_910 = arith.constant 0 : i32
        %add3A_911 = arith.addi %mul3A_909, %add3A_910 : i32
        %mul3A_912 = arith.constant 16 : i32
        %mul3A_913 = arith.muli %add3A_911, %mul3A_912 : i32
        %dma_start3A_914 = arith.constant 0 : i32
        %dma_start3A_915 = arith.constant 0 : i32
        %dma_start3A_916 = arith.constant 0 : i32
        %dma_start3A_917 = arith.constant 0 : i32
        %dma_start3A_918 = tpu.memref_slice %arg10[%dma_start3A_914, %dma_start3A_915, %dma_start3A_916, %dma_start3A_917] : memref<4x16x2x128xf32, #tpu.memory_space<vmem>> -> memref<1x16x2x128xf32, #tpu.memory_space<vmem>>
        %dma_start3A_919 = tpu.memref_squeeze %dma_start3A_918 : memref<1x16x2x128xf32, #tpu.memory_space<vmem>> -> memref<16x2x128xf32, #tpu.memory_space<vmem>>
        %dma_start3A_920 = tpu.memref_slice %arg8[%mul3A_913] : memref<10240xi32, #tpu.memory_space<vmem>> -> memref<16xi32, #tpu.memory_space<vmem>>
        %dma_start3A_921 = arith.constant 0 : i32
        %dma_start3A_922 = arith.constant 0 : i32
        %dma_start3A_923 = arith.constant 0 : i32
        %dma_start3A_924 = tpu.memref_slice %arg4[%dma_start3A_921, %dma_start3A_922, %dma_start3A_923] : memref<10000x2x128xf32, #tpu.memory_space<hbm>> -> memref<10000x2x128xf32, #tpu.memory_space<hbm>>
        tpu.enqueue_indirect_dma source(%dma_start3A_924 : memref<10000x2x128xf32, #tpu.memory_space<hbm>>) target(%dma_start3A_919 : memref<16x2x128xf32, #tpu.memory_space<vmem>>) offsets(%dma_start3A_920 : memref<16xi32, #tpu.memory_space<vmem>>) semaphore(%arg14 : memref<!tpu.dma_semaphore, #tpu.memory_space<semaphore_mem>>)
      } else {
      }
      %dma_wait3A_804 = arith.constant 1 : i32
      %dma_wait3A_805 = arith.constant 0 : i32
      %dma_wait3A_806 = arith.constant 0 : i32
      %dma_wait3A_807 = arith.constant 0 : i32
      %dma_wait3A_808 = tpu.memref_slice %arg10[%dma_wait3A_804, %dma_wait3A_805, %dma_wait3A_806, %dma_wait3A_807] : memref<4x16x2x128xf32, #tpu.memory_space<vmem>> -> memref<1x16x2x128xf32, #tpu.memory_space<vmem>>
      %dma_wait3A_809 = tpu.memref_squeeze %dma_wait3A_808 : memref<1x16x2x128xf32, #tpu.memory_space<vmem>> -> memref<16x2x128xf32, #tpu.memory_space<vmem>>
      %dma_wait3A_810 = arith.constant 0 : i32
      %dma_wait3A_811 = arith.constant 0 : i32
      %dma_wait3A_812 = arith.constant 0 : i32
      %dma_wait3A_813 = tpu.memref_slice %arg4[%dma_wait3A_810, %dma_wait3A_811, %dma_wait3A_812] : memref<10000x2x128xf32, #tpu.memory_space<hbm>> -> memref<16x2x128xf32, #tpu.memory_space<hbm>>
      %dma_wait3A_814 = arith.constant 0 : i32
      %dma_wait3A_815 = arith.constant 0 : i32
      %dma_wait3A_816 = arith.constant 0 : i32
      %dma_wait3A_817 = tpu.memref_slice %arg10[%dma_wait3A_804, %dma_wait3A_814, %dma_wait3A_815, %dma_wait3A_816] : memref<4x16x2x128xf32, #tpu.memory_space<vmem>> -> memref<1x16x2x128xf32, #tpu.memory_space<vmem>>
      %dma_wait3A_818 = tpu.memref_squeeze %dma_wait3A_817 : memref<1x16x2x128xf32, #tpu.memory_space<vmem>> -> memref<16x2x128xf32, #tpu.memory_space<vmem>>
      %dma_wait3A_819 = arith.constant 0 : i32
      %dma_wait3A_820 = arith.constant 0 : i32
      %dma_wait3A_821 = arith.constant 0 : i32
      %dma_wait3A_822 = tpu.memref_slice %arg4[%dma_wait3A_819, %dma_wait3A_820, %dma_wait3A_821] : memref<10000x2x128xf32, #tpu.memory_space<hbm>> -> memref<16x2x128xf32, #tpu.memory_space<hbm>>
      tpu.wait_dma2 semaphore(%arg15 : memref<!tpu.dma_semaphore, #tpu.memory_space<semaphore_mem>>) src(%dma_wait3A_822 : memref<16x2x128xf32, #tpu.memory_space<hbm>>) dst(%dma_wait3A_818 : memref<16x2x128xf32, #tpu.memory_space<vmem>>)
      %mul3A_823 = arith.constant 4 : i32
      %mul3A_824 = arith.muli %mul3A_823, %while3A_771 : i32
      %add3A_825 = arith.constant 1 : i32
      %add3A_826 = arith.addi %mul3A_824, %add3A_825 : i32
      %mul3A_827 = arith.constant 16 : i32
      %mul3A_828 = arith.muli %add3A_826, %mul3A_827 : i32
      %mul3A_829 = arith.constant 2 : i32
      %mul3A_830 = arith.muli %mul3A_829, %mul3A_828 : i32
      %run_scoped3A_831 = arith.constant 1 : i32
      "tpu.region"() ({
        %run_scoped3A_906 = tpu.sem_alloc : memref<!tpu.dma_semaphore, #tpu.memory_space<semaphore_mem>>
        %dma_start3A_907 = arith.constant 0 : i32
        %dma_start3A_908 = arith.constant 0 : i32
        %dma_start3A_909 = arith.constant 0 : i32
        %dma_start3A_910 = tpu.memref_slice %arg10[%run_scoped3A_831, %dma_start3A_907, %dma_start3A_908, %dma_start3A_909] : memref<4x16x2x128xf32, #tpu.memory_space<vmem>> -> memref<1x16x2x128xf32, #tpu.memory_space<vmem>>
        %dma_start3A_911 = tpu.memref_squeeze %dma_start3A_910 : memref<1x16x2x128xf32, #tpu.memory_space<vmem>> -> memref<16x2x128xf32, #tpu.memory_space<vmem>>
        %dma_start3A_912 = tpu.memref_reshape %dma_start3A_911 : memref<16x2x128xf32, #tpu.memory_space<vmem>> -> memref<32x128xf32, #tpu.memory_space<vmem>>
        %dma_start3A_913 = tpu.memref_slice %arg9[%mul3A_830] : memref<20480xi32, #tpu.memory_space<vmem>> -> memref<32xi32, #tpu.memory_space<vmem>>
        %dma_start3A_914 = arith.constant 0 : i32
        %dma_start3A_915 = arith.constant 0 : i32
        %dma_start3A_916 = tpu.memref_slice %arg13[%dma_start3A_914, %dma_start3A_915] : memref<5120x128xf32, #tpu.memory_space<vmem_shared>> -> memref<5120x128xf32, #tpu.memory_space<vmem_shared>>
        tpu.enqueue_indirect_dma source(%dma_start3A_912 : memref<32x128xf32, #tpu.memory_space<vmem>>) target(%dma_start3A_916 : memref<5120x128xf32, #tpu.memory_space<vmem_shared>>) offsets(%dma_start3A_913 : memref<32xi32, #tpu.memory_space<vmem>>) semaphore(%run_scoped3A_906 : memref<!tpu.dma_semaphore, #tpu.memory_space<semaphore_mem>>) {add = true}
        %dma_wait3A_917 = arith.constant 0 : i32
        %dma_wait3A_918 = arith.constant 0 : i32
        %dma_wait3A_919 = arith.constant 0 : i32
        %dma_wait3A_920 = tpu.memref_slice %arg10[%run_scoped3A_831, %dma_wait3A_917, %dma_wait3A_918, %dma_wait3A_919] : memref<4x16x2x128xf32, #tpu.memory_space<vmem>> -> memref<1x16x2x128xf32, #tpu.memory_space<vmem>>
        %dma_wait3A_921 = tpu.memref_squeeze %dma_wait3A_920 : memref<1x16x2x128xf32, #tpu.memory_space<vmem>> -> memref<16x2x128xf32, #tpu.memory_space<vmem>>
        %dma_wait3A_922 = tpu.memref_reshape %dma_wait3A_921 : memref<16x2x128xf32, #tpu.memory_space<vmem>> -> memref<32x128xf32, #tpu.memory_space<vmem>>
        %dma_wait3A_923 = tpu.memref_slice %arg9[%mul3A_830] : memref<20480xi32, #tpu.memory_space<vmem>> -> memref<32xi32, #tpu.memory_space<vmem>>
        %dma_wait3A_924 = arith.constant 0 : i32
        %dma_wait3A_925 = arith.constant 0 : i32
        %dma_wait3A_926 = tpu.memref_slice %arg13[%dma_wait3A_924, %dma_wait3A_925] : memref<5120x128xf32, #tpu.memory_space<vmem_shared>> -> memref<5120x128xf32, #tpu.memory_space<vmem_shared>>
        tpu.wait_indirect_dma semaphore(%run_scoped3A_906 : memref<!tpu.dma_semaphore, #tpu.memory_space<semaphore_mem>>) src(%dma_wait3A_922 : memref<32x128xf32, #tpu.memory_space<vmem>>) dst(%dma_wait3A_926 : memref<5120x128xf32, #tpu.memory_space<vmem_shared>>)
        tpu.yield
      }) : () -> ()
      %add3A_832 = arith.constant 1 : i32
      %add3A_833 = arith.addi %while3A_771, %add3A_832 : i32
      %lt3A_834 = arith.cmpi slt, %add3A_833, %select_n3A : i32
      %convert_element_type3A_835 = arith.extui %lt3A_834 : i1 to i32
      %cond3A_836 = arith.constant 0 : i32
      %cond3A_837 = arith.cmpi ne, %convert_element_type3A_835, %cond3A_836 : i32
      scf.if %cond3A_837 {
        %add3A_906 = arith.constant 1 : i32
        %add3A_907 = arith.addi %while3A_771, %add3A_906 : i32
        %mul3A_908 = arith.constant 4 : i32
        %mul3A_909 = arith.muli %mul3A_908, %add3A_907 : i32
        %add3A_910 = arith.constant 1 : i32
        %add3A_911 = arith.addi %mul3A_909, %add3A_910 : i32
        %mul3A_912 = arith.constant 16 : i32
        %mul3A_913 = arith.muli %add3A_911, %mul3A_912 : i32
        %dma_start3A_914 = arith.constant 1 : i32
        %dma_start3A_915 = arith.constant 0 : i32
        %dma_start3A_916 = arith.constant 0 : i32
        %dma_start3A_917 = arith.constant 0 : i32
        %dma_start3A_918 = tpu.memref_slice %arg10[%dma_start3A_914, %dma_start3A_915, %dma_start3A_916, %dma_start3A_917] : memref<4x16x2x128xf32, #tpu.memory_space<vmem>> -> memref<1x16x2x128xf32, #tpu.memory_space<vmem>>
        %dma_start3A_919 = tpu.memref_squeeze %dma_start3A_918 : memref<1x16x2x128xf32, #tpu.memory_space<vmem>> -> memref<16x2x128xf32, #tpu.memory_space<vmem>>
        %dma_start3A_920 = tpu.memref_slice %arg8[%mul3A_913] : memref<10240xi32, #tpu.memory_space<vmem>> -> memref<16xi32, #tpu.memory_space<vmem>>
        %dma_start3A_921 = arith.constant 0 : i32
        %dma_start3A_922 = arith.constant 0 : i32
        %dma_start3A_923 = arith.constant 0 : i32
        %dma_start3A_924 = tpu.memref_slice %arg4[%dma_start3A_921, %dma_start3A_922, %dma_start3A_923] : memref<10000x2x128xf32, #tpu.memory_space<hbm>> -> memref<10000x2x128xf32, #tpu.memory_space<hbm>>
        tpu.enqueue_indirect_dma source(%dma_start3A_924 : memref<10000x2x128xf32, #tpu.memory_space<hbm>>) target(%dma_start3A_919 : memref<16x2x128xf32, #tpu.memory_space<vmem>>) offsets(%dma_start3A_920 : memref<16xi32, #tpu.memory_space<vmem>>) semaphore(%arg15 : memref<!tpu.dma_semaphore, #tpu.memory_space<semaphore_mem>>)
      } else {
      }
      %dma_wait3A_838 = arith.constant 2 : i32
      %dma_wait3A_839 = arith.constant 0 : i32
      %dma_wait3A_840 = arith.constant 0 : i32
      %dma_wait3A_841 = arith.constant 0 : i32
      %dma_wait3A_842 = tpu.memref_slice %arg10[%dma_wait3A_838, %dma_wait3A_839, %dma_wait3A_840, %dma_wait3A_841] : memref<4x16x2x128xf32, #tpu.memory_space<vmem>> -> memref<1x16x2x128xf32, #tpu.memory_space<vmem>>
      %dma_wait3A_843 = tpu.memref_squeeze %dma_wait3A_842 : memref<1x16x2x128xf32, #tpu.memory_space<vmem>> -> memref<16x2x128xf32, #tpu.memory_space<vmem>>
      %dma_wait3A_844 = arith.constant 0 : i32
      %dma_wait3A_845 = arith.constant 0 : i32
      %dma_wait3A_846 = arith.constant 0 : i32
      %dma_wait3A_847 = tpu.memref_slice %arg4[%dma_wait3A_844, %dma_wait3A_845, %dma_wait3A_846] : memref<10000x2x128xf32, #tpu.memory_space<hbm>> -> memref<16x2x128xf32, #tpu.memory_space<hbm>>
      %dma_wait3A_848 = arith.constant 0 : i32
      %dma_wait3A_849 = arith.constant 0 : i32
      %dma_wait3A_850 = arith.constant 0 : i32
      %dma_wait3A_851 = tpu.memref_slice %arg10[%dma_wait3A_838, %dma_wait3A_848, %dma_wait3A_849, %dma_wait3A_850] : memref<4x16x2x128xf32, #tpu.memory_space<vmem>> -> memref<1x16x2x128xf32, #tpu.memory_space<vmem>>
      %dma_wait3A_852 = tpu.memref_squeeze %dma_wait3A_851 : memref<1x16x2x128xf32, #tpu.memory_space<vmem>> -> memref<16x2x128xf32, #tpu.memory_space<vmem>>
      %dma_wait3A_853 = arith.constant 0 : i32
      %dma_wait3A_854 = arith.constant 0 : i32
      %dma_wait3A_855 = arith.constant 0 : i32
      %dma_wait3A_856 = tpu.memref_slice %arg4[%dma_wait3A_853, %dma_wait3A_854, %dma_wait3A_855] : memref<10000x2x128xf32, #tpu.memory_space<hbm>> -> memref<16x2x128xf32, #tpu.memory_space<hbm>>
      tpu.wait_dma2 semaphore(%arg16 : memref<!tpu.dma_semaphore, #tpu.memory_space<semaphore_mem>>) src(%dma_wait3A_856 : memref<16x2x128xf32, #tpu.memory_space<hbm>>) dst(%dma_wait3A_852 : memref<16x2x128xf32, #tpu.memory_space<vmem>>)
      %mul3A_857 = arith.constant 4 : i32
      %mul3A_858 = arith.muli %mul3A_857, %while3A_771 : i32
      %add3A_859 = arith.constant 2 : i32
      %add3A_860 = arith.addi %mul3A_858, %add3A_859 : i32
      %mul3A_861 = arith.constant 16 : i32
      %mul3A_862 = arith.muli %add3A_860, %mul3A_861 : i32
      %mul3A_863 = arith.constant 2 : i32
      %mul3A_864 = arith.muli %mul3A_863, %mul3A_862 : i32
      %run_scoped3A_865 = arith.constant 2 : i32
      "tpu.region"() ({
        %run_scoped3A_906 = tpu.sem_alloc : memref<!tpu.dma_semaphore, #tpu.memory_space<semaphore_mem>>
        %dma_start3A_907 = arith.constant 0 : i32
        %dma_start3A_908 = arith.constant 0 : i32
        %dma_start3A_909 = arith.constant 0 : i32
        %dma_start3A_910 = tpu.memref_slice %arg10[%run_scoped3A_865, %dma_start3A_907, %dma_start3A_908, %dma_start3A_909] : memref<4x16x2x128xf32, #tpu.memory_space<vmem>> -> memref<1x16x2x128xf32, #tpu.memory_space<vmem>>
        %dma_start3A_911 = tpu.memref_squeeze %dma_start3A_910 : memref<1x16x2x128xf32, #tpu.memory_space<vmem>> -> memref<16x2x128xf32, #tpu.memory_space<vmem>>
        %dma_start3A_912 = tpu.memref_reshape %dma_start3A_911 : memref<16x2x128xf32, #tpu.memory_space<vmem>> -> memref<32x128xf32, #tpu.memory_space<vmem>>
        %dma_start3A_913 = tpu.memref_slice %arg9[%mul3A_864] : memref<20480xi32, #tpu.memory_space<vmem>> -> memref<32xi32, #tpu.memory_space<vmem>>
        %dma_start3A_914 = arith.constant 0 : i32
        %dma_start3A_915 = arith.constant 0 : i32
        %dma_start3A_916 = tpu.memref_slice %arg13[%dma_start3A_914, %dma_start3A_915] : memref<5120x128xf32, #tpu.memory_space<vmem_shared>> -> memref<5120x128xf32, #tpu.memory_space<vmem_shared>>
        tpu.enqueue_indirect_dma source(%dma_start3A_912 : memref<32x128xf32, #tpu.memory_space<vmem>>) target(%dma_start3A_916 : memref<5120x128xf32, #tpu.memory_space<vmem_shared>>) offsets(%dma_start3A_913 : memref<32xi32, #tpu.memory_space<vmem>>) semaphore(%run_scoped3A_906 : memref<!tpu.dma_semaphore, #tpu.memory_space<semaphore_mem>>) {add = true}
        %dma_wait3A_917 = arith.constant 0 : i32
        %dma_wait3A_918 = arith.constant 0 : i32
        %dma_wait3A_919 = arith.constant 0 : i32
        %dma_wait3A_920 = tpu.memref_slice %arg10[%run_scoped3A_865, %dma_wait3A_917, %dma_wait3A_918, %dma_wait3A_919] : memref<4x16x2x128xf32, #tpu.memory_space<vmem>> -> memref<1x16x2x128xf32, #tpu.memory_space<vmem>>
        %dma_wait3A_921 = tpu.memref_squeeze %dma_wait3A_920 : memref<1x16x2x128xf32, #tpu.memory_space<vmem>> -> memref<16x2x128xf32, #tpu.memory_space<vmem>>
        %dma_wait3A_922 = tpu.memref_reshape %dma_wait3A_921 : memref<16x2x128xf32, #tpu.memory_space<vmem>> -> memref<32x128xf32, #tpu.memory_space<vmem>>
        %dma_wait3A_923 = tpu.memref_slice %arg9[%mul3A_864] : memref<20480xi32, #tpu.memory_space<vmem>> -> memref<32xi32, #tpu.memory_space<vmem>>
        %dma_wait3A_924 = arith.constant 0 : i32
        %dma_wait3A_925 = arith.constant 0 : i32
        %dma_wait3A_926 = tpu.memref_slice %arg13[%dma_wait3A_924, %dma_wait3A_925] : memref<5120x128xf32, #tpu.memory_space<vmem_shared>> -> memref<5120x128xf32, #tpu.memory_space<vmem_shared>>
        tpu.wait_indirect_dma semaphore(%run_scoped3A_906 : memref<!tpu.dma_semaphore, #tpu.memory_space<semaphore_mem>>) src(%dma_wait3A_922 : memref<32x128xf32, #tpu.memory_space<vmem>>) dst(%dma_wait3A_926 : memref<5120x128xf32, #tpu.memory_space<vmem_shared>>)
        tpu.yield
      }) : () -> ()
      %add3A_866 = arith.constant 1 : i32
      %add3A_867 = arith.addi %while3A_771, %add3A_866 : i32
      %lt3A_868 = arith.cmpi slt, %add3A_867, %select_n3A : i32
      %convert_element_type3A_869 = arith.extui %lt3A_868 : i1 to i32
      %cond3A_870 = arith.constant 0 : i32
      %cond3A_871 = arith.cmpi ne, %convert_element_type3A_869, %cond3A_870 : i32
      scf.if %cond3A_871 {
        %add3A_906 = arith.constant 1 : i32
        %add3A_907 = arith.addi %while3A_771, %add3A_906 : i32
        %mul3A_908 = arith.constant 4 : i32
        %mul3A_909 = arith.muli %mul3A_908, %add3A_907 : i32
        %add3A_910 = arith.constant 2 : i32
        %add3A_911 = arith.addi %mul3A_909, %add3A_910 : i32
        %mul3A_912 = arith.constant 16 : i32
        %mul3A_913 = arith.muli %add3A_911, %mul3A_912 : i32
        %dma_start3A_914 = arith.constant 2 : i32
        %dma_start3A_915 = arith.constant 0 : i32
        %dma_start3A_916 = arith.constant 0 : i32
        %dma_start3A_917 = arith.constant 0 : i32
        %dma_start3A_918 = tpu.memref_slice %arg10[%dma_start3A_914, %dma_start3A_915, %dma_start3A_916, %dma_start3A_917] : memref<4x16x2x128xf32, #tpu.memory_space<vmem>> -> memref<1x16x2x128xf32, #tpu.memory_space<vmem>>
        %dma_start3A_919 = tpu.memref_squeeze %dma_start3A_918 : memref<1x16x2x128xf32, #tpu.memory_space<vmem>> -> memref<16x2x128xf32, #tpu.memory_space<vmem>>
        %dma_start3A_920 = tpu.memref_slice %arg8[%mul3A_913] : memref<10240xi32, #tpu.memory_space<vmem>> -> memref<16xi32, #tpu.memory_space<vmem>>
        %dma_start3A_921 = arith.constant 0 : i32
        %dma_start3A_922 = arith.constant 0 : i32
        %dma_start3A_923 = arith.constant 0 : i32
        %dma_start3A_924 = tpu.memref_slice %arg4[%dma_start3A_921, %dma_start3A_922, %dma_start3A_923] : memref<10000x2x128xf32, #tpu.memory_space<hbm>> -> memref<10000x2x128xf32, #tpu.memory_space<hbm>>
        tpu.enqueue_indirect_dma source(%dma_start3A_924 : memref<10000x2x128xf32, #tpu.memory_space<hbm>>) target(%dma_start3A_919 : memref<16x2x128xf32, #tpu.memory_space<vmem>>) offsets(%dma_start3A_920 : memref<16xi32, #tpu.memory_space<vmem>>) semaphore(%arg16 : memref<!tpu.dma_semaphore, #tpu.memory_space<semaphore_mem>>)
      } else {
      }
      %dma_wait3A_872 = arith.constant 3 : i32
      %dma_wait3A_873 = arith.constant 0 : i32
      %dma_wait3A_874 = arith.constant 0 : i32
      %dma_wait3A_875 = arith.constant 0 : i32
      %dma_wait3A_876 = tpu.memref_slice %arg10[%dma_wait3A_872, %dma_wait3A_873, %dma_wait3A_874, %dma_wait3A_875] : memref<4x16x2x128xf32, #tpu.memory_space<vmem>> -> memref<1x16x2x128xf32, #tpu.memory_space<vmem>>
      %dma_wait3A_877 = tpu.memref_squeeze %dma_wait3A_876 : memref<1x16x2x128xf32, #tpu.memory_space<vmem>> -> memref<16x2x128xf32, #tpu.memory_space<vmem>>
      %dma_wait3A_878 = arith.constant 0 : i32
      %dma_wait3A_879 = arith.constant 0 : i32
      %dma_wait3A_880 = arith.constant 0 : i32
      %dma_wait3A_881 = tpu.memref_slice %arg4[%dma_wait3A_878, %dma_wait3A_879, %dma_wait3A_880] : memref<10000x2x128xf32, #tpu.memory_space<hbm>> -> memref<16x2x128xf32, #tpu.memory_space<hbm>>
      %dma_wait3A_882 = arith.constant 0 : i32
      %dma_wait3A_883 = arith.constant 0 : i32
      %dma_wait3A_884 = arith.constant 0 : i32
      %dma_wait3A_885 = tpu.memref_slice %arg10[%dma_wait3A_872, %dma_wait3A_882, %dma_wait3A_883, %dma_wait3A_884] : memref<4x16x2x128xf32, #tpu.memory_space<vmem>> -> memref<1x16x2x128xf32, #tpu.memory_space<vmem>>
      %dma_wait3A_886 = tpu.memref_squeeze %dma_wait3A_885 : memref<1x16x2x128xf32, #tpu.memory_space<vmem>> -> memref<16x2x128xf32, #tpu.memory_space<vmem>>
      %dma_wait3A_887 = arith.constant 0 : i32
      %dma_wait3A_888 = arith.constant 0 : i32
      %dma_wait3A_889 = arith.constant 0 : i32
      %dma_wait3A_890 = tpu.memref_slice %arg4[%dma_wait3A_887, %dma_wait3A_888, %dma_wait3A_889] : memref<10000x2x128xf32, #tpu.memory_space<hbm>> -> memref<16x2x128xf32, #tpu.memory_space<hbm>>
      tpu.wait_dma2 semaphore(%arg17 : memref<!tpu.dma_semaphore, #tpu.memory_space<semaphore_mem>>) src(%dma_wait3A_890 : memref<16x2x128xf32, #tpu.memory_space<hbm>>) dst(%dma_wait3A_886 : memref<16x2x128xf32, #tpu.memory_space<vmem>>)
      %mul3A_891 = arith.constant 4 : i32
      %mul3A_892 = arith.muli %mul3A_891, %while3A_771 : i32
      %add3A_893 = arith.constant 3 : i32
      %add3A_894 = arith.addi %mul3A_892, %add3A_893 : i32
      %mul3A_895 = arith.constant 16 : i32
      %mul3A_896 = arith.muli %add3A_894, %mul3A_895 : i32
      %mul3A_897 = arith.constant 2 : i32
      %mul3A_898 = arith.muli %mul3A_897, %mul3A_896 : i32
      %run_scoped3A_899 = arith.constant 3 : i32
      "tpu.region"() ({
        %run_scoped3A_906 = tpu.sem_alloc : memref<!tpu.dma_semaphore, #tpu.memory_space<semaphore_mem>>
        %dma_start3A_907 = arith.constant 0 : i32
        %dma_start3A_908 = arith.constant 0 : i32
        %dma_start3A_909 = arith.constant 0 : i32
        %dma_start3A_910 = tpu.memref_slice %arg10[%run_scoped3A_899, %dma_start3A_907, %dma_start3A_908, %dma_start3A_909] : memref<4x16x2x128xf32, #tpu.memory_space<vmem>> -> memref<1x16x2x128xf32, #tpu.memory_space<vmem>>
        %dma_start3A_911 = tpu.memref_squeeze %dma_start3A_910 : memref<1x16x2x128xf32, #tpu.memory_space<vmem>> -> memref<16x2x128xf32, #tpu.memory_space<vmem>>
        %dma_start3A_912 = tpu.memref_reshape %dma_start3A_911 : memref<16x2x128xf32, #tpu.memory_space<vmem>> -> memref<32x128xf32, #tpu.memory_space<vmem>>
        %dma_start3A_913 = tpu.memref_slice %arg9[%mul3A_898] : memref<20480xi32, #tpu.memory_space<vmem>> -> memref<32xi32, #tpu.memory_space<vmem>>
        %dma_start3A_914 = arith.constant 0 : i32
        %dma_start3A_915 = arith.constant 0 : i32
        %dma_start3A_916 = tpu.memref_slice %arg13[%dma_start3A_914, %dma_start3A_915] : memref<5120x128xf32, #tpu.memory_space<vmem_shared>> -> memref<5120x128xf32, #tpu.memory_space<vmem_shared>>
        tpu.enqueue_indirect_dma source(%dma_start3A_912 : memref<32x128xf32, #tpu.memory_space<vmem>>) target(%dma_start3A_916 : memref<5120x128xf32, #tpu.memory_space<vmem_shared>>) offsets(%dma_start3A_913 : memref<32xi32, #tpu.memory_space<vmem>>) semaphore(%run_scoped3A_906 : memref<!tpu.dma_semaphore, #tpu.memory_space<semaphore_mem>>) {add = true}
        %dma_wait3A_917 = arith.constant 0 : i32
        %dma_wait3A_918 = arith.constant 0 : i32
        %dma_wait3A_919 = arith.constant 0 : i32
        %dma_wait3A_920 = tpu.memref_slice %arg10[%run_scoped3A_899, %dma_wait3A_917, %dma_wait3A_918, %dma_wait3A_919] : memref<4x16x2x128xf32, #tpu.memory_space<vmem>> -> memref<1x16x2x128xf32, #tpu.memory_space<vmem>>
        %dma_wait3A_921 = tpu.memref_squeeze %dma_wait3A_920 : memref<1x16x2x128xf32, #tpu.memory_space<vmem>> -> memref<16x2x128xf32, #tpu.memory_space<vmem>>
        %dma_wait3A_922 = tpu.memref_reshape %dma_wait3A_921 : memref<16x2x128xf32, #tpu.memory_space<vmem>> -> memref<32x128xf32, #tpu.memory_space<vmem>>
        %dma_wait3A_923 = tpu.memref_slice %arg9[%mul3A_898] : memref<20480xi32, #tpu.memory_space<vmem>> -> memref<32xi32, #tpu.memory_space<vmem>>
        %dma_wait3A_924 = arith.constant 0 : i32
        %dma_wait3A_925 = arith.constant 0 : i32
        %dma_wait3A_926 = tpu.memref_slice %arg13[%dma_wait3A_924, %dma_wait3A_925] : memref<5120x128xf32, #tpu.memory_space<vmem_shared>> -> memref<5120x128xf32, #tpu.memory_space<vmem_shared>>
        tpu.wait_indirect_dma semaphore(%run_scoped3A_906 : memref<!tpu.dma_semaphore, #tpu.memory_space<semaphore_mem>>) src(%dma_wait3A_922 : memref<32x128xf32, #tpu.memory_space<vmem>>) dst(%dma_wait3A_926 : memref<5120x128xf32, #tpu.memory_space<vmem_shared>>)
        tpu.yield
      }) : () -> ()
      %add3A_900 = arith.constant 1 : i32
      %add3A_901 = arith.addi %while3A_771, %add3A_900 : i32
      %lt3A_902 = arith.cmpi slt, %add3A_901, %select_n3A : i32
      %convert_element_type3A_903 = arith.extui %lt3A_902 : i1 to i32
      %cond3A_904 = arith.constant 0 : i32
      %cond3A_905 = arith.cmpi ne, %convert_element_type3A_903, %cond3A_904 : i32
      scf.if %cond3A_905 {
        %add3A_906 = arith.constant 1 : i32
        %add3A_907 = arith.addi %while3A_771, %add3A_906 : i32
        %mul3A_908 = arith.constant 4 : i32
        %mul3A_909 = arith.muli %mul3A_908, %add3A_907 : i32
        %add3A_910 = arith.constant 3 : i32
        %add3A_911 = arith.addi %mul3A_909, %add3A_910 : i32
        %mul3A_912 = arith.constant 16 : i32
        %mul3A_913 = arith.muli %add3A_911, %mul3A_912 : i32
        %dma_start3A_914 = arith.constant 3 : i32
        %dma_start3A_915 = arith.constant 0 : i32
        %dma_start3A_916 = arith.constant 0 : i32
        %dma_start3A_917 = arith.constant 0 : i32
        %dma_start3A_918 = tpu.memref_slice %arg10[%dma_start3A_914, %dma_start3A_915, %dma_start3A_916, %dma_start3A_917] : memref<4x16x2x128xf32, #tpu.memory_space<vmem>> -> memref<1x16x2x128xf32, #tpu.memory_space<vmem>>
        %dma_start3A_919 = tpu.memref_squeeze %dma_start3A_918 : memref<1x16x2x128xf32, #tpu.memory_space<vmem>> -> memref<16x2x128xf32, #tpu.memory_space<vmem>>
        %dma_start3A_920 = tpu.memref_slice %arg8[%mul3A_913] : memref<10240xi32, #tpu.memory_space<vmem>> -> memref<16xi32, #tpu.memory_space<vmem>>
        %dma_start3A_921 = arith.constant 0 : i32
        %dma_start3A_922 = arith.constant 0 : i32
        %dma_start3A_923 = arith.constant 0 : i32
        %dma_start3A_924 = tpu.memref_slice %arg4[%dma_start3A_921, %dma_start3A_922, %dma_start3A_923] : memref<10000x2x128xf32, #tpu.memory_space<hbm>> -> memref<10000x2x128xf32, #tpu.memory_space<hbm>>
        tpu.enqueue_indirect_dma source(%dma_start3A_924 : memref<10000x2x128xf32, #tpu.memory_space<hbm>>) target(%dma_start3A_919 : memref<16x2x128xf32, #tpu.memory_space<vmem>>) offsets(%dma_start3A_920 : memref<16xi32, #tpu.memory_space<vmem>>) semaphore(%arg17 : memref<!tpu.dma_semaphore, #tpu.memory_space<semaphore_mem>>)
      } else {
      }
    }
    %while3A_479 = arith.constant 1 : i32
    scf.for %while3A_771 = %while3A_477 to %while3A_473 step %while3A_479  : i32 {
      %dma_wait3A_772 = arith.constant 0 : i32
      %dma_wait3A_773 = arith.constant 0 : i32
      %dma_wait3A_774 = arith.constant 0 : i32
      %dma_wait3A_775 = arith.constant 0 : i32
      %dma_wait3A_776 = tpu.memref_slice %arg10[%dma_wait3A_772, %dma_wait3A_773, %dma_wait3A_774, %dma_wait3A_775] : memref<4x16x2x128xf32, #tpu.memory_space<vmem>> -> memref<1x16x2x128xf32, #tpu.memory_space<vmem>>
      %dma_wait3A_777 = tpu.memref_squeeze %dma_wait3A_776 : memref<1x16x2x128xf32, #tpu.memory_space<vmem>> -> memref<16x2x128xf32, #tpu.memory_space<vmem>>
      %dma_wait3A_778 = arith.constant 0 : i32
      %dma_wait3A_779 = arith.constant 0 : i32
      %dma_wait3A_780 = arith.constant 0 : i32
      %dma_wait3A_781 = tpu.memref_slice %arg4[%dma_wait3A_778, %dma_wait3A_779, %dma_wait3A_780] : memref<10000x2x128xf32, #tpu.memory_space<hbm>> -> memref<16x2x128xf32, #tpu.memory_space<hbm>>
      %dma_wait3A_782 = arith.constant 0 : i32
      %dma_wait3A_783 = arith.constant 0 : i32
      %dma_wait3A_784 = arith.constant 0 : i32
      %dma_wait3A_785 = tpu.memref_slice %arg10[%dma_wait3A_772, %dma_wait3A_782, %dma_wait3A_783, %dma_wait3A_784] : memref<4x16x2x128xf32, #tpu.memory_space<vmem>> -> memref<1x16x2x128xf32, #tpu.memory_space<vmem>>
      %dma_wait3A_786 = tpu.memref_squeeze %dma_wait3A_785 : memref<1x16x2x128xf32, #tpu.memory_space<vmem>> -> memref<16x2x128xf32, #tpu.memory_space<vmem>>
      %dma_wait3A_787 = arith.constant 0 : i32
      %dma_wait3A_788 = arith.constant 0 : i32
      %dma_wait3A_789 = arith.constant 0 : i32
      %dma_wait3A_790 = tpu.memref_slice %arg4[%dma_wait3A_787, %dma_wait3A_788, %dma_wait3A_789] : memref<10000x2x128xf32, #tpu.memory_space<hbm>> -> memref<16x2x128xf32, #tpu.memory_space<hbm>>
      tpu.wait_dma2 semaphore(%arg14 : memref<!tpu.dma_semaphore, #tpu.memory_space<semaphore_mem>>) src(%dma_wait3A_790 : memref<16x2x128xf32, #tpu.memory_space<hbm>>) dst(%dma_wait3A_786 : memref<16x2x128xf32, #tpu.memory_space<vmem>>)
      %mul3A_791 = arith.constant 4 : i32
      %mul3A_792 = arith.muli %mul3A_791, %while3A_771 : i32
      %add3A_793 = arith.constant 0 : i32
      %add3A_794 = arith.addi %mul3A_792, %add3A_793 : i32
      %mul3A_795 = arith.constant 16 : i32
      %mul3A_796 = arith.muli %add3A_794, %mul3A_795 : i32
      %mul3A_797 = arith.constant 2 : i32
      %mul3A_798 = arith.muli %mul3A_797, %mul3A_796 : i32
      %run_scoped3A = arith.constant 0 : i32
      "tpu.region"() ({
        %run_scoped3A_906 = tpu.sem_alloc : memref<!tpu.dma_semaphore, #tpu.memory_space<semaphore_mem>>
        %dma_start3A_907 = arith.constant 0 : i32
        %dma_start3A_908 = arith.constant 0 : i32
        %dma_start3A_909 = arith.constant 0 : i32
        %dma_start3A_910 = tpu.memref_slice %arg10[%run_scoped3A, %dma_start3A_907, %dma_start3A_908, %dma_start3A_909] : memref<4x16x2x128xf32, #tpu.memory_space<vmem>> -> memref<1x16x2x128xf32, #tpu.memory_space<vmem>>
        %dma_start3A_911 = tpu.memref_squeeze %dma_start3A_910 : memref<1x16x2x128xf32, #tpu.memory_space<vmem>> -> memref<16x2x128xf32, #tpu.memory_space<vmem>>
        %dma_start3A_912 = tpu.memref_reshape %dma_start3A_911 : memref<16x2x128xf32, #tpu.memory_space<vmem>> -> memref<32x128xf32, #tpu.memory_space<vmem>>
        %dma_start3A_913 = tpu.memref_slice %arg9[%mul3A_798] : memref<20480xi32, #tpu.memory_space<vmem>> -> memref<32xi32, #tpu.memory_space<vmem>>
        %dma_start3A_914 = arith.constant 0 : i32
        %dma_start3A_915 = arith.constant 0 : i32
        %dma_start3A_916 = tpu.memref_slice %arg13[%dma_start3A_914, %dma_start3A_915] : memref<5120x128xf32, #tpu.memory_space<vmem_shared>> -> memref<5120x128xf32, #tpu.memory_space<vmem_shared>>
        tpu.enqueue_indirect_dma source(%dma_start3A_912 : memref<32x128xf32, #tpu.memory_space<vmem>>) target(%dma_start3A_916 : memref<5120x128xf32, #tpu.memory_space<vmem_shared>>) offsets(%dma_start3A_913 : memref<32xi32, #tpu.memory_space<vmem>>) semaphore(%run_scoped3A_906 : memref<!tpu.dma_semaphore, #tpu.memory_space<semaphore_mem>>) {add = true}
        %dma_wait3A_917 = arith.constant 0 : i32
        %dma_wait3A_918 = arith.constant 0 : i32
        %dma_wait3A_919 = arith.constant 0 : i32
        %dma_wait3A_920 = tpu.memref_slice %arg10[%run_scoped3A, %dma_wait3A_917, %dma_wait3A_918, %dma_wait3A_919] : memref<4x16x2x128xf32, #tpu.memory_space<vmem>> -> memref<1x16x2x128xf32, #tpu.memory_space<vmem>>
        %dma_wait3A_921 = tpu.memref_squeeze %dma_wait3A_920 : memref<1x16x2x128xf32, #tpu.memory_space<vmem>> -> memref<16x2x128xf32, #tpu.memory_space<vmem>>
        %dma_wait3A_922 = tpu.memref_reshape %dma_wait3A_921 : memref<16x2x128xf32, #tpu.memory_space<vmem>> -> memref<32x128xf32, #tpu.memory_space<vmem>>
        %dma_wait3A_923 = tpu.memref_slice %arg9[%mul3A_798] : memref<20480xi32, #tpu.memory_space<vmem>> -> memref<32xi32, #tpu.memory_space<vmem>>
        %dma_wait3A_924 = arith.constant 0 : i32
        %dma_wait3A_925 = arith.constant 0 : i32
        %dma_wait3A_926 = tpu.memref_slice %arg13[%dma_wait3A_924, %dma_wait3A_925] : memref<5120x128xf32, #tpu.memory_space<vmem_shared>> -> memref<5120x128xf32, #tpu.memory_space<vmem_shared>>
        tpu.wait_indirect_dma semaphore(%run_scoped3A_906 : memref<!tpu.dma_semaphore, #tpu.memory_space<semaphore_mem>>) src(%dma_wait3A_922 : memref<32x128xf32, #tpu.memory_space<vmem>>) dst(%dma_wait3A_926 : memref<5120x128xf32, #tpu.memory_space<vmem_shared>>)
        tpu.yield
      }) : () -> ()
      %add3A_799 = arith.constant 1 : i32
      %add3A_800 = arith.addi %while3A_771, %add3A_799 : i32
      %lt3A = arith.cmpi slt, %add3A_800, %select_n3A : i32
      %convert_element_type3A_801 = arith.extui %lt3A : i1 to i32
      %cond3A_802 = arith.constant 0 : i32
      %cond3A_803 = arith.cmpi ne, %convert_element_type3A_801, %cond3A_802 : i32
      scf.if %cond3A_803 {
        %add3A_906 = arith.constant 1 : i32
        %add3A_907 = arith.addi %while3A_771, %add3A_906 : i32
        %mul3A_908 = arith.constant 4 : i32
        %mul3A_909 = arith.muli %mul3A_908, %add3A_907 : i32
        %add3A_910 = arith.constant 0 : i32
        %add3A_911 = arith.addi %mul3A_909, %add3A_910 : i32
        %mul3A_912 = arith.constant 16 : i32
        %mul3A_913 = arith.muli %add3A_911, %mul3A_912 : i32
        %dma_start3A_914 = arith.constant 0 : i32
        %dma_start3A_915 = arith.constant 0 : i32
        %dma_start3A_916 = arith.constant 0 : i32
        %dma_start3A_917 = arith.constant 0 : i32
        %dma_start3A_918 = tpu.memref_slice %arg10[%dma_start3A_914, %dma_start3A_915, %dma_start3A_916, %dma_start3A_917] : memref<4x16x2x128xf32, #tpu.memory_space<vmem>> -> memref<1x16x2x128xf32, #tpu.memory_space<vmem>>
        %dma_start3A_919 = tpu.memref_squeeze %dma_start3A_918 : memref<1x16x2x128xf32, #tpu.memory_space<vmem>> -> memref<16x2x128xf32, #tpu.memory_space<vmem>>
        %dma_start3A_920 = tpu.memref_slice %arg8[%mul3A_913] : memref<10240xi32, #tpu.memory_space<vmem>> -> memref<16xi32, #tpu.memory_space<vmem>>
        %dma_start3A_921 = arith.constant 0 : i32
        %dma_start3A_922 = arith.constant 0 : i32
        %dma_start3A_923 = arith.constant 0 : i32
        %dma_start3A_924 = tpu.memref_slice %arg4[%dma_start3A_921, %dma_start3A_922, %dma_start3A_923] : memref<10000x2x128xf32, #tpu.memory_space<hbm>> -> memref<10000x2x128xf32, #tpu.memory_space<hbm>>
        tpu.enqueue_indirect_dma source(%dma_start3A_924 : memref<10000x2x128xf32, #tpu.memory_space<hbm>>) target(%dma_start3A_919 : memref<16x2x128xf32, #tpu.memory_space<vmem>>) offsets(%dma_start3A_920 : memref<16xi32, #tpu.memory_space<vmem>>) semaphore(%arg14 : memref<!tpu.dma_semaphore, #tpu.memory_space<semaphore_mem>>)
      } else {
      }
      %dma_wait3A_804 = arith.constant 1 : i32
      %dma_wait3A_805 = arith.constant 0 : i32
      %dma_wait3A_806 = arith.constant 0 : i32
      %dma_wait3A_807 = arith.constant 0 : i32
      %dma_wait3A_808 = tpu.memref_slice %arg10[%dma_wait3A_804, %dma_wait3A_805, %dma_wait3A_806, %dma_wait3A_807] : memref<4x16x2x128xf32, #tpu.memory_space<vmem>> -> memref<1x16x2x128xf32, #tpu.memory_space<vmem>>
      %dma_wait3A_809 = tpu.memref_squeeze %dma_wait3A_808 : memref<1x16x2x128xf32, #tpu.memory_space<vmem>> -> memref<16x2x128xf32, #tpu.memory_space<vmem>>
      %dma_wait3A_810 = arith.constant 0 : i32
      %dma_wait3A_811 = arith.constant 0 : i32
      %dma_wait3A_812 = arith.constant 0 : i32
      %dma_wait3A_813 = tpu.memref_slice %arg4[%dma_wait3A_810, %dma_wait3A_811, %dma_wait3A_812] : memref<10000x2x128xf32, #tpu.memory_space<hbm>> -> memref<16x2x128xf32, #tpu.memory_space<hbm>>
      %dma_wait3A_814 = arith.constant 0 : i32
      %dma_wait3A_815 = arith.constant 0 : i32
      %dma_wait3A_816 = arith.constant 0 : i32
      %dma_wait3A_817 = tpu.memref_slice %arg10[%dma_wait3A_804, %dma_wait3A_814, %dma_wait3A_815, %dma_wait3A_816] : memref<4x16x2x128xf32, #tpu.memory_space<vmem>> -> memref<1x16x2x128xf32, #tpu.memory_space<vmem>>
      %dma_wait3A_818 = tpu.memref_squeeze %dma_wait3A_817 : memref<1x16x2x128xf32, #tpu.memory_space<vmem>> -> memref<16x2x128xf32, #tpu.memory_space<vmem>>
      %dma_wait3A_819 = arith.constant 0 : i32
      %dma_wait3A_820 = arith.constant 0 : i32
      %dma_wait3A_821 = arith.constant 0 : i32
      %dma_wait3A_822 = tpu.memref_slice %arg4[%dma_wait3A_819, %dma_wait3A_820, %dma_wait3A_821] : memref<10000x2x128xf32, #tpu.memory_space<hbm>> -> memref<16x2x128xf32, #tpu.memory_space<hbm>>
      tpu.wait_dma2 semaphore(%arg15 : memref<!tpu.dma_semaphore, #tpu.memory_space<semaphore_mem>>) src(%dma_wait3A_822 : memref<16x2x128xf32, #tpu.memory_space<hbm>>) dst(%dma_wait3A_818 : memref<16x2x128xf32, #tpu.memory_space<vmem>>)
      %mul3A_823 = arith.constant 4 : i32
      %mul3A_824 = arith.muli %mul3A_823, %while3A_771 : i32
      %add3A_825 = arith.constant 1 : i32
      %add3A_826 = arith.addi %mul3A_824, %add3A_825 : i32
      %mul3A_827 = arith.constant 16 : i32
      %mul3A_828 = arith.muli %add3A_826, %mul3A_827 : i32
      %mul3A_829 = arith.constant 2 : i32
      %mul3A_830 = arith.muli %mul3A_829, %mul3A_828 : i32
      %run_scoped3A_831 = arith.constant 1 : i32
      "tpu.region"() ({
        %run_scoped3A_906 = tpu.sem_alloc : memref<!tpu.dma_semaphore, #tpu.memory_space<semaphore_mem>>
        %dma_start3A_907 = arith.constant 0 : i32
        %dma_start3A_908 = arith.constant 0 : i32
        %dma_start3A_909 = arith.constant 0 : i32
        %dma_start3A_910 = tpu.memref_slice %arg10[%run_scoped3A_831, %dma_start3A_907, %dma_start3A_908, %dma_start3A_909] : memref<4x16x2x128xf32, #tpu.memory_space<vmem>> -> memref<1x16x2x128xf32, #tpu.memory_space<vmem>>
        %dma_start3A_911 = tpu.memref_squeeze %dma_start3A_910 : memref<1x16x2x128xf32, #tpu.memory_space<vmem>> -> memref<16x2x128xf32, #tpu.memory_space<vmem>>
        %dma_start3A_912 = tpu.memref_reshape %dma_start3A_911 : memref<16x2x128xf32, #tpu.memory_space<vmem>> -> memref<32x128xf32, #tpu.memory_space<vmem>>
        %dma_start3A_913 = tpu.memref_slice %arg9[%mul3A_830] : memref<20480xi32, #tpu.memory_space<vmem>> -> memref<32xi32, #tpu.memory_space<vmem>>
        %dma_start3A_914 = arith.constant 0 : i32
        %dma_start3A_915 = arith.constant 0 : i32
        %dma_start3A_916 = tpu.memref_slice %arg13[%dma_start3A_914, %dma_start3A_915] : memref<5120x128xf32, #tpu.memory_space<vmem_shared>> -> memref<5120x128xf32, #tpu.memory_space<vmem_shared>>
        tpu.enqueue_indirect_dma source(%dma_start3A_912 : memref<32x128xf32, #tpu.memory_space<vmem>>) target(%dma_start3A_916 : memref<5120x128xf32, #tpu.memory_space<vmem_shared>>) offsets(%dma_start3A_913 : memref<32xi32, #tpu.memory_space<vmem>>) semaphore(%run_scoped3A_906 : memref<!tpu.dma_semaphore, #tpu.memory_space<semaphore_mem>>) {add = true}
        %dma_wait3A_917 = arith.constant 0 : i32
        %dma_wait3A_918 = arith.constant 0 : i32
        %dma_wait3A_919 = arith.constant 0 : i32
        %dma_wait3A_920 = tpu.memref_slice %arg10[%run_scoped3A_831, %dma_wait3A_917, %dma_wait3A_918, %dma_wait3A_919] : memref<4x16x2x128xf32, #tpu.memory_space<vmem>> -> memref<1x16x2x128xf32, #tpu.memory_space<vmem>>
        %dma_wait3A_921 = tpu.memref_squeeze %dma_wait3A_920 : memref<1x16x2x128xf32, #tpu.memory_space<vmem>> -> memref<16x2x128xf32, #tpu.memory_space<vmem>>
        %dma_wait3A_922 = tpu.memref_reshape %dma_wait3A_921 : memref<16x2x128xf32, #tpu.memory_space<vmem>> -> memref<32x128xf32, #tpu.memory_space<vmem>>
        %dma_wait3A_923 = tpu.memref_slice %arg9[%mul3A_830] : memref<20480xi32, #tpu.memory_space<vmem>> -> memref<32xi32, #tpu.memory_space<vmem>>
        %dma_wait3A_924 = arith.constant 0 : i32
        %dma_wait3A_925 = arith.constant 0 : i32
        %dma_wait3A_926 = tpu.memref_slice %arg13[%dma_wait3A_924, %dma_wait3A_925] : memref<5120x128xf32, #tpu.memory_space<vmem_shared>> -> memref<5120x128xf32, #tpu.memory_space<vmem_shared>>
        tpu.wait_indirect_dma semaphore(%run_scoped3A_906 : memref<!tpu.dma_semaphore, #tpu.memory_space<semaphore_mem>>) src(%dma_wait3A_922 : memref<32x128xf32, #tpu.memory_space<vmem>>) dst(%dma_wait3A_926 : memref<5120x128xf32, #tpu.memory_space<vmem_shared>>)
        tpu.yield
      }) : () -> ()
      %add3A_832 = arith.constant 1 : i32
      %add3A_833 = arith.addi %while3A_771, %add3A_832 : i32
      %lt3A_834 = arith.cmpi slt, %add3A_833, %select_n3A : i32
      %convert_element_type3A_835 = arith.extui %lt3A_834 : i1 to i32
      %cond3A_836 = arith.constant 0 : i32
      %cond3A_837 = arith.cmpi ne, %convert_element_type3A_835, %cond3A_836 : i32
      scf.if %cond3A_837 {
        %add3A_906 = arith.constant 1 : i32
        %add3A_907 = arith.addi %while3A_771, %add3A_906 : i32
        %mul3A_908 = arith.constant 4 : i32
        %mul3A_909 = arith.muli %mul3A_908, %add3A_907 : i32
        %add3A_910 = arith.constant 1 : i32
        %add3A_911 = arith.addi %mul3A_909, %add3A_910 : i32
        %mul3A_912 = arith.constant 16 : i32
        %mul3A_913 = arith.muli %add3A_911, %mul3A_912 : i32
        %dma_start3A_914 = arith.constant 1 : i32
        %dma_start3A_915 = arith.constant 0 : i32
        %dma_start3A_916 = arith.constant 0 : i32
        %dma_start3A_917 = arith.constant 0 : i32
        %dma_start3A_918 = tpu.memref_slice %arg10[%dma_start3A_914, %dma_start3A_915, %dma_start3A_916, %dma_start3A_917] : memref<4x16x2x128xf32, #tpu.memory_space<vmem>> -> memref<1x16x2x128xf32, #tpu.memory_space<vmem>>
        %dma_start3A_919 = tpu.memref_squeeze %dma_start3A_918 : memref<1x16x2x128xf32, #tpu.memory_space<vmem>> -> memref<16x2x128xf32, #tpu.memory_space<vmem>>
        %dma_start3A_920 = tpu.memref_slice %arg8[%mul3A_913] : memref<10240xi32, #tpu.memory_space<vmem>> -> memref<16xi32, #tpu.memory_space<vmem>>
        %dma_start3A_921 = arith.constant 0 : i32
        %dma_start3A_922 = arith.constant 0 : i32
        %dma_start3A_923 = arith.constant 0 : i32
        %dma_start3A_924 = tpu.memref_slice %arg4[%dma_start3A_921, %dma_start3A_922, %dma_start3A_923] : memref<10000x2x128xf32, #tpu.memory_space<hbm>> -> memref<10000x2x128xf32, #tpu.memory_space<hbm>>
        tpu.enqueue_indirect_dma source(%dma_start3A_924 : memref<10000x2x128xf32, #tpu.memory_space<hbm>>) target(%dma_start3A_919 : memref<16x2x128xf32, #tpu.memory_space<vmem>>) offsets(%dma_start3A_920 : memref<16xi32, #tpu.memory_space<vmem>>) semaphore(%arg15 : memref<!tpu.dma_semaphore, #tpu.memory_space<semaphore_mem>>)
      } else {
      }
      %dma_wait3A_838 = arith.constant 2 : i32
      %dma_wait3A_839 = arith.constant 0 : i32
      %dma_wait3A_840 = arith.constant 0 : i32
      %dma_wait3A_841 = arith.constant 0 : i32
      %dma_wait3A_842 = tpu.memref_slice %arg10[%dma_wait3A_838, %dma_wait3A_839, %dma_wait3A_840, %dma_wait3A_841] : memref<4x16x2x128xf32, #tpu.memory_space<vmem>> -> memref<1x16x2x128xf32, #tpu.memory_space<vmem>>
      %dma_wait3A_843 = tpu.memref_squeeze %dma_wait3A_842 : memref<1x16x2x128xf32, #tpu.memory_space<vmem>> -> memref<16x2x128xf32, #tpu.memory_space<vmem>>
      %dma_wait3A_844 = arith.constant 0 : i32
      %dma_wait3A_845 = arith.constant 0 : i32
      %dma_wait3A_846 = arith.constant 0 : i32
      %dma_wait3A_847 = tpu.memref_slice %arg4[%dma_wait3A_844, %dma_wait3A_845, %dma_wait3A_846] : memref<10000x2x128xf32, #tpu.memory_space<hbm>> -> memref<16x2x128xf32, #tpu.memory_space<hbm>>
      %dma_wait3A_848 = arith.constant 0 : i32
      %dma_wait3A_849 = arith.constant 0 : i32
      %dma_wait3A_850 = arith.constant 0 : i32
      %dma_wait3A_851 = tpu.memref_slice %arg10[%dma_wait3A_838, %dma_wait3A_848, %dma_wait3A_849, %dma_wait3A_850] : memref<4x16x2x128xf32, #tpu.memory_space<vmem>> -> memref<1x16x2x128xf32, #tpu.memory_space<vmem>>
      %dma_wait3A_852 = tpu.memref_squeeze %dma_wait3A_851 : memref<1x16x2x128xf32, #tpu.memory_space<vmem>> -> memref<16x2x128xf32, #tpu.memory_space<vmem>>
      %dma_wait3A_853 = arith.constant 0 : i32
      %dma_wait3A_854 = arith.constant 0 : i32
      %dma_wait3A_855 = arith.constant 0 : i32
      %dma_wait3A_856 = tpu.memref_slice %arg4[%dma_wait3A_853, %dma_wait3A_854, %dma_wait3A_855] : memref<10000x2x128xf32, #tpu.memory_space<hbm>> -> memref<16x2x128xf32, #tpu.memory_space<hbm>>
      tpu.wait_dma2 semaphore(%arg16 : memref<!tpu.dma_semaphore, #tpu.memory_space<semaphore_mem>>) src(%dma_wait3A_856 : memref<16x2x128xf32, #tpu.memory_space<hbm>>) dst(%dma_wait3A_852 : memref<16x2x128xf32, #tpu.memory_space<vmem>>)
      %mul3A_857 = arith.constant 4 : i32
      %mul3A_858 = arith.muli %mul3A_857, %while3A_771 : i32
      %add3A_859 = arith.constant 2 : i32
      %add3A_860 = arith.addi %mul3A_858, %add3A_859 : i32
      %mul3A_861 = arith.constant 16 : i32
      %mul3A_862 = arith.muli %add3A_860, %mul3A_861 : i32
      %mul3A_863 = arith.constant 2 : i32
      %mul3A_864 = arith.muli %mul3A_863, %mul3A_862 : i32
      %run_scoped3A_865 = arith.constant 2 : i32
      "tpu.region"() ({
        %run_scoped3A_906 = tpu.sem_alloc : memref<!tpu.dma_semaphore, #tpu.memory_space<semaphore_mem>>
        %dma_start3A_907 = arith.constant 0 : i32
        %dma_start3A_908 = arith.constant 0 : i32
        %dma_start3A_909 = arith.constant 0 : i32
        %dma_start3A_910 = tpu.memref_slice %arg10[%run_scoped3A_865, %dma_start3A_907, %dma_start3A_908, %dma_start3A_909] : memref<4x16x2x128xf32, #tpu.memory_space<vmem>> -> memref<1x16x2x128xf32, #tpu.memory_space<vmem>>
        %dma_start3A_911 = tpu.memref_squeeze %dma_start3A_910 : memref<1x16x2x128xf32, #tpu.memory_space<vmem>> -> memref<16x2x128xf32, #tpu.memory_space<vmem>>
        %dma_start3A_912 = tpu.memref_reshape %dma_start3A_911 : memref<16x2x128xf32, #tpu.memory_space<vmem>> -> memref<32x128xf32, #tpu.memory_space<vmem>>
        %dma_start3A_913 = tpu.memref_slice %arg9[%mul3A_864] : memref<20480xi32, #tpu.memory_space<vmem>> -> memref<32xi32, #tpu.memory_space<vmem>>
        %dma_start3A_914 = arith.constant 0 : i32
        %dma_start3A_915 = arith.constant 0 : i32
        %dma_start3A_916 = tpu.memref_slice %arg13[%dma_start3A_914, %dma_start3A_915] : memref<5120x128xf32, #tpu.memory_space<vmem_shared>> -> memref<5120x128xf32, #tpu.memory_space<vmem_shared>>
        tpu.enqueue_indirect_dma source(%dma_start3A_912 : memref<32x128xf32, #tpu.memory_space<vmem>>) target(%dma_start3A_916 : memref<5120x128xf32, #tpu.memory_space<vmem_shared>>) offsets(%dma_start3A_913 : memref<32xi32, #tpu.memory_space<vmem>>) semaphore(%run_scoped3A_906 : memref<!tpu.dma_semaphore, #tpu.memory_space<semaphore_mem>>) {add = true}
        %dma_wait3A_917 = arith.constant 0 : i32
        %dma_wait3A_918 = arith.constant 0 : i32
        %dma_wait3A_919 = arith.constant 0 : i32
        %dma_wait3A_920 = tpu.memref_slice %arg10[%run_scoped3A_865, %dma_wait3A_917, %dma_wait3A_918, %dma_wait3A_919] : memref<4x16x2x128xf32, #tpu.memory_space<vmem>> -> memref<1x16x2x128xf32, #tpu.memory_space<vmem>>
        %dma_wait3A_921 = tpu.memref_squeeze %dma_wait3A_920 : memref<1x16x2x128xf32, #tpu.memory_space<vmem>> -> memref<16x2x128xf32, #tpu.memory_space<vmem>>
        %dma_wait3A_922 = tpu.memref_reshape %dma_wait3A_921 : memref<16x2x128xf32, #tpu.memory_space<vmem>> -> memref<32x128xf32, #tpu.memory_space<vmem>>
        %dma_wait3A_923 = tpu.memref_slice %arg9[%mul3A_864] : memref<20480xi32, #tpu.memory_space<vmem>> -> memref<32xi32, #tpu.memory_space<vmem>>
        %dma_wait3A_924 = arith.constant 0 : i32
        %dma_wait3A_925 = arith.constant 0 : i32
        %dma_wait3A_926 = tpu.memref_slice %arg13[%dma_wait3A_924, %dma_wait3A_925] : memref<5120x128xf32, #tpu.memory_space<vmem_shared>> -> memref<5120x128xf32, #tpu.memory_space<vmem_shared>>
        tpu.wait_indirect_dma semaphore(%run_scoped3A_906 : memref<!tpu.dma_semaphore, #tpu.memory_space<semaphore_mem>>) src(%dma_wait3A_922 : memref<32x128xf32, #tpu.memory_space<vmem>>) dst(%dma_wait3A_926 : memref<5120x128xf32, #tpu.memory_space<vmem_shared>>)
        tpu.yield
      }) : () -> ()
      %add3A_866 = arith.constant 1 : i32
      %add3A_867 = arith.addi %while3A_771, %add3A_866 : i32
      %lt3A_868 = arith.cmpi slt, %add3A_867, %select_n3A : i32
      %convert_element_type3A_869 = arith.extui %lt3A_868 : i1 to i32
      %cond3A_870 = arith.constant 0 : i32
      %cond3A_871 = arith.cmpi ne, %convert_element_type3A_869, %cond3A_870 : i32
      scf.if %cond3A_871 {
        %add3A_906 = arith.constant 1 : i32
        %add3A_907 = arith.addi %while3A_771, %add3A_906 : i32
        %mul3A_908 = arith.constant 4 : i32
        %mul3A_909 = arith.muli %mul3A_908, %add3A_907 : i32
        %add3A_910 = arith.constant 2 : i32
        %add3A_911 = arith.addi %mul3A_909, %add3A_910 : i32
        %mul3A_912 = arith.constant 16 : i32
        %mul3A_913 = arith.muli %add3A_911, %mul3A_912 : i32
        %dma_start3A_914 = arith.constant 2 : i32
        %dma_start3A_915 = arith.constant 0 : i32
        %dma_start3A_916 = arith.constant 0 : i32
        %dma_start3A_917 = arith.constant 0 : i32
        %dma_start3A_918 = tpu.memref_slice %arg10[%dma_start3A_914, %dma_start3A_915, %dma_start3A_916, %dma_start3A_917] : memref<4x16x2x128xf32, #tpu.memory_space<vmem>> -> memref<1x16x2x128xf32, #tpu.memory_space<vmem>>
        %dma_start3A_919 = tpu.memref_squeeze %dma_start3A_918 : memref<1x16x2x128xf32, #tpu.memory_space<vmem>> -> memref<16x2x128xf32, #tpu.memory_space<vmem>>
        %dma_start3A_920 = tpu.memref_slice %arg8[%mul3A_913] : memref<10240xi32, #tpu.memory_space<vmem>> -> memref<16xi32, #tpu.memory_space<vmem>>
        %dma_start3A_921 = arith.constant 0 : i32
        %dma_start3A_922 = arith.constant 0 : i32
        %dma_start3A_923 = arith.constant 0 : i32
        %dma_start3A_924 = tpu.memref_slice %arg4[%dma_start3A_921, %dma_start3A_922, %dma_start3A_923] : memref<10000x2x128xf32, #tpu.memory_space<hbm>> -> memref<10000x2x128xf32, #tpu.memory_space<hbm>>
        tpu.enqueue_indirect_dma source(%dma_start3A_924 : memref<10000x2x128xf32, #tpu.memory_space<hbm>>) target(%dma_start3A_919 : memref<16x2x128xf32, #tpu.memory_space<vmem>>) offsets(%dma_start3A_920 : memref<16xi32, #tpu.memory_space<vmem>>) semaphore(%arg16 : memref<!tpu.dma_semaphore, #tpu.memory_space<semaphore_mem>>)
      } else {
      }
      %dma_wait3A_872 = arith.constant 3 : i32
      %dma_wait3A_873 = arith.constant 0 : i32
      %dma_wait3A_874 = arith.constant 0 : i32
      %dma_wait3A_875 = arith.constant 0 : i32
      %dma_wait3A_876 = tpu.memref_slice %arg10[%dma_wait3A_872, %dma_wait3A_873, %dma_wait3A_874, %dma_wait3A_875] : memref<4x16x2x128xf32, #tpu.memory_space<vmem>> -> memref<1x16x2x128xf32, #tpu.memory_space<vmem>>
      %dma_wait3A_877 = tpu.memref_squeeze %dma_wait3A_876 : memref<1x16x2x128xf32, #tpu.memory_space<vmem>> -> memref<16x2x128xf32, #tpu.memory_space<vmem>>
      %dma_wait3A_878 = arith.constant 0 : i32
      %dma_wait3A_879 = arith.constant 0 : i32
      %dma_wait3A_880 = arith.constant 0 : i32
      %dma_wait3A_881 = tpu.memref_slice %arg4[%dma_wait3A_878, %dma_wait3A_879, %dma_wait3A_880] : memref<10000x2x128xf32, #tpu.memory_space<hbm>> -> memref<16x2x128xf32, #tpu.memory_space<hbm>>
      %dma_wait3A_882 = arith.constant 0 : i32
      %dma_wait3A_883 = arith.constant 0 : i32
      %dma_wait3A_884 = arith.constant 0 : i32
      %dma_wait3A_885 = tpu.memref_slice %arg10[%dma_wait3A_872, %dma_wait3A_882, %dma_wait3A_883, %dma_wait3A_884] : memref<4x16x2x128xf32, #tpu.memory_space<vmem>> -> memref<1x16x2x128xf32, #tpu.memory_space<vmem>>
      %dma_wait3A_886 = tpu.memref_squeeze %dma_wait3A_885 : memref<1x16x2x128xf32, #tpu.memory_space<vmem>> -> memref<16x2x128xf32, #tpu.memory_space<vmem>>
      %dma_wait3A_887 = arith.constant 0 : i32
      %dma_wait3A_888 = arith.constant 0 : i32
      %dma_wait3A_889 = arith.constant 0 : i32
      %dma_wait3A_890 = tpu.memref_slice %arg4[%dma_wait3A_887, %dma_wait3A_888, %dma_wait3A_889] : memref<10000x2x128xf32, #tpu.memory_space<hbm>> -> memref<16x2x128xf32, #tpu.memory_space<hbm>>
      tpu.wait_dma2 semaphore(%arg17 : memref<!tpu.dma_semaphore, #tpu.memory_space<semaphore_mem>>) src(%dma_wait3A_890 : memref<16x2x128xf32, #tpu.memory_space<hbm>>) dst(%dma_wait3A_886 : memref<16x2x128xf32, #tpu.memory_space<vmem>>)
      %mul3A_891 = arith.constant 4 : i32
      %mul3A_892 = arith.muli %mul3A_891, %while3A_771 : i32
      %add3A_893 = arith.constant 3 : i32
      %add3A_894 = arith.addi %mul3A_892, %add3A_893 : i32
      %mul3A_895 = arith.constant 16 : i32
      %mul3A_896 = arith.muli %add3A_894, %mul3A_895 : i32
      %mul3A_897 = arith.constant 2 : i32
      %mul3A_898 = arith.muli %mul3A_897, %mul3A_896 : i32
      %run_scoped3A_899 = arith.constant 3 : i32
      "tpu.region"() ({
        %run_scoped3A_906 = tpu.sem_alloc : memref<!tpu.dma_semaphore, #tpu.memory_space<semaphore_mem>>
        %dma_start3A_907 = arith.constant 0 : i32
        %dma_start3A_908 = arith.constant 0 : i32
        %dma_start3A_909 = arith.constant 0 : i32
        %dma_start3A_910 = tpu.memref_slice %arg10[%run_scoped3A_899, %dma_start3A_907, %dma_start3A_908, %dma_start3A_909] : memref<4x16x2x128xf32, #tpu.memory_space<vmem>> -> memref<1x16x2x128xf32, #tpu.memory_space<vmem>>
        %dma_start3A_911 = tpu.memref_squeeze %dma_start3A_910 : memref<1x16x2x128xf32, #tpu.memory_space<vmem>> -> memref<16x2x128xf32, #tpu.memory_space<vmem>>
        %dma_start3A_912 = tpu.memref_reshape %dma_start3A_911 : memref<16x2x128xf32, #tpu.memory_space<vmem>> -> memref<32x128xf32, #tpu.memory_space<vmem>>
        %dma_start3A_913 = tpu.memref_slice %arg9[%mul3A_898] : memref<20480xi32, #tpu.memory_space<vmem>> -> memref<32xi32, #tpu.memory_space<vmem>>
        %dma_start3A_914 = arith.constant 0 : i32
        %dma_start3A_915 = arith.constant 0 : i32
        %dma_start3A_916 = tpu.memref_slice %arg13[%dma_start3A_914, %dma_start3A_915] : memref<5120x128xf32, #tpu.memory_space<vmem_shared>> -> memref<5120x128xf32, #tpu.memory_space<vmem_shared>>
        tpu.enqueue_indirect_dma source(%dma_start3A_912 : memref<32x128xf32, #tpu.memory_space<vmem>>) target(%dma_start3A_916 : memref<5120x128xf32, #tpu.memory_space<vmem_shared>>) offsets(%dma_start3A_913 : memref<32xi32, #tpu.memory_space<vmem>>) semaphore(%run_scoped3A_906 : memref<!tpu.dma_semaphore, #tpu.memory_space<semaphore_mem>>) {add = true}
        %dma_wait3A_917 = arith.constant 0 : i32
        %dma_wait3A_918 = arith.constant 0 : i32
        %dma_wait3A_919 = arith.constant 0 : i32
        %dma_wait3A_920 = tpu.memref_slice %arg10[%run_scoped3A_899, %dma_wait3A_917, %dma_wait3A_918, %dma_wait3A_919] : memref<4x16x2x128xf32, #tpu.memory_space<vmem>> -> memref<1x16x2x128xf32, #tpu.memory_space<vmem>>
        %dma_wait3A_921 = tpu.memref_squeeze %dma_wait3A_920 : memref<1x16x2x128xf32, #tpu.memory_space<vmem>> -> memref<16x2x128xf32, #tpu.memory_space<vmem>>
        %dma_wait3A_922 = tpu.memref_reshape %dma_wait3A_921 : memref<16x2x128xf32, #tpu.memory_space<vmem>> -> memref<32x128xf32, #tpu.memory_space<vmem>>
        %dma_wait3A_923 = tpu.memref_slice %arg9[%mul3A_898] : memref<20480xi32, #tpu.memory_space<vmem>> -> memref<32xi32, #tpu.memory_space<vmem>>
        %dma_wait3A_924 = arith.constant 0 : i32
        %dma_wait3A_925 = arith.constant 0 : i32
        %dma_wait3A_926 = tpu.memref_slice %arg13[%dma_wait3A_924, %dma_wait3A_925] : memref<5120x128xf32, #tpu.memory_space<vmem_shared>> -> memref<5120x128xf32, #tpu.memory_space<vmem_shared>>
        tpu.wait_indirect_dma semaphore(%run_scoped3A_906 : memref<!tpu.dma_semaphore, #tpu.memory_space<semaphore_mem>>) src(%dma_wait3A_922 : memref<32x128xf32, #tpu.memory_space<vmem>>) dst(%dma_wait3A_926 : memref<5120x128xf32, #tpu.memory_space<vmem_shared>>)
        tpu.yield
      }) : () -> ()
      %add3A_900 = arith.constant 1 : i32
      %add3A_901 = arith.addi %while3A_771, %add3A_900 : i32
      %lt3A_902 = arith.cmpi slt, %add3A_901, %select_n3A : i32
      %convert_element_type3A_903 = arith.extui %lt3A_902 : i1 to i32
      %cond3A_904 = arith.constant 0 : i32
      %cond3A_905 = arith.cmpi ne, %convert_element_type3A_903, %cond3A_904 : i32
      scf.if %cond3A_905 {
        %add3A_906 = arith.constant 1 : i32
        %add3A_907 = arith.addi %while3A_771, %add3A_906 : i32
        %mul3A_908 = arith.constant 4 : i32
        %mul3A_909 = arith.muli %mul3A_908, %add3A_907 : i32
        %add3A_910 = arith.constant 3 : i32
        %add3A_911 = arith.addi %mul3A_909, %add3A_910 : i32
        %mul3A_912 = arith.constant 16 : i32
        %mul3A_913 = arith.muli %add3A_911, %mul3A_912 : i32
        %dma_start3A_914 = arith.constant 3 : i32
        %dma_start3A_915 = arith.constant 0 : i32
        %dma_start3A_916 = arith.constant 0 : i32
        %dma_start3A_917 = arith.constant 0 : i32
        %dma_start3A_918 = tpu.memref_slice %arg10[%dma_start3A_914, %dma_start3A_915, %dma_start3A_916, %dma_start3A_917] : memref<4x16x2x128xf32, #tpu.memory_space<vmem>> -> memref<1x16x2x128xf32, #tpu.memory_space<vmem>>
        %dma_start3A_919 = tpu.memref_squeeze %dma_start3A_918 : memref<1x16x2x128xf32, #tpu.memory_space<vmem>> -> memref<16x2x128xf32, #tpu.memory_space<vmem>>
        %dma_start3A_920 = tpu.memref_slice %arg8[%mul3A_913] : memref<10240xi32, #tpu.memory_space<vmem>> -> memref<16xi32, #tpu.memory_space<vmem>>
        %dma_start3A_921 = arith.constant 0 : i32
        %dma_start3A_922 = arith.constant 0 : i32
        %dma_start3A_923 = arith.constant 0 : i32
        %dma_start3A_924 = tpu.memref_slice %arg4[%dma_start3A_921, %dma_start3A_922, %dma_start3A_923] : memref<10000x2x128xf32, #tpu.memory_space<hbm>> -> memref<10000x2x128xf32, #tpu.memory_space<hbm>>
        tpu.enqueue_indirect_dma source(%dma_start3A_924 : memref<10000x2x128xf32, #tpu.memory_space<hbm>>) target(%dma_start3A_919 : memref<16x2x128xf32, #tpu.memory_space<vmem>>) offsets(%dma_start3A_920 : memref<16xi32, #tpu.memory_space<vmem>>) semaphore(%arg17 : memref<!tpu.dma_semaphore, #tpu.memory_space<semaphore_mem>>)
      } else {
      }
    }
    %gt3A_480 = arith.constant 0 : i32
    %gt3A_481 = arith.cmpi sgt, %select_n3A_468, %gt3A_480 : i32
    %convert_element_type3A_482 = arith.extui %gt3A_481 : i1 to i32
    %cond3A_483 = arith.constant 0 : i32
    %cond3A_484 = arith.cmpi ne, %convert_element_type3A_482, %cond3A_483 : i32
    scf.if %cond3A_484 {
      %dma_start3A_771 = arith.constant 0 : i32
      %dma_start3A_772 = arith.constant 0 : i32
      %dma_start3A_773 = arith.constant 0 : i32
      %dma_start3A_774 = arith.constant 0 : i32
      %dma_start3A_775 = tpu.memref_slice %arg10[%dma_start3A_771, %dma_start3A_772, %dma_start3A_773, %dma_start3A_774] : memref<4x16x2x128xf32, #tpu.memory_space<vmem>> -> memref<1x16x2x128xf32, #tpu.memory_space<vmem>>
      %dma_start3A_776 = tpu.memref_squeeze %dma_start3A_775 : memref<1x16x2x128xf32, #tpu.memory_space<vmem>> -> memref<16x2x128xf32, #tpu.memory_space<vmem>>
      %dma_start3A_777 = arith.constant 10224 : i32
      %dma_start3A_778 = tpu.memref_slice %arg8[%dma_start3A_777] : memref<10240xi32, #tpu.memory_space<vmem>> -> memref<16xi32, #tpu.memory_space<vmem>>
      %dma_start3A_779 = arith.constant 0 : i32
      %dma_start3A_780 = arith.constant 0 : i32
      %dma_start3A_781 = arith.constant 0 : i32
      %dma_start3A_782 = tpu.memref_slice %arg4[%dma_start3A_779, %dma_start3A_780, %dma_start3A_781] : memref<10000x2x128xf32, #tpu.memory_space<hbm>> -> memref<10000x2x128xf32, #tpu.memory_space<hbm>>
      tpu.enqueue_indirect_dma source(%dma_start3A_782 : memref<10000x2x128xf32, #tpu.memory_space<hbm>>) target(%dma_start3A_776 : memref<16x2x128xf32, #tpu.memory_space<vmem>>) offsets(%dma_start3A_778 : memref<16xi32, #tpu.memory_space<vmem>>) semaphore(%arg14 : memref<!tpu.dma_semaphore, #tpu.memory_space<semaphore_mem>>)
      %dma_start3A_783 = arith.constant 1 : i32
      %dma_start3A_784 = arith.constant 0 : i32
      %dma_start3A_785 = arith.constant 0 : i32
      %dma_start3A_786 = arith.constant 0 : i32
      %dma_start3A_787 = tpu.memref_slice %arg10[%dma_start3A_783, %dma_start3A_784, %dma_start3A_785, %dma_start3A_786] : memref<4x16x2x128xf32, #tpu.memory_space<vmem>> -> memref<1x16x2x128xf32, #tpu.memory_space<vmem>>
      %dma_start3A_788 = tpu.memref_squeeze %dma_start3A_787 : memref<1x16x2x128xf32, #tpu.memory_space<vmem>> -> memref<16x2x128xf32, #tpu.memory_space<vmem>>
      %dma_start3A_789 = arith.constant 10208 : i32
      %dma_start3A_790 = tpu.memref_slice %arg8[%dma_start3A_789] : memref<10240xi32, #tpu.memory_space<vmem>> -> memref<16xi32, #tpu.memory_space<vmem>>
      %dma_start3A_791 = arith.constant 0 : i32
      %dma_start3A_792 = arith.constant 0 : i32
      %dma_start3A_793 = arith.constant 0 : i32
      %dma_start3A_794 = tpu.memref_slice %arg4[%dma_start3A_791, %dma_start3A_792, %dma_start3A_793] : memref<10000x2x128xf32, #tpu.memory_space<hbm>> -> memref<10000x2x128xf32, #tpu.memory_space<hbm>>
      tpu.enqueue_indirect_dma source(%dma_start3A_794 : memref<10000x2x128xf32, #tpu.memory_space<hbm>>) target(%dma_start3A_788 : memref<16x2x128xf32, #tpu.memory_space<vmem>>) offsets(%dma_start3A_790 : memref<16xi32, #tpu.memory_space<vmem>>) semaphore(%arg15 : memref<!tpu.dma_semaphore, #tpu.memory_space<semaphore_mem>>)
      %dma_start3A_795 = arith.constant 2 : i32
      %dma_start3A_796 = arith.constant 0 : i32
      %dma_start3A_797 = arith.constant 0 : i32
      %dma_start3A_798 = arith.constant 0 : i32
      %dma_start3A_799 = tpu.memref_slice %arg10[%dma_start3A_795, %dma_start3A_796, %dma_start3A_797, %dma_start3A_798] : memref<4x16x2x128xf32, #tpu.memory_space<vmem>> -> memref<1x16x2x128xf32, #tpu.memory_space<vmem>>
      %dma_start3A_800 = tpu.memref_squeeze %dma_start3A_799 : memref<1x16x2x128xf32, #tpu.memory_space<vmem>> -> memref<16x2x128xf32, #tpu.memory_space<vmem>>
      %dma_start3A_801 = arith.constant 10192 : i32
      %dma_start3A_802 = tpu.memref_slice %arg8[%dma_start3A_801] : memref<10240xi32, #tpu.memory_space<vmem>> -> memref<16xi32, #tpu.memory_space<vmem>>
      %dma_start3A_803 = arith.constant 0 : i32
      %dma_start3A_804 = arith.constant 0 : i32
      %dma_start3A_805 = arith.constant 0 : i32
      %dma_start3A_806 = tpu.memref_slice %arg4[%dma_start3A_803, %dma_start3A_804, %dma_start3A_805] : memref<10000x2x128xf32, #tpu.memory_space<hbm>> -> memref<10000x2x128xf32, #tpu.memory_space<hbm>>
      tpu.enqueue_indirect_dma source(%dma_start3A_806 : memref<10000x2x128xf32, #tpu.memory_space<hbm>>) target(%dma_start3A_800 : memref<16x2x128xf32, #tpu.memory_space<vmem>>) offsets(%dma_start3A_802 : memref<16xi32, #tpu.memory_space<vmem>>) semaphore(%arg16 : memref<!tpu.dma_semaphore, #tpu.memory_space<semaphore_mem>>)
      %dma_start3A_807 = arith.constant 3 : i32
      %dma_start3A_808 = arith.constant 0 : i32
      %dma_start3A_809 = arith.constant 0 : i32
      %dma_start3A_810 = arith.constant 0 : i32
      %dma_start3A_811 = tpu.memref_slice %arg10[%dma_start3A_807, %dma_start3A_808, %dma_start3A_809, %dma_start3A_810] : memref<4x16x2x128xf32, #tpu.memory_space<vmem>> -> memref<1x16x2x128xf32, #tpu.memory_space<vmem>>
      %dma_start3A_812 = tpu.memref_squeeze %dma_start3A_811 : memref<1x16x2x128xf32, #tpu.memory_space<vmem>> -> memref<16x2x128xf32, #tpu.memory_space<vmem>>
      %dma_start3A_813 = arith.constant 10176 : i32
      %dma_start3A_814 = tpu.memref_slice %arg8[%dma_start3A_813] : memref<10240xi32, #tpu.memory_space<vmem>> -> memref<16xi32, #tpu.memory_space<vmem>>
      %dma_start3A_815 = arith.constant 0 : i32
      %dma_start3A_816 = arith.constant 0 : i32
      %dma_start3A_817 = arith.constant 0 : i32
      %dma_start3A_818 = tpu.memref_slice %arg4[%dma_start3A_815, %dma_start3A_816, %dma_start3A_817] : memref<10000x2x128xf32, #tpu.memory_space<hbm>> -> memref<10000x2x128xf32, #tpu.memory_space<hbm>>
      tpu.enqueue_indirect_dma source(%dma_start3A_818 : memref<10000x2x128xf32, #tpu.memory_space<hbm>>) target(%dma_start3A_812 : memref<16x2x128xf32, #tpu.memory_space<vmem>>) offsets(%dma_start3A_814 : memref<16xi32, #tpu.memory_space<vmem>>) semaphore(%arg17 : memref<!tpu.dma_semaphore, #tpu.memory_space<semaphore_mem>>)
    } else {
    }
    %barrier3A_485 = arith.constant 0 : index
    tpu.barrier barrier_id(%barrier3A_485)
    %add3A_486 = arith.constant 0 : i32
    %add3A_487 = arith.addi %mul3A_2, %add3A_486 : i32
    %mul3A_488 = arith.constant 2 : i32
    %mul3A_489 = arith.muli %mul3A_488, %add3A_487 : i32
    %scan3A_490 = arith.constant 0 : i32
    %scan3A_491 = arith.constant 0 : i32
    %scan3A_492 = arith.constant 40 : i32
    %scan3A_493 = arith.addi %scan3A_491, %scan3A_492 : i32
    %scan3A_494 = arith.constant 1 : i32
    scf.for %scan3A_771 = %scan3A_491 to %scan3A_493 step %scan3A_494  : i32 {
      %mul3A_772 = arith.constant 16 : i32
      %mul3A_773 = arith.muli %scan3A_771, %mul3A_772 : i32
      %add3A_774 = arith.addi %arg1, %mul3A_773 : i32
      %lt3A = arith.constant 625 : i32
      %lt3A_775 = arith.cmpi slt, %add3A_774, %lt3A : i32
      %convert_element_type3A_776 = arith.extui %lt3A_775 : i1 to i32
      %cond3A_777 = arith.constant 0 : i32
      %cond3A_778 = arith.cmpi ne, %convert_element_type3A_776, %cond3A_777 : i32
      scf.if %cond3A_778 {
        %mul3A_779 = arith.constant 8 : i32
        %mul3A_780 = arith.muli %add3A_774, %mul3A_779 : i32
        %mul3A_781 = arith.constant 8 : i32
        %mul3A_782 = arith.muli %add3A_774, %mul3A_781 : i32
        %add3A_783 = arith.addi %mul3A_489, %mul3A_782 : i32
        %dma_start3A_784 = arith.constant 0 : i32
        %dma_start3A_785 = tpu.memref_slice %arg5[%add3A_783, %dma_start3A_784] : memref<20000x128xf32, #tpu.memory_space<hbm>> -> memref<8x128xf32, #tpu.memory_space<hbm>>
        %dma_start3A_786 = arith.constant 0 : i32
        %dma_start3A_787 = tpu.memref_slice %arg13[%mul3A_780, %dma_start3A_786] : memref<5120x128xf32, #tpu.memory_space<vmem_shared>> -> memref<8x128xf32, #tpu.memory_space<vmem_shared>>
        tpu.enqueue_dma source(%dma_start3A_787 : memref<8x128xf32, #tpu.memory_space<vmem_shared>>) target(%dma_start3A_785 : memref<8x128xf32, #tpu.memory_space<hbm>>) target_semaphore(%arg22 : memref<!tpu.dma_semaphore, #tpu.memory_space<semaphore_mem>>)
      } else {
      }
    }
    %scan3A_495 = arith.constant 40 : i32
    %scan3A_496 = arith.constant 0 : i32
    %scan3A_497 = arith.constant 0 : i32
    %scan3A_498 = arith.constant 40 : i32
    %scan3A_499 = arith.addi %scan3A_497, %scan3A_498 : i32
    %scan3A_500 = arith.constant 1 : i32
    scf.for %scan3A_771 = %scan3A_497 to %scan3A_499 step %scan3A_500  : i32 {
      %mul3A_772 = arith.constant 16 : i32
      %mul3A_773 = arith.muli %scan3A_771, %mul3A_772 : i32
      %add3A_774 = arith.addi %arg1, %mul3A_773 : i32
      %lt3A = arith.constant 625 : i32
      %lt3A_775 = arith.cmpi slt, %add3A_774, %lt3A : i32
      %convert_element_type3A_776 = arith.extui %lt3A_775 : i1 to i32
      %cond3A_777 = arith.constant 0 : i32
      %cond3A_778 = arith.cmpi ne, %convert_element_type3A_776, %cond3A_777 : i32
      scf.if %cond3A_778 {
        %dma_wait3A_779 = arith.constant 0 : i32
        %dma_wait3A_780 = tpu.memref_slice %arg5[%mul3A_489, %dma_wait3A_779] : memref<20000x128xf32, #tpu.memory_space<hbm>> -> memref<8x128xf32, #tpu.memory_space<hbm>>
        %dma_wait3A_781 = arith.constant 0 : i32
        %dma_wait3A_782 = arith.constant 0 : i32
        %dma_wait3A_783 = tpu.memref_slice %arg13[%dma_wait3A_781, %dma_wait3A_782] : memref<5120x128xf32, #tpu.memory_space<vmem_shared>> -> memref<8x128xf32, #tpu.memory_space<vmem_shared>>
        tpu.wait_dma2 semaphore(%arg22 : memref<!tpu.dma_semaphore, #tpu.memory_space<semaphore_mem>>) src(%dma_wait3A_783 : memref<8x128xf32, #tpu.memory_space<vmem_shared>>) dst(%dma_wait3A_780 : memref<8x128xf32, #tpu.memory_space<hbm>>)
      } else {
      }
    }
    %scan3A_501 = arith.constant 40 : i32
    %barrier3A_502 = arith.constant 0 : index
    tpu.barrier barrier_id(%barrier3A_502)
    %add3A_503 = arith.constant 0 : i32
    %add3A_504 = arith.addi %mul3A_17, %add3A_503 : i32
    %dma_start3A_505 = arith.constant 0 : i32
    %dma_start3A_506 = arith.constant 0 : i32
    %dma_start3A_507 = tpu.memref_slice %arg11[%dma_start3A_505, %dma_start3A_506] : memref<32x128xf32, #tpu.memory_space<vmem>> -> memref<32x128xf32, #tpu.memory_space<vmem>>
    %dma_start3A_508 = arith.constant 0 : i32
    %dma_start3A_509 = tpu.memref_slice %arg13[%add3A_504, %dma_start3A_508] : memref<5120x128xf32, #tpu.memory_space<vmem_shared>> -> memref<32x128xf32, #tpu.memory_space<vmem_shared>>
    %dma_start3A_510 = arith.constant 0 : i32
    %dma_start3A_511 = tpu.memref_slice %arg13[%add3A_504, %dma_start3A_510] : memref<5120x128xf32, #tpu.memory_space<vmem_shared>> -> memref<32x128xf32, #tpu.memory_space<vmem_shared>>
    %dma_start3A_512 = arith.constant 0 : i32
    %dma_start3A_513 = arith.constant 0 : i32
    %dma_start3A_514 = tpu.memref_slice %arg11[%dma_start3A_512, %dma_start3A_513] : memref<32x128xf32, #tpu.memory_space<vmem>> -> memref<32x128xf32, #tpu.memory_space<vmem>>
    tpu.enqueue_dma source(%dma_start3A_514 : memref<32x128xf32, #tpu.memory_space<vmem>>) target(%dma_start3A_511 : memref<32x128xf32, #tpu.memory_space<vmem_shared>>) target_semaphore(%arg22 : memref<!tpu.dma_semaphore, #tpu.memory_space<semaphore_mem>>)
    %add3A_515 = arith.constant 32 : i32
    %add3A_516 = arith.addi %mul3A_17, %add3A_515 : i32
    %dma_start3A_517 = arith.constant 0 : i32
    %dma_start3A_518 = arith.constant 0 : i32
    %dma_start3A_519 = tpu.memref_slice %arg11[%dma_start3A_517, %dma_start3A_518] : memref<32x128xf32, #tpu.memory_space<vmem>> -> memref<32x128xf32, #tpu.memory_space<vmem>>
    %dma_start3A_520 = arith.constant 0 : i32
    %dma_start3A_521 = tpu.memref_slice %arg13[%add3A_516, %dma_start3A_520] : memref<5120x128xf32, #tpu.memory_space<vmem_shared>> -> memref<32x128xf32, #tpu.memory_space<vmem_shared>>
    %dma_start3A_522 = arith.constant 0 : i32
    %dma_start3A_523 = tpu.memref_slice %arg13[%add3A_516, %dma_start3A_522] : memref<5120x128xf32, #tpu.memory_space<vmem_shared>> -> memref<32x128xf32, #tpu.memory_space<vmem_shared>>
    %dma_start3A_524 = arith.constant 0 : i32
    %dma_start3A_525 = arith.constant 0 : i32
    %dma_start3A_526 = tpu.memref_slice %arg11[%dma_start3A_524, %dma_start3A_525] : memref<32x128xf32, #tpu.memory_space<vmem>> -> memref<32x128xf32, #tpu.memory_space<vmem>>
    tpu.enqueue_dma source(%dma_start3A_526 : memref<32x128xf32, #tpu.memory_space<vmem>>) target(%dma_start3A_523 : memref<32x128xf32, #tpu.memory_space<vmem_shared>>) target_semaphore(%arg22 : memref<!tpu.dma_semaphore, #tpu.memory_space<semaphore_mem>>)
    %add3A_527 = arith.constant 64 : i32
    %add3A_528 = arith.addi %mul3A_17, %add3A_527 : i32
    %dma_start3A_529 = arith.constant 0 : i32
    %dma_start3A_530 = arith.constant 0 : i32
    %dma_start3A_531 = tpu.memref_slice %arg11[%dma_start3A_529, %dma_start3A_530] : memref<32x128xf32, #tpu.memory_space<vmem>> -> memref<32x128xf32, #tpu.memory_space<vmem>>
    %dma_start3A_532 = arith.constant 0 : i32
    %dma_start3A_533 = tpu.memref_slice %arg13[%add3A_528, %dma_start3A_532] : memref<5120x128xf32, #tpu.memory_space<vmem_shared>> -> memref<32x128xf32, #tpu.memory_space<vmem_shared>>
    %dma_start3A_534 = arith.constant 0 : i32
    %dma_start3A_535 = tpu.memref_slice %arg13[%add3A_528, %dma_start3A_534] : memref<5120x128xf32, #tpu.memory_space<vmem_shared>> -> memref<32x128xf32, #tpu.memory_space<vmem_shared>>
    %dma_start3A_536 = arith.constant 0 : i32
    %dma_start3A_537 = arith.constant 0 : i32
    %dma_start3A_538 = tpu.memref_slice %arg11[%dma_start3A_536, %dma_start3A_537] : memref<32x128xf32, #tpu.memory_space<vmem>> -> memref<32x128xf32, #tpu.memory_space<vmem>>
    tpu.enqueue_dma source(%dma_start3A_538 : memref<32x128xf32, #tpu.memory_space<vmem>>) target(%dma_start3A_535 : memref<32x128xf32, #tpu.memory_space<vmem_shared>>) target_semaphore(%arg22 : memref<!tpu.dma_semaphore, #tpu.memory_space<semaphore_mem>>)
    %add3A_539 = arith.constant 96 : i32
    %add3A_540 = arith.addi %mul3A_17, %add3A_539 : i32
    %dma_start3A_541 = arith.constant 0 : i32
    %dma_start3A_542 = arith.constant 0 : i32
    %dma_start3A_543 = tpu.memref_slice %arg11[%dma_start3A_541, %dma_start3A_542] : memref<32x128xf32, #tpu.memory_space<vmem>> -> memref<32x128xf32, #tpu.memory_space<vmem>>
    %dma_start3A_544 = arith.constant 0 : i32
    %dma_start3A_545 = tpu.memref_slice %arg13[%add3A_540, %dma_start3A_544] : memref<5120x128xf32, #tpu.memory_space<vmem_shared>> -> memref<32x128xf32, #tpu.memory_space<vmem_shared>>
    %dma_start3A_546 = arith.constant 0 : i32
    %dma_start3A_547 = tpu.memref_slice %arg13[%add3A_540, %dma_start3A_546] : memref<5120x128xf32, #tpu.memory_space<vmem_shared>> -> memref<32x128xf32, #tpu.memory_space<vmem_shared>>
    %dma_start3A_548 = arith.constant 0 : i32
    %dma_start3A_549 = arith.constant 0 : i32
    %dma_start3A_550 = tpu.memref_slice %arg11[%dma_start3A_548, %dma_start3A_549] : memref<32x128xf32, #tpu.memory_space<vmem>> -> memref<32x128xf32, #tpu.memory_space<vmem>>
    tpu.enqueue_dma source(%dma_start3A_550 : memref<32x128xf32, #tpu.memory_space<vmem>>) target(%dma_start3A_547 : memref<32x128xf32, #tpu.memory_space<vmem_shared>>) target_semaphore(%arg22 : memref<!tpu.dma_semaphore, #tpu.memory_space<semaphore_mem>>)
    %add3A_551 = arith.constant 128 : i32
    %add3A_552 = arith.addi %mul3A_17, %add3A_551 : i32
    %dma_start3A_553 = arith.constant 0 : i32
    %dma_start3A_554 = arith.constant 0 : i32
    %dma_start3A_555 = tpu.memref_slice %arg11[%dma_start3A_553, %dma_start3A_554] : memref<32x128xf32, #tpu.memory_space<vmem>> -> memref<32x128xf32, #tpu.memory_space<vmem>>
    %dma_start3A_556 = arith.constant 0 : i32
    %dma_start3A_557 = tpu.memref_slice %arg13[%add3A_552, %dma_start3A_556] : memref<5120x128xf32, #tpu.memory_space<vmem_shared>> -> memref<32x128xf32, #tpu.memory_space<vmem_shared>>
    %dma_start3A_558 = arith.constant 0 : i32
    %dma_start3A_559 = tpu.memref_slice %arg13[%add3A_552, %dma_start3A_558] : memref<5120x128xf32, #tpu.memory_space<vmem_shared>> -> memref<32x128xf32, #tpu.memory_space<vmem_shared>>
    %dma_start3A_560 = arith.constant 0 : i32
    %dma_start3A_561 = arith.constant 0 : i32
    %dma_start3A_562 = tpu.memref_slice %arg11[%dma_start3A_560, %dma_start3A_561] : memref<32x128xf32, #tpu.memory_space<vmem>> -> memref<32x128xf32, #tpu.memory_space<vmem>>
    tpu.enqueue_dma source(%dma_start3A_562 : memref<32x128xf32, #tpu.memory_space<vmem>>) target(%dma_start3A_559 : memref<32x128xf32, #tpu.memory_space<vmem_shared>>) target_semaphore(%arg22 : memref<!tpu.dma_semaphore, #tpu.memory_space<semaphore_mem>>)
    %add3A_563 = arith.constant 160 : i32
    %add3A_564 = arith.addi %mul3A_17, %add3A_563 : i32
    %dma_start3A_565 = arith.constant 0 : i32
    %dma_start3A_566 = arith.constant 0 : i32
    %dma_start3A_567 = tpu.memref_slice %arg11[%dma_start3A_565, %dma_start3A_566] : memref<32x128xf32, #tpu.memory_space<vmem>> -> memref<32x128xf32, #tpu.memory_space<vmem>>
    %dma_start3A_568 = arith.constant 0 : i32
    %dma_start3A_569 = tpu.memref_slice %arg13[%add3A_564, %dma_start3A_568] : memref<5120x128xf32, #tpu.memory_space<vmem_shared>> -> memref<32x128xf32, #tpu.memory_space<vmem_shared>>
    %dma_start3A_570 = arith.constant 0 : i32
    %dma_start3A_571 = tpu.memref_slice %arg13[%add3A_564, %dma_start3A_570] : memref<5120x128xf32, #tpu.memory_space<vmem_shared>> -> memref<32x128xf32, #tpu.memory_space<vmem_shared>>
    %dma_start3A_572 = arith.constant 0 : i32
    %dma_start3A_573 = arith.constant 0 : i32
    %dma_start3A_574 = tpu.memref_slice %arg11[%dma_start3A_572, %dma_start3A_573] : memref<32x128xf32, #tpu.memory_space<vmem>> -> memref<32x128xf32, #tpu.memory_space<vmem>>
    tpu.enqueue_dma source(%dma_start3A_574 : memref<32x128xf32, #tpu.memory_space<vmem>>) target(%dma_start3A_571 : memref<32x128xf32, #tpu.memory_space<vmem_shared>>) target_semaphore(%arg22 : memref<!tpu.dma_semaphore, #tpu.memory_space<semaphore_mem>>)
    %add3A_575 = arith.constant 192 : i32
    %add3A_576 = arith.addi %mul3A_17, %add3A_575 : i32
    %dma_start3A_577 = arith.constant 0 : i32
    %dma_start3A_578 = arith.constant 0 : i32
    %dma_start3A_579 = tpu.memref_slice %arg11[%dma_start3A_577, %dma_start3A_578] : memref<32x128xf32, #tpu.memory_space<vmem>> -> memref<32x128xf32, #tpu.memory_space<vmem>>
    %dma_start3A_580 = arith.constant 0 : i32
    %dma_start3A_581 = tpu.memref_slice %arg13[%add3A_576, %dma_start3A_580] : memref<5120x128xf32, #tpu.memory_space<vmem_shared>> -> memref<32x128xf32, #tpu.memory_space<vmem_shared>>
    %dma_start3A_582 = arith.constant 0 : i32
    %dma_start3A_583 = tpu.memref_slice %arg13[%add3A_576, %dma_start3A_582] : memref<5120x128xf32, #tpu.memory_space<vmem_shared>> -> memref<32x128xf32, #tpu.memory_space<vmem_shared>>
    %dma_start3A_584 = arith.constant 0 : i32
    %dma_start3A_585 = arith.constant 0 : i32
    %dma_start3A_586 = tpu.memref_slice %arg11[%dma_start3A_584, %dma_start3A_585] : memref<32x128xf32, #tpu.memory_space<vmem>> -> memref<32x128xf32, #tpu.memory_space<vmem>>
    tpu.enqueue_dma source(%dma_start3A_586 : memref<32x128xf32, #tpu.memory_space<vmem>>) target(%dma_start3A_583 : memref<32x128xf32, #tpu.memory_space<vmem_shared>>) target_semaphore(%arg22 : memref<!tpu.dma_semaphore, #tpu.memory_space<semaphore_mem>>)
    %add3A_587 = arith.constant 224 : i32
    %add3A_588 = arith.addi %mul3A_17, %add3A_587 : i32
    %dma_start3A_589 = arith.constant 0 : i32
    %dma_start3A_590 = arith.constant 0 : i32
    %dma_start3A_591 = tpu.memref_slice %arg11[%dma_start3A_589, %dma_start3A_590] : memref<32x128xf32, #tpu.memory_space<vmem>> -> memref<32x128xf32, #tpu.memory_space<vmem>>
    %dma_start3A_592 = arith.constant 0 : i32
    %dma_start3A_593 = tpu.memref_slice %arg13[%add3A_588, %dma_start3A_592] : memref<5120x128xf32, #tpu.memory_space<vmem_shared>> -> memref<32x128xf32, #tpu.memory_space<vmem_shared>>
    %dma_start3A_594 = arith.constant 0 : i32
    %dma_start3A_595 = tpu.memref_slice %arg13[%add3A_588, %dma_start3A_594] : memref<5120x128xf32, #tpu.memory_space<vmem_shared>> -> memref<32x128xf32, #tpu.memory_space<vmem_shared>>
    %dma_start3A_596 = arith.constant 0 : i32
    %dma_start3A_597 = arith.constant 0 : i32
    %dma_start3A_598 = tpu.memref_slice %arg11[%dma_start3A_596, %dma_start3A_597] : memref<32x128xf32, #tpu.memory_space<vmem>> -> memref<32x128xf32, #tpu.memory_space<vmem>>
    tpu.enqueue_dma source(%dma_start3A_598 : memref<32x128xf32, #tpu.memory_space<vmem>>) target(%dma_start3A_595 : memref<32x128xf32, #tpu.memory_space<vmem_shared>>) target_semaphore(%arg22 : memref<!tpu.dma_semaphore, #tpu.memory_space<semaphore_mem>>)
    %add3A_599 = arith.constant 256 : i32
    %add3A_600 = arith.addi %mul3A_17, %add3A_599 : i32
    %dma_start3A_601 = arith.constant 0 : i32
    %dma_start3A_602 = arith.constant 0 : i32
    %dma_start3A_603 = tpu.memref_slice %arg11[%dma_start3A_601, %dma_start3A_602] : memref<32x128xf32, #tpu.memory_space<vmem>> -> memref<32x128xf32, #tpu.memory_space<vmem>>
    %dma_start3A_604 = arith.constant 0 : i32
    %dma_start3A_605 = tpu.memref_slice %arg13[%add3A_600, %dma_start3A_604] : memref<5120x128xf32, #tpu.memory_space<vmem_shared>> -> memref<32x128xf32, #tpu.memory_space<vmem_shared>>
    %dma_start3A_606 = arith.constant 0 : i32
    %dma_start3A_607 = tpu.memref_slice %arg13[%add3A_600, %dma_start3A_606] : memref<5120x128xf32, #tpu.memory_space<vmem_shared>> -> memref<32x128xf32, #tpu.memory_space<vmem_shared>>
    %dma_start3A_608 = arith.constant 0 : i32
    %dma_start3A_609 = arith.constant 0 : i32
    %dma_start3A_610 = tpu.memref_slice %arg11[%dma_start3A_608, %dma_start3A_609] : memref<32x128xf32, #tpu.memory_space<vmem>> -> memref<32x128xf32, #tpu.memory_space<vmem>>
    tpu.enqueue_dma source(%dma_start3A_610 : memref<32x128xf32, #tpu.memory_space<vmem>>) target(%dma_start3A_607 : memref<32x128xf32, #tpu.memory_space<vmem_shared>>) target_semaphore(%arg22 : memref<!tpu.dma_semaphore, #tpu.memory_space<semaphore_mem>>)
    %add3A_611 = arith.constant 288 : i32
    %add3A_612 = arith.addi %mul3A_17, %add3A_611 : i32
    %dma_start3A_613 = arith.constant 0 : i32
    %dma_start3A_614 = arith.constant 0 : i32
    %dma_start3A_615 = tpu.memref_slice %arg11[%dma_start3A_613, %dma_start3A_614] : memref<32x128xf32, #tpu.memory_space<vmem>> -> memref<32x128xf32, #tpu.memory_space<vmem>>
    %dma_start3A_616 = arith.constant 0 : i32
    %dma_start3A_617 = tpu.memref_slice %arg13[%add3A_612, %dma_start3A_616] : memref<5120x128xf32, #tpu.memory_space<vmem_shared>> -> memref<32x128xf32, #tpu.memory_space<vmem_shared>>
    %dma_start3A_618 = arith.constant 0 : i32
    %dma_start3A_619 = tpu.memref_slice %arg13[%add3A_612, %dma_start3A_618] : memref<5120x128xf32, #tpu.memory_space<vmem_shared>> -> memref<32x128xf32, #tpu.memory_space<vmem_shared>>
    %dma_start3A_620 = arith.constant 0 : i32
    %dma_start3A_621 = arith.constant 0 : i32
    %dma_start3A_622 = tpu.memref_slice %arg11[%dma_start3A_620, %dma_start3A_621] : memref<32x128xf32, #tpu.memory_space<vmem>> -> memref<32x128xf32, #tpu.memory_space<vmem>>
    tpu.enqueue_dma source(%dma_start3A_622 : memref<32x128xf32, #tpu.memory_space<vmem>>) target(%dma_start3A_619 : memref<32x128xf32, #tpu.memory_space<vmem_shared>>) target_semaphore(%arg22 : memref<!tpu.dma_semaphore, #tpu.memory_space<semaphore_mem>>)
    %add3A_623 = arith.constant 0 : i32
    %add3A_624 = arith.addi %mul3A_17, %add3A_623 : i32
    %dma_wait3A_625 = arith.constant 0 : i32
    %dma_wait3A_626 = arith.constant 0 : i32
    %dma_wait3A_627 = tpu.memref_slice %arg11[%dma_wait3A_625, %dma_wait3A_626] : memref<32x128xf32, #tpu.memory_space<vmem>> -> memref<32x128xf32, #tpu.memory_space<vmem>>
    %dma_wait3A_628 = arith.constant 0 : i32
    %dma_wait3A_629 = tpu.memref_slice %arg13[%add3A_624, %dma_wait3A_628] : memref<5120x128xf32, #tpu.memory_space<vmem_shared>> -> memref<32x128xf32, #tpu.memory_space<vmem_shared>>
    %dma_wait3A_630 = arith.constant 0 : i32
    %dma_wait3A_631 = tpu.memref_slice %arg13[%add3A_624, %dma_wait3A_630] : memref<5120x128xf32, #tpu.memory_space<vmem_shared>> -> memref<32x128xf32, #tpu.memory_space<vmem_shared>>
    %dma_wait3A_632 = arith.constant 0 : i32
    %dma_wait3A_633 = arith.constant 0 : i32
    %dma_wait3A_634 = tpu.memref_slice %arg11[%dma_wait3A_632, %dma_wait3A_633] : memref<32x128xf32, #tpu.memory_space<vmem>> -> memref<32x128xf32, #tpu.memory_space<vmem>>
    tpu.wait_dma2 semaphore(%arg22 : memref<!tpu.dma_semaphore, #tpu.memory_space<semaphore_mem>>) src(%dma_wait3A_634 : memref<32x128xf32, #tpu.memory_space<vmem>>) dst(%dma_wait3A_631 : memref<32x128xf32, #tpu.memory_space<vmem_shared>>)
    %add3A_635 = arith.constant 32 : i32
    %add3A_636 = arith.addi %mul3A_17, %add3A_635 : i32
    %dma_wait3A_637 = arith.constant 0 : i32
    %dma_wait3A_638 = arith.constant 0 : i32
    %dma_wait3A_639 = tpu.memref_slice %arg11[%dma_wait3A_637, %dma_wait3A_638] : memref<32x128xf32, #tpu.memory_space<vmem>> -> memref<32x128xf32, #tpu.memory_space<vmem>>
    %dma_wait3A_640 = arith.constant 0 : i32
    %dma_wait3A_641 = tpu.memref_slice %arg13[%add3A_636, %dma_wait3A_640] : memref<5120x128xf32, #tpu.memory_space<vmem_shared>> -> memref<32x128xf32, #tpu.memory_space<vmem_shared>>
    %dma_wait3A_642 = arith.constant 0 : i32
    %dma_wait3A_643 = tpu.memref_slice %arg13[%add3A_636, %dma_wait3A_642] : memref<5120x128xf32, #tpu.memory_space<vmem_shared>> -> memref<32x128xf32, #tpu.memory_space<vmem_shared>>
    %dma_wait3A_644 = arith.constant 0 : i32
    %dma_wait3A_645 = arith.constant 0 : i32
    %dma_wait3A_646 = tpu.memref_slice %arg11[%dma_wait3A_644, %dma_wait3A_645] : memref<32x128xf32, #tpu.memory_space<vmem>> -> memref<32x128xf32, #tpu.memory_space<vmem>>
    tpu.wait_dma2 semaphore(%arg22 : memref<!tpu.dma_semaphore, #tpu.memory_space<semaphore_mem>>) src(%dma_wait3A_646 : memref<32x128xf32, #tpu.memory_space<vmem>>) dst(%dma_wait3A_643 : memref<32x128xf32, #tpu.memory_space<vmem_shared>>)
    %add3A_647 = arith.constant 64 : i32
    %add3A_648 = arith.addi %mul3A_17, %add3A_647 : i32
    %dma_wait3A_649 = arith.constant 0 : i32
    %dma_wait3A_650 = arith.constant 0 : i32
    %dma_wait3A_651 = tpu.memref_slice %arg11[%dma_wait3A_649, %dma_wait3A_650] : memref<32x128xf32, #tpu.memory_space<vmem>> -> memref<32x128xf32, #tpu.memory_space<vmem>>
    %dma_wait3A_652 = arith.constant 0 : i32
    %dma_wait3A_653 = tpu.memref_slice %arg13[%add3A_648, %dma_wait3A_652] : memref<5120x128xf32, #tpu.memory_space<vmem_shared>> -> memref<32x128xf32, #tpu.memory_space<vmem_shared>>
    %dma_wait3A_654 = arith.constant 0 : i32
    %dma_wait3A_655 = tpu.memref_slice %arg13[%add3A_648, %dma_wait3A_654] : memref<5120x128xf32, #tpu.memory_space<vmem_shared>> -> memref<32x128xf32, #tpu.memory_space<vmem_shared>>
    %dma_wait3A_656 = arith.constant 0 : i32
    %dma_wait3A_657 = arith.constant 0 : i32
    %dma_wait3A_658 = tpu.memref_slice %arg11[%dma_wait3A_656, %dma_wait3A_657] : memref<32x128xf32, #tpu.memory_space<vmem>> -> memref<32x128xf32, #tpu.memory_space<vmem>>
    tpu.wait_dma2 semaphore(%arg22 : memref<!tpu.dma_semaphore, #tpu.memory_space<semaphore_mem>>) src(%dma_wait3A_658 : memref<32x128xf32, #tpu.memory_space<vmem>>) dst(%dma_wait3A_655 : memref<32x128xf32, #tpu.memory_space<vmem_shared>>)
    %add3A_659 = arith.constant 96 : i32
    %add3A_660 = arith.addi %mul3A_17, %add3A_659 : i32
    %dma_wait3A_661 = arith.constant 0 : i32
    %dma_wait3A_662 = arith.constant 0 : i32
    %dma_wait3A_663 = tpu.memref_slice %arg11[%dma_wait3A_661, %dma_wait3A_662] : memref<32x128xf32, #tpu.memory_space<vmem>> -> memref<32x128xf32, #tpu.memory_space<vmem>>
    %dma_wait3A_664 = arith.constant 0 : i32
    %dma_wait3A_665 = tpu.memref_slice %arg13[%add3A_660, %dma_wait3A_664] : memref<5120x128xf32, #tpu.memory_space<vmem_shared>> -> memref<32x128xf32, #tpu.memory_space<vmem_shared>>
    %dma_wait3A_666 = arith.constant 0 : i32
    %dma_wait3A_667 = tpu.memref_slice %arg13[%add3A_660, %dma_wait3A_666] : memref<5120x128xf32, #tpu.memory_space<vmem_shared>> -> memref<32x128xf32, #tpu.memory_space<vmem_shared>>
    %dma_wait3A_668 = arith.constant 0 : i32
    %dma_wait3A_669 = arith.constant 0 : i32
    %dma_wait3A_670 = tpu.memref_slice %arg11[%dma_wait3A_668, %dma_wait3A_669] : memref<32x128xf32, #tpu.memory_space<vmem>> -> memref<32x128xf32, #tpu.memory_space<vmem>>
    tpu.wait_dma2 semaphore(%arg22 : memref<!tpu.dma_semaphore, #tpu.memory_space<semaphore_mem>>) src(%dma_wait3A_670 : memref<32x128xf32, #tpu.memory_space<vmem>>) dst(%dma_wait3A_667 : memref<32x128xf32, #tpu.memory_space<vmem_shared>>)
    %add3A_671 = arith.constant 128 : i32
    %add3A_672 = arith.addi %mul3A_17, %add3A_671 : i32
    %dma_wait3A_673 = arith.constant 0 : i32
    %dma_wait3A_674 = arith.constant 0 : i32
    %dma_wait3A_675 = tpu.memref_slice %arg11[%dma_wait3A_673, %dma_wait3A_674] : memref<32x128xf32, #tpu.memory_space<vmem>> -> memref<32x128xf32, #tpu.memory_space<vmem>>
    %dma_wait3A_676 = arith.constant 0 : i32
    %dma_wait3A_677 = tpu.memref_slice %arg13[%add3A_672, %dma_wait3A_676] : memref<5120x128xf32, #tpu.memory_space<vmem_shared>> -> memref<32x128xf32, #tpu.memory_space<vmem_shared>>
    %dma_wait3A_678 = arith.constant 0 : i32
    %dma_wait3A_679 = tpu.memref_slice %arg13[%add3A_672, %dma_wait3A_678] : memref<5120x128xf32, #tpu.memory_space<vmem_shared>> -> memref<32x128xf32, #tpu.memory_space<vmem_shared>>
    %dma_wait3A_680 = arith.constant 0 : i32
    %dma_wait3A_681 = arith.constant 0 : i32
    %dma_wait3A_682 = tpu.memref_slice %arg11[%dma_wait3A_680, %dma_wait3A_681] : memref<32x128xf32, #tpu.memory_space<vmem>> -> memref<32x128xf32, #tpu.memory_space<vmem>>
    tpu.wait_dma2 semaphore(%arg22 : memref<!tpu.dma_semaphore, #tpu.memory_space<semaphore_mem>>) src(%dma_wait3A_682 : memref<32x128xf32, #tpu.memory_space<vmem>>) dst(%dma_wait3A_679 : memref<32x128xf32, #tpu.memory_space<vmem_shared>>)
    %add3A_683 = arith.constant 160 : i32
    %add3A_684 = arith.addi %mul3A_17, %add3A_683 : i32
    %dma_wait3A_685 = arith.constant 0 : i32
    %dma_wait3A_686 = arith.constant 0 : i32
    %dma_wait3A_687 = tpu.memref_slice %arg11[%dma_wait3A_685, %dma_wait3A_686] : memref<32x128xf32, #tpu.memory_space<vmem>> -> memref<32x128xf32, #tpu.memory_space<vmem>>
    %dma_wait3A_688 = arith.constant 0 : i32
    %dma_wait3A_689 = tpu.memref_slice %arg13[%add3A_684, %dma_wait3A_688] : memref<5120x128xf32, #tpu.memory_space<vmem_shared>> -> memref<32x128xf32, #tpu.memory_space<vmem_shared>>
    %dma_wait3A_690 = arith.constant 0 : i32
    %dma_wait3A_691 = tpu.memref_slice %arg13[%add3A_684, %dma_wait3A_690] : memref<5120x128xf32, #tpu.memory_space<vmem_shared>> -> memref<32x128xf32, #tpu.memory_space<vmem_shared>>
    %dma_wait3A_692 = arith.constant 0 : i32
    %dma_wait3A_693 = arith.constant 0 : i32
    %dma_wait3A_694 = tpu.memref_slice %arg11[%dma_wait3A_692, %dma_wait3A_693] : memref<32x128xf32, #tpu.memory_space<vmem>> -> memref<32x128xf32, #tpu.memory_space<vmem>>
    tpu.wait_dma2 semaphore(%arg22 : memref<!tpu.dma_semaphore, #tpu.memory_space<semaphore_mem>>) src(%dma_wait3A_694 : memref<32x128xf32, #tpu.memory_space<vmem>>) dst(%dma_wait3A_691 : memref<32x128xf32, #tpu.memory_space<vmem_shared>>)
    %add3A_695 = arith.constant 192 : i32
    %add3A_696 = arith.addi %mul3A_17, %add3A_695 : i32
    %dma_wait3A_697 = arith.constant 0 : i32
    %dma_wait3A_698 = arith.constant 0 : i32
    %dma_wait3A_699 = tpu.memref_slice %arg11[%dma_wait3A_697, %dma_wait3A_698] : memref<32x128xf32, #tpu.memory_space<vmem>> -> memref<32x128xf32, #tpu.memory_space<vmem>>
    %dma_wait3A_700 = arith.constant 0 : i32
    %dma_wait3A_701 = tpu.memref_slice %arg13[%add3A_696, %dma_wait3A_700] : memref<5120x128xf32, #tpu.memory_space<vmem_shared>> -> memref<32x128xf32, #tpu.memory_space<vmem_shared>>
    %dma_wait3A_702 = arith.constant 0 : i32
    %dma_wait3A_703 = tpu.memref_slice %arg13[%add3A_696, %dma_wait3A_702] : memref<5120x128xf32, #tpu.memory_space<vmem_shared>> -> memref<32x128xf32, #tpu.memory_space<vmem_shared>>
    %dma_wait3A_704 = arith.constant 0 : i32
    %dma_wait3A_705 = arith.constant 0 : i32
    %dma_wait3A_706 = tpu.memref_slice %arg11[%dma_wait3A_704, %dma_wait3A_705] : memref<32x128xf32, #tpu.memory_space<vmem>> -> memref<32x128xf32, #tpu.memory_space<vmem>>
    tpu.wait_dma2 semaphore(%arg22 : memref<!tpu.dma_semaphore, #tpu.memory_space<semaphore_mem>>) src(%dma_wait3A_706 : memref<32x128xf32, #tpu.memory_space<vmem>>) dst(%dma_wait3A_703 : memref<32x128xf32, #tpu.memory_space<vmem_shared>>)
    %add3A_707 = arith.constant 224 : i32
    %add3A_708 = arith.addi %mul3A_17, %add3A_707 : i32
    %dma_wait3A_709 = arith.constant 0 : i32
    %dma_wait3A_710 = arith.constant 0 : i32
    %dma_wait3A_711 = tpu.memref_slice %arg11[%dma_wait3A_709, %dma_wait3A_710] : memref<32x128xf32, #tpu.memory_space<vmem>> -> memref<32x128xf32, #tpu.memory_space<vmem>>
    %dma_wait3A_712 = arith.constant 0 : i32
    %dma_wait3A_713 = tpu.memref_slice %arg13[%add3A_708, %dma_wait3A_712] : memref<5120x128xf32, #tpu.memory_space<vmem_shared>> -> memref<32x128xf32, #tpu.memory_space<vmem_shared>>
    %dma_wait3A_714 = arith.constant 0 : i32
    %dma_wait3A_715 = tpu.memref_slice %arg13[%add3A_708, %dma_wait3A_714] : memref<5120x128xf32, #tpu.memory_space<vmem_shared>> -> memref<32x128xf32, #tpu.memory_space<vmem_shared>>
    %dma_wait3A_716 = arith.constant 0 : i32
    %dma_wait3A_717 = arith.constant 0 : i32
    %dma_wait3A_718 = tpu.memref_slice %arg11[%dma_wait3A_716, %dma_wait3A_717] : memref<32x128xf32, #tpu.memory_space<vmem>> -> memref<32x128xf32, #tpu.memory_space<vmem>>
    tpu.wait_dma2 semaphore(%arg22 : memref<!tpu.dma_semaphore, #tpu.memory_space<semaphore_mem>>) src(%dma_wait3A_718 : memref<32x128xf32, #tpu.memory_space<vmem>>) dst(%dma_wait3A_715 : memref<32x128xf32, #tpu.memory_space<vmem_shared>>)
    %add3A_719 = arith.constant 256 : i32
    %add3A_720 = arith.addi %mul3A_17, %add3A_719 : i32
    %dma_wait3A_721 = arith.constant 0 : i32
    %dma_wait3A_722 = arith.constant 0 : i32
    %dma_wait3A_723 = tpu.memref_slice %arg11[%dma_wait3A_721, %dma_wait3A_722] : memref<32x128xf32, #tpu.memory_space<vmem>> -> memref<32x128xf32, #tpu.memory_space<vmem>>
    %dma_wait3A_724 = arith.constant 0 : i32
    %dma_wait3A_725 = tpu.memref_slice %arg13[%add3A_720, %dma_wait3A_724] : memref<5120x128xf32, #tpu.memory_space<vmem_shared>> -> memref<32x128xf32, #tpu.memory_space<vmem_shared>>
    %dma_wait3A_726 = arith.constant 0 : i32
    %dma_wait3A_727 = tpu.memref_slice %arg13[%add3A_720, %dma_wait3A_726] : memref<5120x128xf32, #tpu.memory_space<vmem_shared>> -> memref<32x128xf32, #tpu.memory_space<vmem_shared>>
    %dma_wait3A_728 = arith.constant 0 : i32
    %dma_wait3A_729 = arith.constant 0 : i32
    %dma_wait3A_730 = tpu.memref_slice %arg11[%dma_wait3A_728, %dma_wait3A_729] : memref<32x128xf32, #tpu.memory_space<vmem>> -> memref<32x128xf32, #tpu.memory_space<vmem>>
    tpu.wait_dma2 semaphore(%arg22 : memref<!tpu.dma_semaphore, #tpu.memory_space<semaphore_mem>>) src(%dma_wait3A_730 : memref<32x128xf32, #tpu.memory_space<vmem>>) dst(%dma_wait3A_727 : memref<32x128xf32, #tpu.memory_space<vmem_shared>>)
    %add3A_731 = arith.constant 288 : i32
    %add3A_732 = arith.addi %mul3A_17, %add3A_731 : i32
    %dma_wait3A_733 = arith.constant 0 : i32
    %dma_wait3A_734 = arith.constant 0 : i32
    %dma_wait3A_735 = tpu.memref_slice %arg11[%dma_wait3A_733, %dma_wait3A_734] : memref<32x128xf32, #tpu.memory_space<vmem>> -> memref<32x128xf32, #tpu.memory_space<vmem>>
    %dma_wait3A_736 = arith.constant 0 : i32
    %dma_wait3A_737 = tpu.memref_slice %arg13[%add3A_732, %dma_wait3A_736] : memref<5120x128xf32, #tpu.memory_space<vmem_shared>> -> memref<32x128xf32, #tpu.memory_space<vmem_shared>>
    %dma_wait3A_738 = arith.constant 0 : i32
    %dma_wait3A_739 = tpu.memref_slice %arg13[%add3A_732, %dma_wait3A_738] : memref<5120x128xf32, #tpu.memory_space<vmem_shared>> -> memref<32x128xf32, #tpu.memory_space<vmem_shared>>
    %dma_wait3A_740 = arith.constant 0 : i32
    %dma_wait3A_741 = arith.constant 0 : i32
    %dma_wait3A_742 = tpu.memref_slice %arg11[%dma_wait3A_740, %dma_wait3A_741] : memref<32x128xf32, #tpu.memory_space<vmem>> -> memref<32x128xf32, #tpu.memory_space<vmem>>
    tpu.wait_dma2 semaphore(%arg22 : memref<!tpu.dma_semaphore, #tpu.memory_space<semaphore_mem>>) src(%dma_wait3A_742 : memref<32x128xf32, #tpu.memory_space<vmem>>) dst(%dma_wait3A_739 : memref<32x128xf32, #tpu.memory_space<vmem_shared>>)
    %barrier3A_743 = arith.constant 0 : index
    tpu.barrier barrier_id(%barrier3A_743)
    %while3A_744 = arith.constant 0 : i32
    %while3A_745 = arith.constant 0 : i32
    %while3A_746 = arith.subi %select_n3A_468, %while3A_745 : i32
    %while3A_747 = arith.addi %while3A_745, %while3A_746 : i32
    %while3A_748 = arith.constant 1 : i32
    %while3A_749 = arith.divsi %while3A_746, %while3A_748 : i32
    %while3A_750 = arith.muli %while3A_749, %while3A_748 : i32
    %while3A_751 = arith.addi %while3A_745, %while3A_750 : i32
    %while3A_752 = arith.constant 1 : i32
    scf.for %while3A_771 = %while3A_745 to %while3A_751 step %while3A_752  : i32 {
      %dma_wait3A_772 = arith.constant 0 : i32
      %dma_wait3A_773 = arith.constant 0 : i32
      %dma_wait3A_774 = arith.constant 0 : i32
      %dma_wait3A_775 = arith.constant 0 : i32
      %dma_wait3A_776 = tpu.memref_slice %arg10[%dma_wait3A_772, %dma_wait3A_773, %dma_wait3A_774, %dma_wait3A_775] : memref<4x16x2x128xf32, #tpu.memory_space<vmem>> -> memref<1x16x2x128xf32, #tpu.memory_space<vmem>>
      %dma_wait3A_777 = tpu.memref_squeeze %dma_wait3A_776 : memref<1x16x2x128xf32, #tpu.memory_space<vmem>> -> memref<16x2x128xf32, #tpu.memory_space<vmem>>
      %dma_wait3A_778 = arith.constant 0 : i32
      %dma_wait3A_779 = arith.constant 0 : i32
      %dma_wait3A_780 = arith.constant 0 : i32
      %dma_wait3A_781 = tpu.memref_slice %arg4[%dma_wait3A_778, %dma_wait3A_779, %dma_wait3A_780] : memref<10000x2x128xf32, #tpu.memory_space<hbm>> -> memref<16x2x128xf32, #tpu.memory_space<hbm>>
      %dma_wait3A_782 = arith.constant 0 : i32
      %dma_wait3A_783 = arith.constant 0 : i32
      %dma_wait3A_784 = arith.constant 0 : i32
      %dma_wait3A_785 = tpu.memref_slice %arg10[%dma_wait3A_772, %dma_wait3A_782, %dma_wait3A_783, %dma_wait3A_784] : memref<4x16x2x128xf32, #tpu.memory_space<vmem>> -> memref<1x16x2x128xf32, #tpu.memory_space<vmem>>
      %dma_wait3A_786 = tpu.memref_squeeze %dma_wait3A_785 : memref<1x16x2x128xf32, #tpu.memory_space<vmem>> -> memref<16x2x128xf32, #tpu.memory_space<vmem>>
      %dma_wait3A_787 = arith.constant 0 : i32
      %dma_wait3A_788 = arith.constant 0 : i32
      %dma_wait3A_789 = arith.constant 0 : i32
      %dma_wait3A_790 = tpu.memref_slice %arg4[%dma_wait3A_787, %dma_wait3A_788, %dma_wait3A_789] : memref<10000x2x128xf32, #tpu.memory_space<hbm>> -> memref<16x2x128xf32, #tpu.memory_space<hbm>>
      tpu.wait_dma2 semaphore(%arg14 : memref<!tpu.dma_semaphore, #tpu.memory_space<semaphore_mem>>) src(%dma_wait3A_790 : memref<16x2x128xf32, #tpu.memory_space<hbm>>) dst(%dma_wait3A_786 : memref<16x2x128xf32, #tpu.memory_space<vmem>>)
      %mul3A_791 = arith.constant 4 : i32
      %mul3A_792 = arith.muli %mul3A_791, %while3A_771 : i32
      %add3A_793 = arith.constant 0 : i32
      %add3A_794 = arith.addi %mul3A_792, %add3A_793 : i32
      %mul3A_795 = arith.constant 16 : i32
      %mul3A_796 = arith.muli %add3A_794, %mul3A_795 : i32
      %sub3A_797 = arith.constant 10224 : i32
      %sub3A_798 = arith.subi %sub3A_797, %mul3A_796 : i32
      %mul3A_799 = arith.constant 2 : i32
      %mul3A_800 = arith.muli %mul3A_799, %sub3A_798 : i32
      %run_scoped3A = arith.constant 0 : i32
      "tpu.region"() ({
        %run_scoped3A_914 = tpu.sem_alloc : memref<!tpu.dma_semaphore, #tpu.memory_space<semaphore_mem>>
        %dma_start3A_915 = arith.constant 0 : i32
        %dma_start3A_916 = arith.constant 0 : i32
        %dma_start3A_917 = arith.constant 0 : i32
        %dma_start3A_918 = tpu.memref_slice %arg10[%run_scoped3A, %dma_start3A_915, %dma_start3A_916, %dma_start3A_917] : memref<4x16x2x128xf32, #tpu.memory_space<vmem>> -> memref<1x16x2x128xf32, #tpu.memory_space<vmem>>
        %dma_start3A_919 = tpu.memref_squeeze %dma_start3A_918 : memref<1x16x2x128xf32, #tpu.memory_space<vmem>> -> memref<16x2x128xf32, #tpu.memory_space<vmem>>
        %dma_start3A_920 = tpu.memref_reshape %dma_start3A_919 : memref<16x2x128xf32, #tpu.memory_space<vmem>> -> memref<32x128xf32, #tpu.memory_space<vmem>>
        %dma_start3A_921 = tpu.memref_slice %arg9[%mul3A_800] : memref<20480xi32, #tpu.memory_space<vmem>> -> memref<32xi32, #tpu.memory_space<vmem>>
        %dma_start3A_922 = arith.constant 0 : i32
        %dma_start3A_923 = arith.constant 0 : i32
        %dma_start3A_924 = tpu.memref_slice %arg13[%dma_start3A_922, %dma_start3A_923] : memref<5120x128xf32, #tpu.memory_space<vmem_shared>> -> memref<5120x128xf32, #tpu.memory_space<vmem_shared>>
        tpu.enqueue_indirect_dma source(%dma_start3A_920 : memref<32x128xf32, #tpu.memory_space<vmem>>) target(%dma_start3A_924 : memref<5120x128xf32, #tpu.memory_space<vmem_shared>>) offsets(%dma_start3A_921 : memref<32xi32, #tpu.memory_space<vmem>>) semaphore(%run_scoped3A_914 : memref<!tpu.dma_semaphore, #tpu.memory_space<semaphore_mem>>) {add = true}
        %dma_wait3A_925 = arith.constant 0 : i32
        %dma_wait3A_926 = arith.constant 0 : i32
        %dma_wait3A_927 = arith.constant 0 : i32
        %dma_wait3A_928 = tpu.memref_slice %arg10[%run_scoped3A, %dma_wait3A_925, %dma_wait3A_926, %dma_wait3A_927] : memref<4x16x2x128xf32, #tpu.memory_space<vmem>> -> memref<1x16x2x128xf32, #tpu.memory_space<vmem>>
        %dma_wait3A_929 = tpu.memref_squeeze %dma_wait3A_928 : memref<1x16x2x128xf32, #tpu.memory_space<vmem>> -> memref<16x2x128xf32, #tpu.memory_space<vmem>>
        %dma_wait3A_930 = tpu.memref_reshape %dma_wait3A_929 : memref<16x2x128xf32, #tpu.memory_space<vmem>> -> memref<32x128xf32, #tpu.memory_space<vmem>>
        %dma_wait3A_931 = tpu.memref_slice %arg9[%mul3A_800] : memref<20480xi32, #tpu.memory_space<vmem>> -> memref<32xi32, #tpu.memory_space<vmem>>
        %dma_wait3A_932 = arith.constant 0 : i32
        %dma_wait3A_933 = arith.constant 0 : i32
        %dma_wait3A_934 = tpu.memref_slice %arg13[%dma_wait3A_932, %dma_wait3A_933] : memref<5120x128xf32, #tpu.memory_space<vmem_shared>> -> memref<5120x128xf32, #tpu.memory_space<vmem_shared>>
        tpu.wait_indirect_dma semaphore(%run_scoped3A_914 : memref<!tpu.dma_semaphore, #tpu.memory_space<semaphore_mem>>) src(%dma_wait3A_930 : memref<32x128xf32, #tpu.memory_space<vmem>>) dst(%dma_wait3A_934 : memref<5120x128xf32, #tpu.memory_space<vmem_shared>>)
        tpu.yield
      }) : () -> ()
      %add3A_801 = arith.constant 1 : i32
      %add3A_802 = arith.addi %while3A_771, %add3A_801 : i32
      %lt3A = arith.cmpi slt, %add3A_802, %select_n3A_468 : i32
      %convert_element_type3A_803 = arith.extui %lt3A : i1 to i32
      %cond3A_804 = arith.constant 0 : i32
      %cond3A_805 = arith.cmpi ne, %convert_element_type3A_803, %cond3A_804 : i32
      scf.if %cond3A_805 {
        %add3A_914 = arith.constant 1 : i32
        %add3A_915 = arith.addi %while3A_771, %add3A_914 : i32
        %mul3A_916 = arith.constant 4 : i32
        %mul3A_917 = arith.muli %mul3A_916, %add3A_915 : i32
        %add3A_918 = arith.constant 0 : i32
        %add3A_919 = arith.addi %mul3A_917, %add3A_918 : i32
        %mul3A_920 = arith.constant 16 : i32
        %mul3A_921 = arith.muli %add3A_919, %mul3A_920 : i32
        %sub3A_922 = arith.constant 10224 : i32
        %sub3A_923 = arith.subi %sub3A_922, %mul3A_921 : i32
        %dma_start3A_924 = arith.constant 0 : i32
        %dma_start3A_925 = arith.constant 0 : i32
        %dma_start3A_926 = arith.constant 0 : i32
        %dma_start3A_927 = arith.constant 0 : i32
        %dma_start3A_928 = tpu.memref_slice %arg10[%dma_start3A_924, %dma_start3A_925, %dma_start3A_926, %dma_start3A_927] : memref<4x16x2x128xf32, #tpu.memory_space<vmem>> -> memref<1x16x2x128xf32, #tpu.memory_space<vmem>>
        %dma_start3A_929 = tpu.memref_squeeze %dma_start3A_928 : memref<1x16x2x128xf32, #tpu.memory_space<vmem>> -> memref<16x2x128xf32, #tpu.memory_space<vmem>>
        %dma_start3A_930 = tpu.memref_slice %arg8[%sub3A_923] : memref<10240xi32, #tpu.memory_space<vmem>> -> memref<16xi32, #tpu.memory_space<vmem>>
        %dma_start3A_931 = arith.constant 0 : i32
        %dma_start3A_932 = arith.constant 0 : i32
        %dma_start3A_933 = arith.constant 0 : i32
        %dma_start3A_934 = tpu.memref_slice %arg4[%dma_start3A_931, %dma_start3A_932, %dma_start3A_933] : memref<10000x2x128xf32, #tpu.memory_space<hbm>> -> memref<10000x2x128xf32, #tpu.memory_space<hbm>>
        tpu.enqueue_indirect_dma source(%dma_start3A_934 : memref<10000x2x128xf32, #tpu.memory_space<hbm>>) target(%dma_start3A_929 : memref<16x2x128xf32, #tpu.memory_space<vmem>>) offsets(%dma_start3A_930 : memref<16xi32, #tpu.memory_space<vmem>>) semaphore(%arg14 : memref<!tpu.dma_semaphore, #tpu.memory_space<semaphore_mem>>)
      } else {
      }
      %dma_wait3A_806 = arith.constant 1 : i32
      %dma_wait3A_807 = arith.constant 0 : i32
      %dma_wait3A_808 = arith.constant 0 : i32
      %dma_wait3A_809 = arith.constant 0 : i32
      %dma_wait3A_810 = tpu.memref_slice %arg10[%dma_wait3A_806, %dma_wait3A_807, %dma_wait3A_808, %dma_wait3A_809] : memref<4x16x2x128xf32, #tpu.memory_space<vmem>> -> memref<1x16x2x128xf32, #tpu.memory_space<vmem>>
      %dma_wait3A_811 = tpu.memref_squeeze %dma_wait3A_810 : memref<1x16x2x128xf32, #tpu.memory_space<vmem>> -> memref<16x2x128xf32, #tpu.memory_space<vmem>>
      %dma_wait3A_812 = arith.constant 0 : i32
      %dma_wait3A_813 = arith.constant 0 : i32
      %dma_wait3A_814 = arith.constant 0 : i32
      %dma_wait3A_815 = tpu.memref_slice %arg4[%dma_wait3A_812, %dma_wait3A_813, %dma_wait3A_814] : memref<10000x2x128xf32, #tpu.memory_space<hbm>> -> memref<16x2x128xf32, #tpu.memory_space<hbm>>
      %dma_wait3A_816 = arith.constant 0 : i32
      %dma_wait3A_817 = arith.constant 0 : i32
      %dma_wait3A_818 = arith.constant 0 : i32
      %dma_wait3A_819 = tpu.memref_slice %arg10[%dma_wait3A_806, %dma_wait3A_816, %dma_wait3A_817, %dma_wait3A_818] : memref<4x16x2x128xf32, #tpu.memory_space<vmem>> -> memref<1x16x2x128xf32, #tpu.memory_space<vmem>>
      %dma_wait3A_820 = tpu.memref_squeeze %dma_wait3A_819 : memref<1x16x2x128xf32, #tpu.memory_space<vmem>> -> memref<16x2x128xf32, #tpu.memory_space<vmem>>
      %dma_wait3A_821 = arith.constant 0 : i32
      %dma_wait3A_822 = arith.constant 0 : i32
      %dma_wait3A_823 = arith.constant 0 : i32
      %dma_wait3A_824 = tpu.memref_slice %arg4[%dma_wait3A_821, %dma_wait3A_822, %dma_wait3A_823] : memref<10000x2x128xf32, #tpu.memory_space<hbm>> -> memref<16x2x128xf32, #tpu.memory_space<hbm>>
      tpu.wait_dma2 semaphore(%arg15 : memref<!tpu.dma_semaphore, #tpu.memory_space<semaphore_mem>>) src(%dma_wait3A_824 : memref<16x2x128xf32, #tpu.memory_space<hbm>>) dst(%dma_wait3A_820 : memref<16x2x128xf32, #tpu.memory_space<vmem>>)
      %mul3A_825 = arith.constant 4 : i32
      %mul3A_826 = arith.muli %mul3A_825, %while3A_771 : i32
      %add3A_827 = arith.constant 1 : i32
      %add3A_828 = arith.addi %mul3A_826, %add3A_827 : i32
      %mul3A_829 = arith.constant 16 : i32
      %mul3A_830 = arith.muli %add3A_828, %mul3A_829 : i32
      %sub3A_831 = arith.constant 10224 : i32
      %sub3A_832 = arith.subi %sub3A_831, %mul3A_830 : i32
      %mul3A_833 = arith.constant 2 : i32
      %mul3A_834 = arith.muli %mul3A_833, %sub3A_832 : i32
      %run_scoped3A_835 = arith.constant 1 : i32
      "tpu.region"() ({
        %run_scoped3A_914 = tpu.sem_alloc : memref<!tpu.dma_semaphore, #tpu.memory_space<semaphore_mem>>
        %dma_start3A_915 = arith.constant 0 : i32
        %dma_start3A_916 = arith.constant 0 : i32
        %dma_start3A_917 = arith.constant 0 : i32
        %dma_start3A_918 = tpu.memref_slice %arg10[%run_scoped3A_835, %dma_start3A_915, %dma_start3A_916, %dma_start3A_917] : memref<4x16x2x128xf32, #tpu.memory_space<vmem>> -> memref<1x16x2x128xf32, #tpu.memory_space<vmem>>
        %dma_start3A_919 = tpu.memref_squeeze %dma_start3A_918 : memref<1x16x2x128xf32, #tpu.memory_space<vmem>> -> memref<16x2x128xf32, #tpu.memory_space<vmem>>
        %dma_start3A_920 = tpu.memref_reshape %dma_start3A_919 : memref<16x2x128xf32, #tpu.memory_space<vmem>> -> memref<32x128xf32, #tpu.memory_space<vmem>>
        %dma_start3A_921 = tpu.memref_slice %arg9[%mul3A_834] : memref<20480xi32, #tpu.memory_space<vmem>> -> memref<32xi32, #tpu.memory_space<vmem>>
        %dma_start3A_922 = arith.constant 0 : i32
        %dma_start3A_923 = arith.constant 0 : i32
        %dma_start3A_924 = tpu.memref_slice %arg13[%dma_start3A_922, %dma_start3A_923] : memref<5120x128xf32, #tpu.memory_space<vmem_shared>> -> memref<5120x128xf32, #tpu.memory_space<vmem_shared>>
        tpu.enqueue_indirect_dma source(%dma_start3A_920 : memref<32x128xf32, #tpu.memory_space<vmem>>) target(%dma_start3A_924 : memref<5120x128xf32, #tpu.memory_space<vmem_shared>>) offsets(%dma_start3A_921 : memref<32xi32, #tpu.memory_space<vmem>>) semaphore(%run_scoped3A_914 : memref<!tpu.dma_semaphore, #tpu.memory_space<semaphore_mem>>) {add = true}
        %dma_wait3A_925 = arith.constant 0 : i32
        %dma_wait3A_926 = arith.constant 0 : i32
        %dma_wait3A_927 = arith.constant 0 : i32
        %dma_wait3A_928 = tpu.memref_slice %arg10[%run_scoped3A_835, %dma_wait3A_925, %dma_wait3A_926, %dma_wait3A_927] : memref<4x16x2x128xf32, #tpu.memory_space<vmem>> -> memref<1x16x2x128xf32, #tpu.memory_space<vmem>>
        %dma_wait3A_929 = tpu.memref_squeeze %dma_wait3A_928 : memref<1x16x2x128xf32, #tpu.memory_space<vmem>> -> memref<16x2x128xf32, #tpu.memory_space<vmem>>
        %dma_wait3A_930 = tpu.memref_reshape %dma_wait3A_929 : memref<16x2x128xf32, #tpu.memory_space<vmem>> -> memref<32x128xf32, #tpu.memory_space<vmem>>
        %dma_wait3A_931 = tpu.memref_slice %arg9[%mul3A_834] : memref<20480xi32, #tpu.memory_space<vmem>> -> memref<32xi32, #tpu.memory_space<vmem>>
        %dma_wait3A_932 = arith.constant 0 : i32
        %dma_wait3A_933 = arith.constant 0 : i32
        %dma_wait3A_934 = tpu.memref_slice %arg13[%dma_wait3A_932, %dma_wait3A_933] : memref<5120x128xf32, #tpu.memory_space<vmem_shared>> -> memref<5120x128xf32, #tpu.memory_space<vmem_shared>>
        tpu.wait_indirect_dma semaphore(%run_scoped3A_914 : memref<!tpu.dma_semaphore, #tpu.memory_space<semaphore_mem>>) src(%dma_wait3A_930 : memref<32x128xf32, #tpu.memory_space<vmem>>) dst(%dma_wait3A_934 : memref<5120x128xf32, #tpu.memory_space<vmem_shared>>)
        tpu.yield
      }) : () -> ()
      %add3A_836 = arith.constant 1 : i32
      %add3A_837 = arith.addi %while3A_771, %add3A_836 : i32
      %lt3A_838 = arith.cmpi slt, %add3A_837, %select_n3A_468 : i32
      %convert_element_type3A_839 = arith.extui %lt3A_838 : i1 to i32
      %cond3A_840 = arith.constant 0 : i32
      %cond3A_841 = arith.cmpi ne, %convert_element_type3A_839, %cond3A_840 : i32
      scf.if %cond3A_841 {
        %add3A_914 = arith.constant 1 : i32
        %add3A_915 = arith.addi %while3A_771, %add3A_914 : i32
        %mul3A_916 = arith.constant 4 : i32
        %mul3A_917 = arith.muli %mul3A_916, %add3A_915 : i32
        %add3A_918 = arith.constant 1 : i32
        %add3A_919 = arith.addi %mul3A_917, %add3A_918 : i32
        %mul3A_920 = arith.constant 16 : i32
        %mul3A_921 = arith.muli %add3A_919, %mul3A_920 : i32
        %sub3A_922 = arith.constant 10224 : i32
        %sub3A_923 = arith.subi %sub3A_922, %mul3A_921 : i32
        %dma_start3A_924 = arith.constant 1 : i32
        %dma_start3A_925 = arith.constant 0 : i32
        %dma_start3A_926 = arith.constant 0 : i32
        %dma_start3A_927 = arith.constant 0 : i32
        %dma_start3A_928 = tpu.memref_slice %arg10[%dma_start3A_924, %dma_start3A_925, %dma_start3A_926, %dma_start3A_927] : memref<4x16x2x128xf32, #tpu.memory_space<vmem>> -> memref<1x16x2x128xf32, #tpu.memory_space<vmem>>
        %dma_start3A_929 = tpu.memref_squeeze %dma_start3A_928 : memref<1x16x2x128xf32, #tpu.memory_space<vmem>> -> memref<16x2x128xf32, #tpu.memory_space<vmem>>
        %dma_start3A_930 = tpu.memref_slice %arg8[%sub3A_923] : memref<10240xi32, #tpu.memory_space<vmem>> -> memref<16xi32, #tpu.memory_space<vmem>>
        %dma_start3A_931 = arith.constant 0 : i32
        %dma_start3A_932 = arith.constant 0 : i32
        %dma_start3A_933 = arith.constant 0 : i32
        %dma_start3A_934 = tpu.memref_slice %arg4[%dma_start3A_931, %dma_start3A_932, %dma_start3A_933] : memref<10000x2x128xf32, #tpu.memory_space<hbm>> -> memref<10000x2x128xf32, #tpu.memory_space<hbm>>
        tpu.enqueue_indirect_dma source(%dma_start3A_934 : memref<10000x2x128xf32, #tpu.memory_space<hbm>>) target(%dma_start3A_929 : memref<16x2x128xf32, #tpu.memory_space<vmem>>) offsets(%dma_start3A_930 : memref<16xi32, #tpu.memory_space<vmem>>) semaphore(%arg15 : memref<!tpu.dma_semaphore, #tpu.memory_space<semaphore_mem>>)
      } else {
      }
      %dma_wait3A_842 = arith.constant 2 : i32
      %dma_wait3A_843 = arith.constant 0 : i32
      %dma_wait3A_844 = arith.constant 0 : i32
      %dma_wait3A_845 = arith.constant 0 : i32
      %dma_wait3A_846 = tpu.memref_slice %arg10[%dma_wait3A_842, %dma_wait3A_843, %dma_wait3A_844, %dma_wait3A_845] : memref<4x16x2x128xf32, #tpu.memory_space<vmem>> -> memref<1x16x2x128xf32, #tpu.memory_space<vmem>>
      %dma_wait3A_847 = tpu.memref_squeeze %dma_wait3A_846 : memref<1x16x2x128xf32, #tpu.memory_space<vmem>> -> memref<16x2x128xf32, #tpu.memory_space<vmem>>
      %dma_wait3A_848 = arith.constant 0 : i32
      %dma_wait3A_849 = arith.constant 0 : i32
      %dma_wait3A_850 = arith.constant 0 : i32
      %dma_wait3A_851 = tpu.memref_slice %arg4[%dma_wait3A_848, %dma_wait3A_849, %dma_wait3A_850] : memref<10000x2x128xf32, #tpu.memory_space<hbm>> -> memref<16x2x128xf32, #tpu.memory_space<hbm>>
      %dma_wait3A_852 = arith.constant 0 : i32
      %dma_wait3A_853 = arith.constant 0 : i32
      %dma_wait3A_854 = arith.constant 0 : i32
      %dma_wait3A_855 = tpu.memref_slice %arg10[%dma_wait3A_842, %dma_wait3A_852, %dma_wait3A_853, %dma_wait3A_854] : memref<4x16x2x128xf32, #tpu.memory_space<vmem>> -> memref<1x16x2x128xf32, #tpu.memory_space<vmem>>
      %dma_wait3A_856 = tpu.memref_squeeze %dma_wait3A_855 : memref<1x16x2x128xf32, #tpu.memory_space<vmem>> -> memref<16x2x128xf32, #tpu.memory_space<vmem>>
      %dma_wait3A_857 = arith.constant 0 : i32
      %dma_wait3A_858 = arith.constant 0 : i32
      %dma_wait3A_859 = arith.constant 0 : i32
      %dma_wait3A_860 = tpu.memref_slice %arg4[%dma_wait3A_857, %dma_wait3A_858, %dma_wait3A_859] : memref<10000x2x128xf32, #tpu.memory_space<hbm>> -> memref<16x2x128xf32, #tpu.memory_space<hbm>>
      tpu.wait_dma2 semaphore(%arg16 : memref<!tpu.dma_semaphore, #tpu.memory_space<semaphore_mem>>) src(%dma_wait3A_860 : memref<16x2x128xf32, #tpu.memory_space<hbm>>) dst(%dma_wait3A_856 : memref<16x2x128xf32, #tpu.memory_space<vmem>>)
      %mul3A_861 = arith.constant 4 : i32
      %mul3A_862 = arith.muli %mul3A_861, %while3A_771 : i32
      %add3A_863 = arith.constant 2 : i32
      %add3A_864 = arith.addi %mul3A_862, %add3A_863 : i32
      %mul3A_865 = arith.constant 16 : i32
      %mul3A_866 = arith.muli %add3A_864, %mul3A_865 : i32
      %sub3A_867 = arith.constant 10224 : i32
      %sub3A_868 = arith.subi %sub3A_867, %mul3A_866 : i32
      %mul3A_869 = arith.constant 2 : i32
      %mul3A_870 = arith.muli %mul3A_869, %sub3A_868 : i32
      %run_scoped3A_871 = arith.constant 2 : i32
      "tpu.region"() ({
        %run_scoped3A_914 = tpu.sem_alloc : memref<!tpu.dma_semaphore, #tpu.memory_space<semaphore_mem>>
        %dma_start3A_915 = arith.constant 0 : i32
        %dma_start3A_916 = arith.constant 0 : i32
        %dma_start3A_917 = arith.constant 0 : i32
        %dma_start3A_918 = tpu.memref_slice %arg10[%run_scoped3A_871, %dma_start3A_915, %dma_start3A_916, %dma_start3A_917] : memref<4x16x2x128xf32, #tpu.memory_space<vmem>> -> memref<1x16x2x128xf32, #tpu.memory_space<vmem>>
        %dma_start3A_919 = tpu.memref_squeeze %dma_start3A_918 : memref<1x16x2x128xf32, #tpu.memory_space<vmem>> -> memref<16x2x128xf32, #tpu.memory_space<vmem>>
        %dma_start3A_920 = tpu.memref_reshape %dma_start3A_919 : memref<16x2x128xf32, #tpu.memory_space<vmem>> -> memref<32x128xf32, #tpu.memory_space<vmem>>
        %dma_start3A_921 = tpu.memref_slice %arg9[%mul3A_870] : memref<20480xi32, #tpu.memory_space<vmem>> -> memref<32xi32, #tpu.memory_space<vmem>>
        %dma_start3A_922 = arith.constant 0 : i32
        %dma_start3A_923 = arith.constant 0 : i32
        %dma_start3A_924 = tpu.memref_slice %arg13[%dma_start3A_922, %dma_start3A_923] : memref<5120x128xf32, #tpu.memory_space<vmem_shared>> -> memref<5120x128xf32, #tpu.memory_space<vmem_shared>>
        tpu.enqueue_indirect_dma source(%dma_start3A_920 : memref<32x128xf32, #tpu.memory_space<vmem>>) target(%dma_start3A_924 : memref<5120x128xf32, #tpu.memory_space<vmem_shared>>) offsets(%dma_start3A_921 : memref<32xi32, #tpu.memory_space<vmem>>) semaphore(%run_scoped3A_914 : memref<!tpu.dma_semaphore, #tpu.memory_space<semaphore_mem>>) {add = true}
        %dma_wait3A_925 = arith.constant 0 : i32
        %dma_wait3A_926 = arith.constant 0 : i32
        %dma_wait3A_927 = arith.constant 0 : i32
        %dma_wait3A_928 = tpu.memref_slice %arg10[%run_scoped3A_871, %dma_wait3A_925, %dma_wait3A_926, %dma_wait3A_927] : memref<4x16x2x128xf32, #tpu.memory_space<vmem>> -> memref<1x16x2x128xf32, #tpu.memory_space<vmem>>
        %dma_wait3A_929 = tpu.memref_squeeze %dma_wait3A_928 : memref<1x16x2x128xf32, #tpu.memory_space<vmem>> -> memref<16x2x128xf32, #tpu.memory_space<vmem>>
        %dma_wait3A_930 = tpu.memref_reshape %dma_wait3A_929 : memref<16x2x128xf32, #tpu.memory_space<vmem>> -> memref<32x128xf32, #tpu.memory_space<vmem>>
        %dma_wait3A_931 = tpu.memref_slice %arg9[%mul3A_870] : memref<20480xi32, #tpu.memory_space<vmem>> -> memref<32xi32, #tpu.memory_space<vmem>>
        %dma_wait3A_932 = arith.constant 0 : i32
        %dma_wait3A_933 = arith.constant 0 : i32
        %dma_wait3A_934 = tpu.memref_slice %arg13[%dma_wait3A_932, %dma_wait3A_933] : memref<5120x128xf32, #tpu.memory_space<vmem_shared>> -> memref<5120x128xf32, #tpu.memory_space<vmem_shared>>
        tpu.wait_indirect_dma semaphore(%run_scoped3A_914 : memref<!tpu.dma_semaphore, #tpu.memory_space<semaphore_mem>>) src(%dma_wait3A_930 : memref<32x128xf32, #tpu.memory_space<vmem>>) dst(%dma_wait3A_934 : memref<5120x128xf32, #tpu.memory_space<vmem_shared>>)
        tpu.yield
      }) : () -> ()
      %add3A_872 = arith.constant 1 : i32
      %add3A_873 = arith.addi %while3A_771, %add3A_872 : i32
      %lt3A_874 = arith.cmpi slt, %add3A_873, %select_n3A_468 : i32
      %convert_element_type3A_875 = arith.extui %lt3A_874 : i1 to i32
      %cond3A_876 = arith.constant 0 : i32
      %cond3A_877 = arith.cmpi ne, %convert_element_type3A_875, %cond3A_876 : i32
      scf.if %cond3A_877 {
        %add3A_914 = arith.constant 1 : i32
        %add3A_915 = arith.addi %while3A_771, %add3A_914 : i32
        %mul3A_916 = arith.constant 4 : i32
        %mul3A_917 = arith.muli %mul3A_916, %add3A_915 : i32
        %add3A_918 = arith.constant 2 : i32
        %add3A_919 = arith.addi %mul3A_917, %add3A_918 : i32
        %mul3A_920 = arith.constant 16 : i32
        %mul3A_921 = arith.muli %add3A_919, %mul3A_920 : i32
        %sub3A_922 = arith.constant 10224 : i32
        %sub3A_923 = arith.subi %sub3A_922, %mul3A_921 : i32
        %dma_start3A_924 = arith.constant 2 : i32
        %dma_start3A_925 = arith.constant 0 : i32
        %dma_start3A_926 = arith.constant 0 : i32
        %dma_start3A_927 = arith.constant 0 : i32
        %dma_start3A_928 = tpu.memref_slice %arg10[%dma_start3A_924, %dma_start3A_925, %dma_start3A_926, %dma_start3A_927] : memref<4x16x2x128xf32, #tpu.memory_space<vmem>> -> memref<1x16x2x128xf32, #tpu.memory_space<vmem>>
        %dma_start3A_929 = tpu.memref_squeeze %dma_start3A_928 : memref<1x16x2x128xf32, #tpu.memory_space<vmem>> -> memref<16x2x128xf32, #tpu.memory_space<vmem>>
        %dma_start3A_930 = tpu.memref_slice %arg8[%sub3A_923] : memref<10240xi32, #tpu.memory_space<vmem>> -> memref<16xi32, #tpu.memory_space<vmem>>
        %dma_start3A_931 = arith.constant 0 : i32
        %dma_start3A_932 = arith.constant 0 : i32
        %dma_start3A_933 = arith.constant 0 : i32
        %dma_start3A_934 = tpu.memref_slice %arg4[%dma_start3A_931, %dma_start3A_932, %dma_start3A_933] : memref<10000x2x128xf32, #tpu.memory_space<hbm>> -> memref<10000x2x128xf32, #tpu.memory_space<hbm>>
        tpu.enqueue_indirect_dma source(%dma_start3A_934 : memref<10000x2x128xf32, #tpu.memory_space<hbm>>) target(%dma_start3A_929 : memref<16x2x128xf32, #tpu.memory_space<vmem>>) offsets(%dma_start3A_930 : memref<16xi32, #tpu.memory_space<vmem>>) semaphore(%arg16 : memref<!tpu.dma_semaphore, #tpu.memory_space<semaphore_mem>>)
      } else {
      }
      %dma_wait3A_878 = arith.constant 3 : i32
      %dma_wait3A_879 = arith.constant 0 : i32
      %dma_wait3A_880 = arith.constant 0 : i32
      %dma_wait3A_881 = arith.constant 0 : i32
      %dma_wait3A_882 = tpu.memref_slice %arg10[%dma_wait3A_878, %dma_wait3A_879, %dma_wait3A_880, %dma_wait3A_881] : memref<4x16x2x128xf32, #tpu.memory_space<vmem>> -> memref<1x16x2x128xf32, #tpu.memory_space<vmem>>
      %dma_wait3A_883 = tpu.memref_squeeze %dma_wait3A_882 : memref<1x16x2x128xf32, #tpu.memory_space<vmem>> -> memref<16x2x128xf32, #tpu.memory_space<vmem>>
      %dma_wait3A_884 = arith.constant 0 : i32
      %dma_wait3A_885 = arith.constant 0 : i32
      %dma_wait3A_886 = arith.constant 0 : i32
      %dma_wait3A_887 = tpu.memref_slice %arg4[%dma_wait3A_884, %dma_wait3A_885, %dma_wait3A_886] : memref<10000x2x128xf32, #tpu.memory_space<hbm>> -> memref<16x2x128xf32, #tpu.memory_space<hbm>>
      %dma_wait3A_888 = arith.constant 0 : i32
      %dma_wait3A_889 = arith.constant 0 : i32
      %dma_wait3A_890 = arith.constant 0 : i32
      %dma_wait3A_891 = tpu.memref_slice %arg10[%dma_wait3A_878, %dma_wait3A_888, %dma_wait3A_889, %dma_wait3A_890] : memref<4x16x2x128xf32, #tpu.memory_space<vmem>> -> memref<1x16x2x128xf32, #tpu.memory_space<vmem>>
      %dma_wait3A_892 = tpu.memref_squeeze %dma_wait3A_891 : memref<1x16x2x128xf32, #tpu.memory_space<vmem>> -> memref<16x2x128xf32, #tpu.memory_space<vmem>>
      %dma_wait3A_893 = arith.constant 0 : i32
      %dma_wait3A_894 = arith.constant 0 : i32
      %dma_wait3A_895 = arith.constant 0 : i32
      %dma_wait3A_896 = tpu.memref_slice %arg4[%dma_wait3A_893, %dma_wait3A_894, %dma_wait3A_895] : memref<10000x2x128xf32, #tpu.memory_space<hbm>> -> memref<16x2x128xf32, #tpu.memory_space<hbm>>
      tpu.wait_dma2 semaphore(%arg17 : memref<!tpu.dma_semaphore, #tpu.memory_space<semaphore_mem>>) src(%dma_wait3A_896 : memref<16x2x128xf32, #tpu.memory_space<hbm>>) dst(%dma_wait3A_892 : memref<16x2x128xf32, #tpu.memory_space<vmem>>)
      %mul3A_897 = arith.constant 4 : i32
      %mul3A_898 = arith.muli %mul3A_897, %while3A_771 : i32
      %add3A_899 = arith.constant 3 : i32
      %add3A_900 = arith.addi %mul3A_898, %add3A_899 : i32
      %mul3A_901 = arith.constant 16 : i32
      %mul3A_902 = arith.muli %add3A_900, %mul3A_901 : i32
      %sub3A_903 = arith.constant 10224 : i32
      %sub3A_904 = arith.subi %sub3A_903, %mul3A_902 : i32
      %mul3A_905 = arith.constant 2 : i32
      %mul3A_906 = arith.muli %mul3A_905, %sub3A_904 : i32
      %run_scoped3A_907 = arith.constant 3 : i32
      "tpu.region"() ({
        %run_scoped3A_914 = tpu.sem_alloc : memref<!tpu.dma_semaphore, #tpu.memory_space<semaphore_mem>>
        %dma_start3A_915 = arith.constant 0 : i32
        %dma_start3A_916 = arith.constant 0 : i32
        %dma_start3A_917 = arith.constant 0 : i32
        %dma_start3A_918 = tpu.memref_slice %arg10[%run_scoped3A_907, %dma_start3A_915, %dma_start3A_916, %dma_start3A_917] : memref<4x16x2x128xf32, #tpu.memory_space<vmem>> -> memref<1x16x2x128xf32, #tpu.memory_space<vmem>>
        %dma_start3A_919 = tpu.memref_squeeze %dma_start3A_918 : memref<1x16x2x128xf32, #tpu.memory_space<vmem>> -> memref<16x2x128xf32, #tpu.memory_space<vmem>>
        %dma_start3A_920 = tpu.memref_reshape %dma_start3A_919 : memref<16x2x128xf32, #tpu.memory_space<vmem>> -> memref<32x128xf32, #tpu.memory_space<vmem>>
        %dma_start3A_921 = tpu.memref_slice %arg9[%mul3A_906] : memref<20480xi32, #tpu.memory_space<vmem>> -> memref<32xi32, #tpu.memory_space<vmem>>
        %dma_start3A_922 = arith.constant 0 : i32
        %dma_start3A_923 = arith.constant 0 : i32
        %dma_start3A_924 = tpu.memref_slice %arg13[%dma_start3A_922, %dma_start3A_923] : memref<5120x128xf32, #tpu.memory_space<vmem_shared>> -> memref<5120x128xf32, #tpu.memory_space<vmem_shared>>
        tpu.enqueue_indirect_dma source(%dma_start3A_920 : memref<32x128xf32, #tpu.memory_space<vmem>>) target(%dma_start3A_924 : memref<5120x128xf32, #tpu.memory_space<vmem_shared>>) offsets(%dma_start3A_921 : memref<32xi32, #tpu.memory_space<vmem>>) semaphore(%run_scoped3A_914 : memref<!tpu.dma_semaphore, #tpu.memory_space<semaphore_mem>>) {add = true}
        %dma_wait3A_925 = arith.constant 0 : i32
        %dma_wait3A_926 = arith.constant 0 : i32
        %dma_wait3A_927 = arith.constant 0 : i32
        %dma_wait3A_928 = tpu.memref_slice %arg10[%run_scoped3A_907, %dma_wait3A_925, %dma_wait3A_926, %dma_wait3A_927] : memref<4x16x2x128xf32, #tpu.memory_space<vmem>> -> memref<1x16x2x128xf32, #tpu.memory_space<vmem>>
        %dma_wait3A_929 = tpu.memref_squeeze %dma_wait3A_928 : memref<1x16x2x128xf32, #tpu.memory_space<vmem>> -> memref<16x2x128xf32, #tpu.memory_space<vmem>>
        %dma_wait3A_930 = tpu.memref_reshape %dma_wait3A_929 : memref<16x2x128xf32, #tpu.memory_space<vmem>> -> memref<32x128xf32, #tpu.memory_space<vmem>>
        %dma_wait3A_931 = tpu.memref_slice %arg9[%mul3A_906] : memref<20480xi32, #tpu.memory_space<vmem>> -> memref<32xi32, #tpu.memory_space<vmem>>
        %dma_wait3A_932 = arith.constant 0 : i32
        %dma_wait3A_933 = arith.constant 0 : i32
        %dma_wait3A_934 = tpu.memref_slice %arg13[%dma_wait3A_932, %dma_wait3A_933] : memref<5120x128xf32, #tpu.memory_space<vmem_shared>> -> memref<5120x128xf32, #tpu.memory_space<vmem_shared>>
        tpu.wait_indirect_dma semaphore(%run_scoped3A_914 : memref<!tpu.dma_semaphore, #tpu.memory_space<semaphore_mem>>) src(%dma_wait3A_930 : memref<32x128xf32, #tpu.memory_space<vmem>>) dst(%dma_wait3A_934 : memref<5120x128xf32, #tpu.memory_space<vmem_shared>>)
        tpu.yield
      }) : () -> ()
      %add3A_908 = arith.constant 1 : i32
      %add3A_909 = arith.addi %while3A_771, %add3A_908 : i32
      %lt3A_910 = arith.cmpi slt, %add3A_909, %select_n3A_468 : i32
      %convert_element_type3A_911 = arith.extui %lt3A_910 : i1 to i32
      %cond3A_912 = arith.constant 0 : i32
      %cond3A_913 = arith.cmpi ne, %convert_element_type3A_911, %cond3A_912 : i32
      scf.if %cond3A_913 {
        %add3A_914 = arith.constant 1 : i32
        %add3A_915 = arith.addi %while3A_771, %add3A_914 : i32
        %mul3A_916 = arith.constant 4 : i32
        %mul3A_917 = arith.muli %mul3A_916, %add3A_915 : i32
        %add3A_918 = arith.constant 3 : i32
        %add3A_919 = arith.addi %mul3A_917, %add3A_918 : i32
        %mul3A_920 = arith.constant 16 : i32
        %mul3A_921 = arith.muli %add3A_919, %mul3A_920 : i32
        %sub3A_922 = arith.constant 10224 : i32
        %sub3A_923 = arith.subi %sub3A_922, %mul3A_921 : i32
        %dma_start3A_924 = arith.constant 3 : i32
        %dma_start3A_925 = arith.constant 0 : i32
        %dma_start3A_926 = arith.constant 0 : i32
        %dma_start3A_927 = arith.constant 0 : i32
        %dma_start3A_928 = tpu.memref_slice %arg10[%dma_start3A_924, %dma_start3A_925, %dma_start3A_926, %dma_start3A_927] : memref<4x16x2x128xf32, #tpu.memory_space<vmem>> -> memref<1x16x2x128xf32, #tpu.memory_space<vmem>>
        %dma_start3A_929 = tpu.memref_squeeze %dma_start3A_928 : memref<1x16x2x128xf32, #tpu.memory_space<vmem>> -> memref<16x2x128xf32, #tpu.memory_space<vmem>>
        %dma_start3A_930 = tpu.memref_slice %arg8[%sub3A_923] : memref<10240xi32, #tpu.memory_space<vmem>> -> memref<16xi32, #tpu.memory_space<vmem>>
        %dma_start3A_931 = arith.constant 0 : i32
        %dma_start3A_932 = arith.constant 0 : i32
        %dma_start3A_933 = arith.constant 0 : i32
        %dma_start3A_934 = tpu.memref_slice %arg4[%dma_start3A_931, %dma_start3A_932, %dma_start3A_933] : memref<10000x2x128xf32, #tpu.memory_space<hbm>> -> memref<10000x2x128xf32, #tpu.memory_space<hbm>>
        tpu.enqueue_indirect_dma source(%dma_start3A_934 : memref<10000x2x128xf32, #tpu.memory_space<hbm>>) target(%dma_start3A_929 : memref<16x2x128xf32, #tpu.memory_space<vmem>>) offsets(%dma_start3A_930 : memref<16xi32, #tpu.memory_space<vmem>>) semaphore(%arg17 : memref<!tpu.dma_semaphore, #tpu.memory_space<semaphore_mem>>)
      } else {
      }
    }
    %while3A_753 = arith.constant 1 : i32
    scf.for %while3A_771 = %while3A_751 to %while3A_747 step %while3A_753  : i32 {
      %dma_wait3A_772 = arith.constant 0 : i32
      %dma_wait3A_773 = arith.constant 0 : i32
      %dma_wait3A_774 = arith.constant 0 : i32
      %dma_wait3A_775 = arith.constant 0 : i32
      %dma_wait3A_776 = tpu.memref_slice %arg10[%dma_wait3A_772, %dma_wait3A_773, %dma_wait3A_774, %dma_wait3A_775] : memref<4x16x2x128xf32, #tpu.memory_space<vmem>> -> memref<1x16x2x128xf32, #tpu.memory_space<vmem>>
      %dma_wait3A_777 = tpu.memref_squeeze %dma_wait3A_776 : memref<1x16x2x128xf32, #tpu.memory_space<vmem>> -> memref<16x2x128xf32, #tpu.memory_space<vmem>>
      %dma_wait3A_778 = arith.constant 0 : i32
      %dma_wait3A_779 = arith.constant 0 : i32
      %dma_wait3A_780 = arith.constant 0 : i32
      %dma_wait3A_781 = tpu.memref_slice %arg4[%dma_wait3A_778, %dma_wait3A_779, %dma_wait3A_780] : memref<10000x2x128xf32, #tpu.memory_space<hbm>> -> memref<16x2x128xf32, #tpu.memory_space<hbm>>
      %dma_wait3A_782 = arith.constant 0 : i32
      %dma_wait3A_783 = arith.constant 0 : i32
      %dma_wait3A_784 = arith.constant 0 : i32
      %dma_wait3A_785 = tpu.memref_slice %arg10[%dma_wait3A_772, %dma_wait3A_782, %dma_wait3A_783, %dma_wait3A_784] : memref<4x16x2x128xf32, #tpu.memory_space<vmem>> -> memref<1x16x2x128xf32, #tpu.memory_space<vmem>>
      %dma_wait3A_786 = tpu.memref_squeeze %dma_wait3A_785 : memref<1x16x2x128xf32, #tpu.memory_space<vmem>> -> memref<16x2x128xf32, #tpu.memory_space<vmem>>
      %dma_wait3A_787 = arith.constant 0 : i32
      %dma_wait3A_788 = arith.constant 0 : i32
      %dma_wait3A_789 = arith.constant 0 : i32
      %dma_wait3A_790 = tpu.memref_slice %arg4[%dma_wait3A_787, %dma_wait3A_788, %dma_wait3A_789] : memref<10000x2x128xf32, #tpu.memory_space<hbm>> -> memref<16x2x128xf32, #tpu.memory_space<hbm>>
      tpu.wait_dma2 semaphore(%arg14 : memref<!tpu.dma_semaphore, #tpu.memory_space<semaphore_mem>>) src(%dma_wait3A_790 : memref<16x2x128xf32, #tpu.memory_space<hbm>>) dst(%dma_wait3A_786 : memref<16x2x128xf32, #tpu.memory_space<vmem>>)
      %mul3A_791 = arith.constant 4 : i32
      %mul3A_792 = arith.muli %mul3A_791, %while3A_771 : i32
      %add3A_793 = arith.constant 0 : i32
      %add3A_794 = arith.addi %mul3A_792, %add3A_793 : i32
      %mul3A_795 = arith.constant 16 : i32
      %mul3A_796 = arith.muli %add3A_794, %mul3A_795 : i32
      %sub3A_797 = arith.constant 10224 : i32
      %sub3A_798 = arith.subi %sub3A_797, %mul3A_796 : i32
      %mul3A_799 = arith.constant 2 : i32
      %mul3A_800 = arith.muli %mul3A_799, %sub3A_798 : i32
      %run_scoped3A = arith.constant 0 : i32
      "tpu.region"() ({
        %run_scoped3A_914 = tpu.sem_alloc : memref<!tpu.dma_semaphore, #tpu.memory_space<semaphore_mem>>
        %dma_start3A_915 = arith.constant 0 : i32
        %dma_start3A_916 = arith.constant 0 : i32
        %dma_start3A_917 = arith.constant 0 : i32
        %dma_start3A_918 = tpu.memref_slice %arg10[%run_scoped3A, %dma_start3A_915, %dma_start3A_916, %dma_start3A_917] : memref<4x16x2x128xf32, #tpu.memory_space<vmem>> -> memref<1x16x2x128xf32, #tpu.memory_space<vmem>>
        %dma_start3A_919 = tpu.memref_squeeze %dma_start3A_918 : memref<1x16x2x128xf32, #tpu.memory_space<vmem>> -> memref<16x2x128xf32, #tpu.memory_space<vmem>>
        %dma_start3A_920 = tpu.memref_reshape %dma_start3A_919 : memref<16x2x128xf32, #tpu.memory_space<vmem>> -> memref<32x128xf32, #tpu.memory_space<vmem>>
        %dma_start3A_921 = tpu.memref_slice %arg9[%mul3A_800] : memref<20480xi32, #tpu.memory_space<vmem>> -> memref<32xi32, #tpu.memory_space<vmem>>
        %dma_start3A_922 = arith.constant 0 : i32
        %dma_start3A_923 = arith.constant 0 : i32
        %dma_start3A_924 = tpu.memref_slice %arg13[%dma_start3A_922, %dma_start3A_923] : memref<5120x128xf32, #tpu.memory_space<vmem_shared>> -> memref<5120x128xf32, #tpu.memory_space<vmem_shared>>
        tpu.enqueue_indirect_dma source(%dma_start3A_920 : memref<32x128xf32, #tpu.memory_space<vmem>>) target(%dma_start3A_924 : memref<5120x128xf32, #tpu.memory_space<vmem_shared>>) offsets(%dma_start3A_921 : memref<32xi32, #tpu.memory_space<vmem>>) semaphore(%run_scoped3A_914 : memref<!tpu.dma_semaphore, #tpu.memory_space<semaphore_mem>>) {add = true}
        %dma_wait3A_925 = arith.constant 0 : i32
        %dma_wait3A_926 = arith.constant 0 : i32
        %dma_wait3A_927 = arith.constant 0 : i32
        %dma_wait3A_928 = tpu.memref_slice %arg10[%run_scoped3A, %dma_wait3A_925, %dma_wait3A_926, %dma_wait3A_927] : memref<4x16x2x128xf32, #tpu.memory_space<vmem>> -> memref<1x16x2x128xf32, #tpu.memory_space<vmem>>
        %dma_wait3A_929 = tpu.memref_squeeze %dma_wait3A_928 : memref<1x16x2x128xf32, #tpu.memory_space<vmem>> -> memref<16x2x128xf32, #tpu.memory_space<vmem>>
        %dma_wait3A_930 = tpu.memref_reshape %dma_wait3A_929 : memref<16x2x128xf32, #tpu.memory_space<vmem>> -> memref<32x128xf32, #tpu.memory_space<vmem>>
        %dma_wait3A_931 = tpu.memref_slice %arg9[%mul3A_800] : memref<20480xi32, #tpu.memory_space<vmem>> -> memref<32xi32, #tpu.memory_space<vmem>>
        %dma_wait3A_932 = arith.constant 0 : i32
        %dma_wait3A_933 = arith.constant 0 : i32
        %dma_wait3A_934 = tpu.memref_slice %arg13[%dma_wait3A_932, %dma_wait3A_933] : memref<5120x128xf32, #tpu.memory_space<vmem_shared>> -> memref<5120x128xf32, #tpu.memory_space<vmem_shared>>
        tpu.wait_indirect_dma semaphore(%run_scoped3A_914 : memref<!tpu.dma_semaphore, #tpu.memory_space<semaphore_mem>>) src(%dma_wait3A_930 : memref<32x128xf32, #tpu.memory_space<vmem>>) dst(%dma_wait3A_934 : memref<5120x128xf32, #tpu.memory_space<vmem_shared>>)
        tpu.yield
      }) : () -> ()
      %add3A_801 = arith.constant 1 : i32
      %add3A_802 = arith.addi %while3A_771, %add3A_801 : i32
      %lt3A = arith.cmpi slt, %add3A_802, %select_n3A_468 : i32
      %convert_element_type3A_803 = arith.extui %lt3A : i1 to i32
      %cond3A_804 = arith.constant 0 : i32
      %cond3A_805 = arith.cmpi ne, %convert_element_type3A_803, %cond3A_804 : i32
      scf.if %cond3A_805 {
        %add3A_914 = arith.constant 1 : i32
        %add3A_915 = arith.addi %while3A_771, %add3A_914 : i32
        %mul3A_916 = arith.constant 4 : i32
        %mul3A_917 = arith.muli %mul3A_916, %add3A_915 : i32
        %add3A_918 = arith.constant 0 : i32
        %add3A_919 = arith.addi %mul3A_917, %add3A_918 : i32
        %mul3A_920 = arith.constant 16 : i32
        %mul3A_921 = arith.muli %add3A_919, %mul3A_920 : i32
        %sub3A_922 = arith.constant 10224 : i32
        %sub3A_923 = arith.subi %sub3A_922, %mul3A_921 : i32
        %dma_start3A_924 = arith.constant 0 : i32
        %dma_start3A_925 = arith.constant 0 : i32
        %dma_start3A_926 = arith.constant 0 : i32
        %dma_start3A_927 = arith.constant 0 : i32
        %dma_start3A_928 = tpu.memref_slice %arg10[%dma_start3A_924, %dma_start3A_925, %dma_start3A_926, %dma_start3A_927] : memref<4x16x2x128xf32, #tpu.memory_space<vmem>> -> memref<1x16x2x128xf32, #tpu.memory_space<vmem>>
        %dma_start3A_929 = tpu.memref_squeeze %dma_start3A_928 : memref<1x16x2x128xf32, #tpu.memory_space<vmem>> -> memref<16x2x128xf32, #tpu.memory_space<vmem>>
        %dma_start3A_930 = tpu.memref_slice %arg8[%sub3A_923] : memref<10240xi32, #tpu.memory_space<vmem>> -> memref<16xi32, #tpu.memory_space<vmem>>
        %dma_start3A_931 = arith.constant 0 : i32
        %dma_start3A_932 = arith.constant 0 : i32
        %dma_start3A_933 = arith.constant 0 : i32
        %dma_start3A_934 = tpu.memref_slice %arg4[%dma_start3A_931, %dma_start3A_932, %dma_start3A_933] : memref<10000x2x128xf32, #tpu.memory_space<hbm>> -> memref<10000x2x128xf32, #tpu.memory_space<hbm>>
        tpu.enqueue_indirect_dma source(%dma_start3A_934 : memref<10000x2x128xf32, #tpu.memory_space<hbm>>) target(%dma_start3A_929 : memref<16x2x128xf32, #tpu.memory_space<vmem>>) offsets(%dma_start3A_930 : memref<16xi32, #tpu.memory_space<vmem>>) semaphore(%arg14 : memref<!tpu.dma_semaphore, #tpu.memory_space<semaphore_mem>>)
      } else {
      }
      %dma_wait3A_806 = arith.constant 1 : i32
      %dma_wait3A_807 = arith.constant 0 : i32
      %dma_wait3A_808 = arith.constant 0 : i32
      %dma_wait3A_809 = arith.constant 0 : i32
      %dma_wait3A_810 = tpu.memref_slice %arg10[%dma_wait3A_806, %dma_wait3A_807, %dma_wait3A_808, %dma_wait3A_809] : memref<4x16x2x128xf32, #tpu.memory_space<vmem>> -> memref<1x16x2x128xf32, #tpu.memory_space<vmem>>
      %dma_wait3A_811 = tpu.memref_squeeze %dma_wait3A_810 : memref<1x16x2x128xf32, #tpu.memory_space<vmem>> -> memref<16x2x128xf32, #tpu.memory_space<vmem>>
      %dma_wait3A_812 = arith.constant 0 : i32
      %dma_wait3A_813 = arith.constant 0 : i32
      %dma_wait3A_814 = arith.constant 0 : i32
      %dma_wait3A_815 = tpu.memref_slice %arg4[%dma_wait3A_812, %dma_wait3A_813, %dma_wait3A_814] : memref<10000x2x128xf32, #tpu.memory_space<hbm>> -> memref<16x2x128xf32, #tpu.memory_space<hbm>>
      %dma_wait3A_816 = arith.constant 0 : i32
      %dma_wait3A_817 = arith.constant 0 : i32
      %dma_wait3A_818 = arith.constant 0 : i32
      %dma_wait3A_819 = tpu.memref_slice %arg10[%dma_wait3A_806, %dma_wait3A_816, %dma_wait3A_817, %dma_wait3A_818] : memref<4x16x2x128xf32, #tpu.memory_space<vmem>> -> memref<1x16x2x128xf32, #tpu.memory_space<vmem>>
      %dma_wait3A_820 = tpu.memref_squeeze %dma_wait3A_819 : memref<1x16x2x128xf32, #tpu.memory_space<vmem>> -> memref<16x2x128xf32, #tpu.memory_space<vmem>>
      %dma_wait3A_821 = arith.constant 0 : i32
      %dma_wait3A_822 = arith.constant 0 : i32
      %dma_wait3A_823 = arith.constant 0 : i32
      %dma_wait3A_824 = tpu.memref_slice %arg4[%dma_wait3A_821, %dma_wait3A_822, %dma_wait3A_823] : memref<10000x2x128xf32, #tpu.memory_space<hbm>> -> memref<16x2x128xf32, #tpu.memory_space<hbm>>
      tpu.wait_dma2 semaphore(%arg15 : memref<!tpu.dma_semaphore, #tpu.memory_space<semaphore_mem>>) src(%dma_wait3A_824 : memref<16x2x128xf32, #tpu.memory_space<hbm>>) dst(%dma_wait3A_820 : memref<16x2x128xf32, #tpu.memory_space<vmem>>)
      %mul3A_825 = arith.constant 4 : i32
      %mul3A_826 = arith.muli %mul3A_825, %while3A_771 : i32
      %add3A_827 = arith.constant 1 : i32
      %add3A_828 = arith.addi %mul3A_826, %add3A_827 : i32
      %mul3A_829 = arith.constant 16 : i32
      %mul3A_830 = arith.muli %add3A_828, %mul3A_829 : i32
      %sub3A_831 = arith.constant 10224 : i32
      %sub3A_832 = arith.subi %sub3A_831, %mul3A_830 : i32
      %mul3A_833 = arith.constant 2 : i32
      %mul3A_834 = arith.muli %mul3A_833, %sub3A_832 : i32
      %run_scoped3A_835 = arith.constant 1 : i32
      "tpu.region"() ({
        %run_scoped3A_914 = tpu.sem_alloc : memref<!tpu.dma_semaphore, #tpu.memory_space<semaphore_mem>>
        %dma_start3A_915 = arith.constant 0 : i32
        %dma_start3A_916 = arith.constant 0 : i32
        %dma_start3A_917 = arith.constant 0 : i32
        %dma_start3A_918 = tpu.memref_slice %arg10[%run_scoped3A_835, %dma_start3A_915, %dma_start3A_916, %dma_start3A_917] : memref<4x16x2x128xf32, #tpu.memory_space<vmem>> -> memref<1x16x2x128xf32, #tpu.memory_space<vmem>>
        %dma_start3A_919 = tpu.memref_squeeze %dma_start3A_918 : memref<1x16x2x128xf32, #tpu.memory_space<vmem>> -> memref<16x2x128xf32, #tpu.memory_space<vmem>>
        %dma_start3A_920 = tpu.memref_reshape %dma_start3A_919 : memref<16x2x128xf32, #tpu.memory_space<vmem>> -> memref<32x128xf32, #tpu.memory_space<vmem>>
        %dma_start3A_921 = tpu.memref_slice %arg9[%mul3A_834] : memref<20480xi32, #tpu.memory_space<vmem>> -> memref<32xi32, #tpu.memory_space<vmem>>
        %dma_start3A_922 = arith.constant 0 : i32
        %dma_start3A_923 = arith.constant 0 : i32
        %dma_start3A_924 = tpu.memref_slice %arg13[%dma_start3A_922, %dma_start3A_923] : memref<5120x128xf32, #tpu.memory_space<vmem_shared>> -> memref<5120x128xf32, #tpu.memory_space<vmem_shared>>
        tpu.enqueue_indirect_dma source(%dma_start3A_920 : memref<32x128xf32, #tpu.memory_space<vmem>>) target(%dma_start3A_924 : memref<5120x128xf32, #tpu.memory_space<vmem_shared>>) offsets(%dma_start3A_921 : memref<32xi32, #tpu.memory_space<vmem>>) semaphore(%run_scoped3A_914 : memref<!tpu.dma_semaphore, #tpu.memory_space<semaphore_mem>>) {add = true}
        %dma_wait3A_925 = arith.constant 0 : i32
        %dma_wait3A_926 = arith.constant 0 : i32
        %dma_wait3A_927 = arith.constant 0 : i32
        %dma_wait3A_928 = tpu.memref_slice %arg10[%run_scoped3A_835, %dma_wait3A_925, %dma_wait3A_926, %dma_wait3A_927] : memref<4x16x2x128xf32, #tpu.memory_space<vmem>> -> memref<1x16x2x128xf32, #tpu.memory_space<vmem>>
        %dma_wait3A_929 = tpu.memref_squeeze %dma_wait3A_928 : memref<1x16x2x128xf32, #tpu.memory_space<vmem>> -> memref<16x2x128xf32, #tpu.memory_space<vmem>>
        %dma_wait3A_930 = tpu.memref_reshape %dma_wait3A_929 : memref<16x2x128xf32, #tpu.memory_space<vmem>> -> memref<32x128xf32, #tpu.memory_space<vmem>>
        %dma_wait3A_931 = tpu.memref_slice %arg9[%mul3A_834] : memref<20480xi32, #tpu.memory_space<vmem>> -> memref<32xi32, #tpu.memory_space<vmem>>
        %dma_wait3A_932 = arith.constant 0 : i32
        %dma_wait3A_933 = arith.constant 0 : i32
        %dma_wait3A_934 = tpu.memref_slice %arg13[%dma_wait3A_932, %dma_wait3A_933] : memref<5120x128xf32, #tpu.memory_space<vmem_shared>> -> memref<5120x128xf32, #tpu.memory_space<vmem_shared>>
        tpu.wait_indirect_dma semaphore(%run_scoped3A_914 : memref<!tpu.dma_semaphore, #tpu.memory_space<semaphore_mem>>) src(%dma_wait3A_930 : memref<32x128xf32, #tpu.memory_space<vmem>>) dst(%dma_wait3A_934 : memref<5120x128xf32, #tpu.memory_space<vmem_shared>>)
        tpu.yield
      }) : () -> ()
      %add3A_836 = arith.constant 1 : i32
      %add3A_837 = arith.addi %while3A_771, %add3A_836 : i32
      %lt3A_838 = arith.cmpi slt, %add3A_837, %select_n3A_468 : i32
      %convert_element_type3A_839 = arith.extui %lt3A_838 : i1 to i32
      %cond3A_840 = arith.constant 0 : i32
      %cond3A_841 = arith.cmpi ne, %convert_element_type3A_839, %cond3A_840 : i32
      scf.if %cond3A_841 {
        %add3A_914 = arith.constant 1 : i32
        %add3A_915 = arith.addi %while3A_771, %add3A_914 : i32
        %mul3A_916 = arith.constant 4 : i32
        %mul3A_917 = arith.muli %mul3A_916, %add3A_915 : i32
        %add3A_918 = arith.constant 1 : i32
        %add3A_919 = arith.addi %mul3A_917, %add3A_918 : i32
        %mul3A_920 = arith.constant 16 : i32
        %mul3A_921 = arith.muli %add3A_919, %mul3A_920 : i32
        %sub3A_922 = arith.constant 10224 : i32
        %sub3A_923 = arith.subi %sub3A_922, %mul3A_921 : i32
        %dma_start3A_924 = arith.constant 1 : i32
        %dma_start3A_925 = arith.constant 0 : i32
        %dma_start3A_926 = arith.constant 0 : i32
        %dma_start3A_927 = arith.constant 0 : i32
        %dma_start3A_928 = tpu.memref_slice %arg10[%dma_start3A_924, %dma_start3A_925, %dma_start3A_926, %dma_start3A_927] : memref<4x16x2x128xf32, #tpu.memory_space<vmem>> -> memref<1x16x2x128xf32, #tpu.memory_space<vmem>>
        %dma_start3A_929 = tpu.memref_squeeze %dma_start3A_928 : memref<1x16x2x128xf32, #tpu.memory_space<vmem>> -> memref<16x2x128xf32, #tpu.memory_space<vmem>>
        %dma_start3A_930 = tpu.memref_slice %arg8[%sub3A_923] : memref<10240xi32, #tpu.memory_space<vmem>> -> memref<16xi32, #tpu.memory_space<vmem>>
        %dma_start3A_931 = arith.constant 0 : i32
        %dma_start3A_932 = arith.constant 0 : i32
        %dma_start3A_933 = arith.constant 0 : i32
        %dma_start3A_934 = tpu.memref_slice %arg4[%dma_start3A_931, %dma_start3A_932, %dma_start3A_933] : memref<10000x2x128xf32, #tpu.memory_space<hbm>> -> memref<10000x2x128xf32, #tpu.memory_space<hbm>>
        tpu.enqueue_indirect_dma source(%dma_start3A_934 : memref<10000x2x128xf32, #tpu.memory_space<hbm>>) target(%dma_start3A_929 : memref<16x2x128xf32, #tpu.memory_space<vmem>>) offsets(%dma_start3A_930 : memref<16xi32, #tpu.memory_space<vmem>>) semaphore(%arg15 : memref<!tpu.dma_semaphore, #tpu.memory_space<semaphore_mem>>)
      } else {
      }
      %dma_wait3A_842 = arith.constant 2 : i32
      %dma_wait3A_843 = arith.constant 0 : i32
      %dma_wait3A_844 = arith.constant 0 : i32
      %dma_wait3A_845 = arith.constant 0 : i32
      %dma_wait3A_846 = tpu.memref_slice %arg10[%dma_wait3A_842, %dma_wait3A_843, %dma_wait3A_844, %dma_wait3A_845] : memref<4x16x2x128xf32, #tpu.memory_space<vmem>> -> memref<1x16x2x128xf32, #tpu.memory_space<vmem>>
      %dma_wait3A_847 = tpu.memref_squeeze %dma_wait3A_846 : memref<1x16x2x128xf32, #tpu.memory_space<vmem>> -> memref<16x2x128xf32, #tpu.memory_space<vmem>>
      %dma_wait3A_848 = arith.constant 0 : i32
      %dma_wait3A_849 = arith.constant 0 : i32
      %dma_wait3A_850 = arith.constant 0 : i32
      %dma_wait3A_851 = tpu.memref_slice %arg4[%dma_wait3A_848, %dma_wait3A_849, %dma_wait3A_850] : memref<10000x2x128xf32, #tpu.memory_space<hbm>> -> memref<16x2x128xf32, #tpu.memory_space<hbm>>
      %dma_wait3A_852 = arith.constant 0 : i32
      %dma_wait3A_853 = arith.constant 0 : i32
      %dma_wait3A_854 = arith.constant 0 : i32
      %dma_wait3A_855 = tpu.memref_slice %arg10[%dma_wait3A_842, %dma_wait3A_852, %dma_wait3A_853, %dma_wait3A_854] : memref<4x16x2x128xf32, #tpu.memory_space<vmem>> -> memref<1x16x2x128xf32, #tpu.memory_space<vmem>>
      %dma_wait3A_856 = tpu.memref_squeeze %dma_wait3A_855 : memref<1x16x2x128xf32, #tpu.memory_space<vmem>> -> memref<16x2x128xf32, #tpu.memory_space<vmem>>
      %dma_wait3A_857 = arith.constant 0 : i32
      %dma_wait3A_858 = arith.constant 0 : i32
      %dma_wait3A_859 = arith.constant 0 : i32
      %dma_wait3A_860 = tpu.memref_slice %arg4[%dma_wait3A_857, %dma_wait3A_858, %dma_wait3A_859] : memref<10000x2x128xf32, #tpu.memory_space<hbm>> -> memref<16x2x128xf32, #tpu.memory_space<hbm>>
      tpu.wait_dma2 semaphore(%arg16 : memref<!tpu.dma_semaphore, #tpu.memory_space<semaphore_mem>>) src(%dma_wait3A_860 : memref<16x2x128xf32, #tpu.memory_space<hbm>>) dst(%dma_wait3A_856 : memref<16x2x128xf32, #tpu.memory_space<vmem>>)
      %mul3A_861 = arith.constant 4 : i32
      %mul3A_862 = arith.muli %mul3A_861, %while3A_771 : i32
      %add3A_863 = arith.constant 2 : i32
      %add3A_864 = arith.addi %mul3A_862, %add3A_863 : i32
      %mul3A_865 = arith.constant 16 : i32
      %mul3A_866 = arith.muli %add3A_864, %mul3A_865 : i32
      %sub3A_867 = arith.constant 10224 : i32
      %sub3A_868 = arith.subi %sub3A_867, %mul3A_866 : i32
      %mul3A_869 = arith.constant 2 : i32
      %mul3A_870 = arith.muli %mul3A_869, %sub3A_868 : i32
      %run_scoped3A_871 = arith.constant 2 : i32
      "tpu.region"() ({
        %run_scoped3A_914 = tpu.sem_alloc : memref<!tpu.dma_semaphore, #tpu.memory_space<semaphore_mem>>
        %dma_start3A_915 = arith.constant 0 : i32
        %dma_start3A_916 = arith.constant 0 : i32
        %dma_start3A_917 = arith.constant 0 : i32
        %dma_start3A_918 = tpu.memref_slice %arg10[%run_scoped3A_871, %dma_start3A_915, %dma_start3A_916, %dma_start3A_917] : memref<4x16x2x128xf32, #tpu.memory_space<vmem>> -> memref<1x16x2x128xf32, #tpu.memory_space<vmem>>
        %dma_start3A_919 = tpu.memref_squeeze %dma_start3A_918 : memref<1x16x2x128xf32, #tpu.memory_space<vmem>> -> memref<16x2x128xf32, #tpu.memory_space<vmem>>
        %dma_start3A_920 = tpu.memref_reshape %dma_start3A_919 : memref<16x2x128xf32, #tpu.memory_space<vmem>> -> memref<32x128xf32, #tpu.memory_space<vmem>>
        %dma_start3A_921 = tpu.memref_slice %arg9[%mul3A_870] : memref<20480xi32, #tpu.memory_space<vmem>> -> memref<32xi32, #tpu.memory_space<vmem>>
        %dma_start3A_922 = arith.constant 0 : i32
        %dma_start3A_923 = arith.constant 0 : i32
        %dma_start3A_924 = tpu.memref_slice %arg13[%dma_start3A_922, %dma_start3A_923] : memref<5120x128xf32, #tpu.memory_space<vmem_shared>> -> memref<5120x128xf32, #tpu.memory_space<vmem_shared>>
        tpu.enqueue_indirect_dma source(%dma_start3A_920 : memref<32x128xf32, #tpu.memory_space<vmem>>) target(%dma_start3A_924 : memref<5120x128xf32, #tpu.memory_space<vmem_shared>>) offsets(%dma_start3A_921 : memref<32xi32, #tpu.memory_space<vmem>>) semaphore(%run_scoped3A_914 : memref<!tpu.dma_semaphore, #tpu.memory_space<semaphore_mem>>) {add = true}
        %dma_wait3A_925 = arith.constant 0 : i32
        %dma_wait3A_926 = arith.constant 0 : i32
        %dma_wait3A_927 = arith.constant 0 : i32
        %dma_wait3A_928 = tpu.memref_slice %arg10[%run_scoped3A_871, %dma_wait3A_925, %dma_wait3A_926, %dma_wait3A_927] : memref<4x16x2x128xf32, #tpu.memory_space<vmem>> -> memref<1x16x2x128xf32, #tpu.memory_space<vmem>>
        %dma_wait3A_929 = tpu.memref_squeeze %dma_wait3A_928 : memref<1x16x2x128xf32, #tpu.memory_space<vmem>> -> memref<16x2x128xf32, #tpu.memory_space<vmem>>
        %dma_wait3A_930 = tpu.memref_reshape %dma_wait3A_929 : memref<16x2x128xf32, #tpu.memory_space<vmem>> -> memref<32x128xf32, #tpu.memory_space<vmem>>
        %dma_wait3A_931 = tpu.memref_slice %arg9[%mul3A_870] : memref<20480xi32, #tpu.memory_space<vmem>> -> memref<32xi32, #tpu.memory_space<vmem>>
        %dma_wait3A_932 = arith.constant 0 : i32
        %dma_wait3A_933 = arith.constant 0 : i32
        %dma_wait3A_934 = tpu.memref_slice %arg13[%dma_wait3A_932, %dma_wait3A_933] : memref<5120x128xf32, #tpu.memory_space<vmem_shared>> -> memref<5120x128xf32, #tpu.memory_space<vmem_shared>>
        tpu.wait_indirect_dma semaphore(%run_scoped3A_914 : memref<!tpu.dma_semaphore, #tpu.memory_space<semaphore_mem>>) src(%dma_wait3A_930 : memref<32x128xf32, #tpu.memory_space<vmem>>) dst(%dma_wait3A_934 : memref<5120x128xf32, #tpu.memory_space<vmem_shared>>)
        tpu.yield
      }) : () -> ()
      %add3A_872 = arith.constant 1 : i32
      %add3A_873 = arith.addi %while3A_771, %add3A_872 : i32
      %lt3A_874 = arith.cmpi slt, %add3A_873, %select_n3A_468 : i32
      %convert_element_type3A_875 = arith.extui %lt3A_874 : i1 to i32
      %cond3A_876 = arith.constant 0 : i32
      %cond3A_877 = arith.cmpi ne, %convert_element_type3A_875, %cond3A_876 : i32
      scf.if %cond3A_877 {
        %add3A_914 = arith.constant 1 : i32
        %add3A_915 = arith.addi %while3A_771, %add3A_914 : i32
        %mul3A_916 = arith.constant 4 : i32
        %mul3A_917 = arith.muli %mul3A_916, %add3A_915 : i32
        %add3A_918 = arith.constant 2 : i32
        %add3A_919 = arith.addi %mul3A_917, %add3A_918 : i32
        %mul3A_920 = arith.constant 16 : i32
        %mul3A_921 = arith.muli %add3A_919, %mul3A_920 : i32
        %sub3A_922 = arith.constant 10224 : i32
        %sub3A_923 = arith.subi %sub3A_922, %mul3A_921 : i32
        %dma_start3A_924 = arith.constant 2 : i32
        %dma_start3A_925 = arith.constant 0 : i32
        %dma_start3A_926 = arith.constant 0 : i32
        %dma_start3A_927 = arith.constant 0 : i32
        %dma_start3A_928 = tpu.memref_slice %arg10[%dma_start3A_924, %dma_start3A_925, %dma_start3A_926, %dma_start3A_927] : memref<4x16x2x128xf32, #tpu.memory_space<vmem>> -> memref<1x16x2x128xf32, #tpu.memory_space<vmem>>
        %dma_start3A_929 = tpu.memref_squeeze %dma_start3A_928 : memref<1x16x2x128xf32, #tpu.memory_space<vmem>> -> memref<16x2x128xf32, #tpu.memory_space<vmem>>
        %dma_start3A_930 = tpu.memref_slice %arg8[%sub3A_923] : memref<10240xi32, #tpu.memory_space<vmem>> -> memref<16xi32, #tpu.memory_space<vmem>>
        %dma_start3A_931 = arith.constant 0 : i32
        %dma_start3A_932 = arith.constant 0 : i32
        %dma_start3A_933 = arith.constant 0 : i32
        %dma_start3A_934 = tpu.memref_slice %arg4[%dma_start3A_931, %dma_start3A_932, %dma_start3A_933] : memref<10000x2x128xf32, #tpu.memory_space<hbm>> -> memref<10000x2x128xf32, #tpu.memory_space<hbm>>
        tpu.enqueue_indirect_dma source(%dma_start3A_934 : memref<10000x2x128xf32, #tpu.memory_space<hbm>>) target(%dma_start3A_929 : memref<16x2x128xf32, #tpu.memory_space<vmem>>) offsets(%dma_start3A_930 : memref<16xi32, #tpu.memory_space<vmem>>) semaphore(%arg16 : memref<!tpu.dma_semaphore, #tpu.memory_space<semaphore_mem>>)
      } else {
      }
      %dma_wait3A_878 = arith.constant 3 : i32
      %dma_wait3A_879 = arith.constant 0 : i32
      %dma_wait3A_880 = arith.constant 0 : i32
      %dma_wait3A_881 = arith.constant 0 : i32
      %dma_wait3A_882 = tpu.memref_slice %arg10[%dma_wait3A_878, %dma_wait3A_879, %dma_wait3A_880, %dma_wait3A_881] : memref<4x16x2x128xf32, #tpu.memory_space<vmem>> -> memref<1x16x2x128xf32, #tpu.memory_space<vmem>>
      %dma_wait3A_883 = tpu.memref_squeeze %dma_wait3A_882 : memref<1x16x2x128xf32, #tpu.memory_space<vmem>> -> memref<16x2x128xf32, #tpu.memory_space<vmem>>
      %dma_wait3A_884 = arith.constant 0 : i32
      %dma_wait3A_885 = arith.constant 0 : i32
      %dma_wait3A_886 = arith.constant 0 : i32
      %dma_wait3A_887 = tpu.memref_slice %arg4[%dma_wait3A_884, %dma_wait3A_885, %dma_wait3A_886] : memref<10000x2x128xf32, #tpu.memory_space<hbm>> -> memref<16x2x128xf32, #tpu.memory_space<hbm>>
      %dma_wait3A_888 = arith.constant 0 : i32
      %dma_wait3A_889 = arith.constant 0 : i32
      %dma_wait3A_890 = arith.constant 0 : i32
      %dma_wait3A_891 = tpu.memref_slice %arg10[%dma_wait3A_878, %dma_wait3A_888, %dma_wait3A_889, %dma_wait3A_890] : memref<4x16x2x128xf32, #tpu.memory_space<vmem>> -> memref<1x16x2x128xf32, #tpu.memory_space<vmem>>
      %dma_wait3A_892 = tpu.memref_squeeze %dma_wait3A_891 : memref<1x16x2x128xf32, #tpu.memory_space<vmem>> -> memref<16x2x128xf32, #tpu.memory_space<vmem>>
      %dma_wait3A_893 = arith.constant 0 : i32
      %dma_wait3A_894 = arith.constant 0 : i32
      %dma_wait3A_895 = arith.constant 0 : i32
      %dma_wait3A_896 = tpu.memref_slice %arg4[%dma_wait3A_893, %dma_wait3A_894, %dma_wait3A_895] : memref<10000x2x128xf32, #tpu.memory_space<hbm>> -> memref<16x2x128xf32, #tpu.memory_space<hbm>>
      tpu.wait_dma2 semaphore(%arg17 : memref<!tpu.dma_semaphore, #tpu.memory_space<semaphore_mem>>) src(%dma_wait3A_896 : memref<16x2x128xf32, #tpu.memory_space<hbm>>) dst(%dma_wait3A_892 : memref<16x2x128xf32, #tpu.memory_space<vmem>>)
      %mul3A_897 = arith.constant 4 : i32
      %mul3A_898 = arith.muli %mul3A_897, %while3A_771 : i32
      %add3A_899 = arith.constant 3 : i32
      %add3A_900 = arith.addi %mul3A_898, %add3A_899 : i32
      %mul3A_901 = arith.constant 16 : i32
      %mul3A_902 = arith.muli %add3A_900, %mul3A_901 : i32
      %sub3A_903 = arith.constant 10224 : i32
      %sub3A_904 = arith.subi %sub3A_903, %mul3A_902 : i32
      %mul3A_905 = arith.constant 2 : i32
      %mul3A_906 = arith.muli %mul3A_905, %sub3A_904 : i32
      %run_scoped3A_907 = arith.constant 3 : i32
      "tpu.region"() ({
        %run_scoped3A_914 = tpu.sem_alloc : memref<!tpu.dma_semaphore, #tpu.memory_space<semaphore_mem>>
        %dma_start3A_915 = arith.constant 0 : i32
        %dma_start3A_916 = arith.constant 0 : i32
        %dma_start3A_917 = arith.constant 0 : i32
        %dma_start3A_918 = tpu.memref_slice %arg10[%run_scoped3A_907, %dma_start3A_915, %dma_start3A_916, %dma_start3A_917] : memref<4x16x2x128xf32, #tpu.memory_space<vmem>> -> memref<1x16x2x128xf32, #tpu.memory_space<vmem>>
        %dma_start3A_919 = tpu.memref_squeeze %dma_start3A_918 : memref<1x16x2x128xf32, #tpu.memory_space<vmem>> -> memref<16x2x128xf32, #tpu.memory_space<vmem>>
        %dma_start3A_920 = tpu.memref_reshape %dma_start3A_919 : memref<16x2x128xf32, #tpu.memory_space<vmem>> -> memref<32x128xf32, #tpu.memory_space<vmem>>
        %dma_start3A_921 = tpu.memref_slice %arg9[%mul3A_906] : memref<20480xi32, #tpu.memory_space<vmem>> -> memref<32xi32, #tpu.memory_space<vmem>>
        %dma_start3A_922 = arith.constant 0 : i32
        %dma_start3A_923 = arith.constant 0 : i32
        %dma_start3A_924 = tpu.memref_slice %arg13[%dma_start3A_922, %dma_start3A_923] : memref<5120x128xf32, #tpu.memory_space<vmem_shared>> -> memref<5120x128xf32, #tpu.memory_space<vmem_shared>>
        tpu.enqueue_indirect_dma source(%dma_start3A_920 : memref<32x128xf32, #tpu.memory_space<vmem>>) target(%dma_start3A_924 : memref<5120x128xf32, #tpu.memory_space<vmem_shared>>) offsets(%dma_start3A_921 : memref<32xi32, #tpu.memory_space<vmem>>) semaphore(%run_scoped3A_914 : memref<!tpu.dma_semaphore, #tpu.memory_space<semaphore_mem>>) {add = true}
        %dma_wait3A_925 = arith.constant 0 : i32
        %dma_wait3A_926 = arith.constant 0 : i32
        %dma_wait3A_927 = arith.constant 0 : i32
        %dma_wait3A_928 = tpu.memref_slice %arg10[%run_scoped3A_907, %dma_wait3A_925, %dma_wait3A_926, %dma_wait3A_927] : memref<4x16x2x128xf32, #tpu.memory_space<vmem>> -> memref<1x16x2x128xf32, #tpu.memory_space<vmem>>
        %dma_wait3A_929 = tpu.memref_squeeze %dma_wait3A_928 : memref<1x16x2x128xf32, #tpu.memory_space<vmem>> -> memref<16x2x128xf32, #tpu.memory_space<vmem>>
        %dma_wait3A_930 = tpu.memref_reshape %dma_wait3A_929 : memref<16x2x128xf32, #tpu.memory_space<vmem>> -> memref<32x128xf32, #tpu.memory_space<vmem>>
        %dma_wait3A_931 = tpu.memref_slice %arg9[%mul3A_906] : memref<20480xi32, #tpu.memory_space<vmem>> -> memref<32xi32, #tpu.memory_space<vmem>>
        %dma_wait3A_932 = arith.constant 0 : i32
        %dma_wait3A_933 = arith.constant 0 : i32
        %dma_wait3A_934 = tpu.memref_slice %arg13[%dma_wait3A_932, %dma_wait3A_933] : memref<5120x128xf32, #tpu.memory_space<vmem_shared>> -> memref<5120x128xf32, #tpu.memory_space<vmem_shared>>
        tpu.wait_indirect_dma semaphore(%run_scoped3A_914 : memref<!tpu.dma_semaphore, #tpu.memory_space<semaphore_mem>>) src(%dma_wait3A_930 : memref<32x128xf32, #tpu.memory_space<vmem>>) dst(%dma_wait3A_934 : memref<5120x128xf32, #tpu.memory_space<vmem_shared>>)
        tpu.yield
      }) : () -> ()
      %add3A_908 = arith.constant 1 : i32
      %add3A_909 = arith.addi %while3A_771, %add3A_908 : i32
      %lt3A_910 = arith.cmpi slt, %add3A_909, %select_n3A_468 : i32
      %convert_element_type3A_911 = arith.extui %lt3A_910 : i1 to i32
      %cond3A_912 = arith.constant 0 : i32
      %cond3A_913 = arith.cmpi ne, %convert_element_type3A_911, %cond3A_912 : i32
      scf.if %cond3A_913 {
        %add3A_914 = arith.constant 1 : i32
        %add3A_915 = arith.addi %while3A_771, %add3A_914 : i32
        %mul3A_916 = arith.constant 4 : i32
        %mul3A_917 = arith.muli %mul3A_916, %add3A_915 : i32
        %add3A_918 = arith.constant 3 : i32
        %add3A_919 = arith.addi %mul3A_917, %add3A_918 : i32
        %mul3A_920 = arith.constant 16 : i32
        %mul3A_921 = arith.muli %add3A_919, %mul3A_920 : i32
        %sub3A_922 = arith.constant 10224 : i32
        %sub3A_923 = arith.subi %sub3A_922, %mul3A_921 : i32
        %dma_start3A_924 = arith.constant 3 : i32
        %dma_start3A_925 = arith.constant 0 : i32
        %dma_start3A_926 = arith.constant 0 : i32
        %dma_start3A_927 = arith.constant 0 : i32
        %dma_start3A_928 = tpu.memref_slice %arg10[%dma_start3A_924, %dma_start3A_925, %dma_start3A_926, %dma_start3A_927] : memref<4x16x2x128xf32, #tpu.memory_space<vmem>> -> memref<1x16x2x128xf32, #tpu.memory_space<vmem>>
        %dma_start3A_929 = tpu.memref_squeeze %dma_start3A_928 : memref<1x16x2x128xf32, #tpu.memory_space<vmem>> -> memref<16x2x128xf32, #tpu.memory_space<vmem>>
        %dma_start3A_930 = tpu.memref_slice %arg8[%sub3A_923] : memref<10240xi32, #tpu.memory_space<vmem>> -> memref<16xi32, #tpu.memory_space<vmem>>
        %dma_start3A_931 = arith.constant 0 : i32
        %dma_start3A_932 = arith.constant 0 : i32
        %dma_start3A_933 = arith.constant 0 : i32
        %dma_start3A_934 = tpu.memref_slice %arg4[%dma_start3A_931, %dma_start3A_932, %dma_start3A_933] : memref<10000x2x128xf32, #tpu.memory_space<hbm>> -> memref<10000x2x128xf32, #tpu.memory_space<hbm>>
        tpu.enqueue_indirect_dma source(%dma_start3A_934 : memref<10000x2x128xf32, #tpu.memory_space<hbm>>) target(%dma_start3A_929 : memref<16x2x128xf32, #tpu.memory_space<vmem>>) offsets(%dma_start3A_930 : memref<16xi32, #tpu.memory_space<vmem>>) semaphore(%arg17 : memref<!tpu.dma_semaphore, #tpu.memory_space<semaphore_mem>>)
      } else {
      }
    }
    %barrier3A_754 = arith.constant 0 : index
    tpu.barrier barrier_id(%barrier3A_754)
    %add3A_755 = arith.constant 2500 : i32
    %add3A_756 = arith.addi %mul3A_2, %add3A_755 : i32
    %mul3A_757 = arith.constant 2 : i32
    %mul3A_758 = arith.muli %mul3A_757, %add3A_756 : i32
    %scan3A_759 = arith.constant 0 : i32
    %scan3A_760 = arith.constant 0 : i32
    %scan3A_761 = arith.constant 40 : i32
    %scan3A_762 = arith.addi %scan3A_760, %scan3A_761 : i32
    %scan3A_763 = arith.constant 1 : i32
    scf.for %scan3A_771 = %scan3A_760 to %scan3A_762 step %scan3A_763  : i32 {
      %mul3A_772 = arith.constant 16 : i32
      %mul3A_773 = arith.muli %scan3A_771, %mul3A_772 : i32
      %add3A_774 = arith.addi %arg1, %mul3A_773 : i32
      %lt3A = arith.constant 625 : i32
      %lt3A_775 = arith.cmpi slt, %add3A_774, %lt3A : i32
      %convert_element_type3A_776 = arith.extui %lt3A_775 : i1 to i32
      %cond3A_777 = arith.constant 0 : i32
      %cond3A_778 = arith.cmpi ne, %convert_element_type3A_776, %cond3A_777 : i32
      scf.if %cond3A_778 {
        %mul3A_779 = arith.constant 8 : i32
        %mul3A_780 = arith.muli %add3A_774, %mul3A_779 : i32
        %mul3A_781 = arith.constant 8 : i32
        %mul3A_782 = arith.muli %add3A_774, %mul3A_781 : i32
        %add3A_783 = arith.addi %mul3A_758, %mul3A_782 : i32
        %dma_start3A_784 = arith.constant 0 : i32
        %dma_start3A_785 = tpu.memref_slice %arg5[%add3A_783, %dma_start3A_784] : memref<20000x128xf32, #tpu.memory_space<hbm>> -> memref<8x128xf32, #tpu.memory_space<hbm>>
        %dma_start3A_786 = arith.constant 0 : i32
        %dma_start3A_787 = tpu.memref_slice %arg13[%mul3A_780, %dma_start3A_786] : memref<5120x128xf32, #tpu.memory_space<vmem_shared>> -> memref<8x128xf32, #tpu.memory_space<vmem_shared>>
        tpu.enqueue_dma source(%dma_start3A_787 : memref<8x128xf32, #tpu.memory_space<vmem_shared>>) target(%dma_start3A_785 : memref<8x128xf32, #tpu.memory_space<hbm>>) target_semaphore(%arg22 : memref<!tpu.dma_semaphore, #tpu.memory_space<semaphore_mem>>)
      } else {
      }
    }
    %scan3A_764 = arith.constant 40 : i32
    %scan3A_765 = arith.constant 0 : i32
    %scan3A_766 = arith.constant 0 : i32
    %scan3A_767 = arith.constant 40 : i32
    %scan3A_768 = arith.addi %scan3A_766, %scan3A_767 : i32
    %scan3A_769 = arith.constant 1 : i32
    scf.for %scan3A_771 = %scan3A_766 to %scan3A_768 step %scan3A_769  : i32 {
      %mul3A_772 = arith.constant 16 : i32
      %mul3A_773 = arith.muli %scan3A_771, %mul3A_772 : i32
      %add3A_774 = arith.addi %arg1, %mul3A_773 : i32
      %lt3A = arith.constant 625 : i32
      %lt3A_775 = arith.cmpi slt, %add3A_774, %lt3A : i32
      %convert_element_type3A_776 = arith.extui %lt3A_775 : i1 to i32
      %cond3A_777 = arith.constant 0 : i32
      %cond3A_778 = arith.cmpi ne, %convert_element_type3A_776, %cond3A_777 : i32
      scf.if %cond3A_778 {
        %dma_wait3A_779 = arith.constant 0 : i32
        %dma_wait3A_780 = tpu.memref_slice %arg5[%mul3A_758, %dma_wait3A_779] : memref<20000x128xf32, #tpu.memory_space<hbm>> -> memref<8x128xf32, #tpu.memory_space<hbm>>
        %dma_wait3A_781 = arith.constant 0 : i32
        %dma_wait3A_782 = arith.constant 0 : i32
        %dma_wait3A_783 = tpu.memref_slice %arg13[%dma_wait3A_781, %dma_wait3A_782] : memref<5120x128xf32, #tpu.memory_space<vmem_shared>> -> memref<8x128xf32, #tpu.memory_space<vmem_shared>>
        tpu.wait_dma2 semaphore(%arg22 : memref<!tpu.dma_semaphore, #tpu.memory_space<semaphore_mem>>) src(%dma_wait3A_783 : memref<8x128xf32, #tpu.memory_space<vmem_shared>>) dst(%dma_wait3A_780 : memref<8x128xf32, #tpu.memory_space<hbm>>)
      } else {
      }
    }
    %scan3A_770 = arith.constant 40 : i32
    return
  }
}

</mosaic_0001>

<sc_bundles>
// kernel: kernel.3.cloned.1.call-start
scs
__scs_entry_jumppad:
0x0: {  	(pc) =	sbr.rel $0x88, $3  }
0x1: {  	(tag) =	ssettag $0x0;
	lr =	simm.s32 $0x1  }
0x2: {  	[smem:$0x3F9F] =	sst lr;
	_ =	strace $0xD0000000  }
0x3: {  	_ = 	snop  }
0x4: {  	_ = 	snop  }
0x5: {  	_ = 	snop  }
0x6: {  	_ = 	snop  }
0x7: {  	_ = 	snop  }
__scs_overlays_trampoline_lowered:
0x8: {  	[smem:$0x3FAE] =	sst s0  }
0x9: {  	[smem:$0x3FAF] =	sst s1  }
0xa: {  	[smem:$0x3FB0] =	sst s2  }
0xb: {  	[smem:$0x3FB1] =	sst s3  }
0xc: {  	[smem:$0x3FB2] =	sst s4  }
0xd: {  	[smem:$0x3FB3] =	sst s5  }
0xe: {  	[smem:$0x3FB4] =	sst s6  }
0xf: {  	[smem:$0x3FB5] =	sst s7  }
0x10: {  	[smem:$0x3FB6] =	sst s8  }
0x11: {  	[smem:$0x3FB7] =	sst s9;
	s0 =	simm.s32 @!p0 $0x0  }
0x12: {  	s1 =	sld [smem:$0x3F9D];
	s0 =	simm.s32 @p0 $0x1  }
0x13: {  	[smem:$0x3FB8] =	sst s0;
	s0 =	simm.s32 @!p1 $0x0  }
0x14: {  	s2 =	sld [smem:$0x3F9C];
	s0 =	simm.s32 @p1 $0x1  }
0x15: {  	[smem:$0x3FB9] =	sst s0;
	s0 =	simm.s32 @!p2 $0x0  }
0x16: {  	s3 =	sld [smem:$0x3FDB];
	s0 =	simm.s32 @p2 $0x1  }
0x17: {  	s4 =	simm.s32 $0x1BF5;
	[smem:$0x3FBB] =	sst s0  }
0x18: {  	s0 =	sld [smem:$0x3F9E];
	_ =	swait.ge [sflag:s4], $0x0  }
0x19: {  	s7 =	sld [smem:$0x3F9F]  }
0x1a: {  	s8 =	sadd.s32 $0xFFFFE003, lr  }
0x1b: {  	s9 =	sadd.s32 $0xFFFFFEF7, lr;
	s5 =	simm.s32 $0xFFFFFFFF;
	p2 =	slt.u32 s8, $0xFFFFF086  }
0x1c: {  	p1 =	slt.u32 s9, $0xF7A;
	s5 =	simm.s32 @!p2 $0x0  }
0x1d: {  	s5 =	simm.s32 @p1 $0x1;
	p0 =	seq.s32 s7, s2  }
0x1e: {  	s7 =	smul.u32 @!p0 $0xF7A, s2;
	p2 =	seq.s32 @!p0 s5, $0x0  }
0x1f: {  	s9 =	smul.u32 $0xF7A, s1;
	s8 =	simm.s32 @!p0 $0x1BF5;
	p2 =	por !p2, p0  }
0x20: {  	[sflag:s8] =	ssyncset.s32 @!p0 $0xFFFFF086;
	s6 =	sadd.s32 @!p0 s3, s7;
	s7 =	simm.s32 @!p0 $0x108  }
0x21: {  	s3 =	sadd.s32 s3, s9;
	s6 =	sadd.s32 @!p0 $0x88, s6;
	s7 =	simm.s32 @p2 $0x1082  }
0x22: {  	[simem:s7], [sflag:s8] =	dma.local @!p0 [hbm:s6], $0xF7A  }
0x23: {  	s9 =	sor.u32 $0xD0000000, s2;
	s6 =	simm.s32 $0x108;
	_ =	swait.ge @!p0 [sflag:s8], $0x0  }
0x24: {  	s3 =	sadd.s32 $0x88, s3;
	s6 =	simm.s32 @!p1 $0x1082;
	[sflag:s4] =	ssyncset.s32 $0xFFFFF086  }
0x25: {  	[simem:s6], [sflag:s4] =	dma.local [hbm:s3], $0xF7A  }
0x26: {  	[smem:$0x3F9F] =	sst s1;
	(tag) =	ssettag s2;
	_ =	strace s9  }
0x27: {  	s1 =	sld [smem:$0x3FAF]  }
0x28: {  	s2 =	sld [smem:$0x3FB0]  }
0x29: {  	s4 =	sld [smem:$0x3FB2]  }
0x2a: {  	p0 =	seq.s32 s5, $0x0;
	s5 =	sld [smem:$0x3FB3]  }
0x2b: {  	s6 =	sld [smem:$0x3FB4]  }
0x2c: {  	s7 =	sld [smem:$0x3FB5]  }
0x2d: {  	s3 =	simm.s32 $0x108;
	s8 =	sld [smem:$0x3FB6]  }
0x2e: {  	s3 =	simm.s32 @!p0 $0x1082;
	s9 =	sld [smem:$0x3FB7]  }
0x2f: {  	lr =	sadd.s32 s0, s3;
	s0 =	sld [smem:$0x3FAE]  }
0x30: {  	s3 =	sld [smem:$0x3FB1]  }
0x31: {  	[smem:$0x3FBA] =	sst s10  }
0x32: {  	s10 =	sld [smem:$0x3FB8];
	_ =	sdelay $0x3  }
0x33: {  	p0 =	seq.s32 s10, $0x1;
	s10 =	sld [smem:$0x3FBA];
	_ =	sdelay $0x3  }
0x34: {  	[smem:$0x3FBA] =	sst s10  }
0x35: {  	s10 =	sld [smem:$0x3FB9];
	_ =	sdelay $0x3  }
0x36: {  	p1 =	seq.s32 s10, $0x1;
	s10 =	sld [smem:$0x3FBA];
	_ =	sdelay $0x3  }
0x37: {  	[smem:$0x3FBA] =	sst s10  }
0x38: {  	s10 =	sld [smem:$0x3FBB]  }
0x39: {  	_ = 	snop;
	(pc) =	sbr.ind lr, $3  }
0x3a: {  	_ = 	snop  }
0x3b: {  	_ = 	snop  }
0x3c: {  	p2 =	seq.s32 s10, $0x1;
	s10 =	sld [smem:$0x3FBA]  }
0x3d: {  	_ =	shalt  }
0x3e: {  	_ =	shalt  }
0x3f: {  	_ =	shalt  }
0x40: {  	_ =	shalt  }
0x41: {  	_ =	shalt  }
0x42: {  	_ =	shalt  }
0x43: {  	_ =	shalt  }
0x44: {  	_ =	shalt  }
0x45: {  	_ =	shalt  }
0x46: {  	_ =	shalt  }
0x47: {  	_ =	shalt  }
0x48: {  	_ =	shalt  }
0x49: {  	_ =	shalt  }
0x4a: {  	_ =	shalt  }
0x4b: {  	_ =	shalt  }
0x4c: {  	_ =	shalt  }
0x4d: {  	_ =	shalt  }
0x4e: {  	_ =	shalt  }
0x4f: {  	_ =	shalt  }
0x50: {  	_ =	shalt  }
0x51: {  	_ =	shalt  }
0x52: {  	_ =	shalt  }
0x53: {  	_ =	shalt  }
0x54: {  	_ =	shalt  }
0x55: {  	_ =	shalt  }
0x56: {  	_ =	shalt  }
0x57: {  	_ =	shalt  }
0x58: {  	_ =	shalt  }
0x59: {  	_ =	shalt  }
0x5a: {  	_ =	shalt  }
0x5b: {  	_ =	shalt  }
0x5c: {  	_ =	shalt  }
0x5d: {  	_ =	shalt  }
0x5e: {  	_ =	shalt  }
0x5f: {  	_ =	shalt  }
0x60: {  	_ =	shalt  }
0x61: {  	_ =	shalt  }
0x62: {  	_ =	shalt  }
0x63: {  	_ =	shalt  }
0x64: {  	_ =	shalt  }
0x65: {  	_ =	shalt  }
0x66: {  	_ =	shalt  }
0x67: {  	_ =	shalt  }
0x68: {  	_ =	shalt  }
0x69: {  	_ =	shalt  }
0x6a: {  	_ =	shalt  }
0x6b: {  	_ =	shalt  }
0x6c: {  	_ =	shalt  }
0x6d: {  	_ =	shalt  }
0x6e: {  	_ =	shalt  }
0x6f: {  	_ =	shalt  }
0x70: {  	_ =	shalt  }
0x71: {  	_ =	shalt  }
0x72: {  	_ =	shalt  }
0x73: {  	_ =	shalt  }
0x74: {  	_ =	shalt  }
0x75: {  	_ =	shalt  }
0x76: {  	_ =	shalt  }
0x77: {  	_ =	shalt  }
0x78: {  	_ =	shalt  }
0x79: {  	_ =	shalt  }
0x7a: {  	_ =	shalt  }
0x7b: {  	_ =	shalt  }
0x7c: {  	_ =	shalt  }
0x7d: {  	_ =	shalt  }
0x7e: {  	_ =	shalt  }
0x7f: {  	_ =	shalt  }
0x80: {  	_ =	shalt  }
0x81: {  	_ =	shalt  }
0x82: {  	_ =	shalt  }
0x83: {  	_ =	shalt  }
0x84: {  	_ =	shalt  }
0x85: {  	_ =	shalt  }
0x86: {  	_ =	shalt  }
0x87: {  	_ =	shalt  }
.Lfunc_end0:
.L_simem_size_0:
called_computation_lowered:
.L_overlay_start_0:
0x88: {  	s2 =	sld [smem:$0x3FD9]  }
0x89: {  	s3 =	sld [smem:$0x3FFE];
	_ =	sdelay $0x1  }
0x8a: {  	s1 =	srdreg.scid  }
0x8b: {  	s0 =	sand.u32 $0x1, s1  }
0x8c: {  	s17 =	sshll.u32 s0, $0xA;
	s2 =	sadd.s32 s3, s2  }
0x8d: {  	s2 =	sadd.s32 s2, s17  }
0x8e: {  	[smem:$0x3FC6] =	sst s2  }
0x8f: {  	_ = 	snop  }
0x90: {  	s2 =	sld [smem:$0x3FD0];
	(tm) =	ssettm $0x1  }
0x91: {  	s18 =	sld [smem:$0x3FFB];
	_ =	sdelay $0x3  }
0x92: {  	_ =	strace s18  }
0x93: {  	s3 =	sld [smem:$0x3FFC];
	_ =	sdelay $0x3  }
0x94: {  	_ =	strace s3  }
0x95: {  	s3 =	sld [smem:$0x3FFD];
	_ =	sdelay $0x3  }
0x96: {  	_ =	strace s3  }
0x97: {  	_ =	strace $0x8FFFFFFF  }
0x98: {  	s19 =	sld [smem:$0x3FDB];
	_ =	sdelay $0x1  }
0x99: {  	s4 =	simm.s32 $_scs_section_size  }
0x9a: {  	s5 =	simm.s32 $_size__tile_overlayer_lowered;
	s6 =	simm.s32 $_tile_overlayer_lowered  }
0x9b: {  	s22 =	simm.s32 $0x1BFF;
	s21 =	sshll.u32 s6, $0x1;
	s3 =	sadd.s32 s4, s19  }
0x9c: {  	s7 =	simm.s32 $0x0;
	s20 =	sshll.u32 s5, $0x1;
	s5 =	sadd.s32 s21, s3  }
0x9d: {  	[timem:s7], [sflag:s22] =	dma.local [hbm:s5], s20  }
0x9e: {  	_ =	swait.ge [sflag:s22], s20  }
0x9f: {  	s4 =	ssub.s32 $0x0, s20;
	[sflag:s22] =	ssyncset.done $0x0  }
0xa0: {  	[sflag:s22] =	ssyncadd.s32 s4;
	_ =	sdelay $0x1  }
0xa1: {  	s23 =	simm.s32 $0x1B8B  }
0xa2: {  	_ =	swait.ge [sflag:s23], $0x1  }
0xa3: {  	[sflag:s23] =	ssyncset.done $0x0  }
0xa4: {  	s25 =	simm.s32 $0x1B8E;
	s24 =	sld [smem:$0x3FFE];
	[sflag:s23] =	ssyncadd.s32 $0xFFFFFFFF  }
0xa5: {  	s26 =	simm.s32 $execute0_lowered;
	[smem:$0x3FD2] =	sst s25  }
0xa6: {  	s5 =	sshll.u32 s26, $0x1;
	_ =	strace $0x80000046;
	[dreg:$0x1] =	wrdreg $0xFFFFFFFF  }
0xa7: {  	s28 =	simm.s32 $_size_execute0_lowered;
	s3 =	sadd.s32 s3, s5;
	[dreg:$0x0] =	wrdreg $0x0  }
0xa8: {  	s5 =	sshll.u32 s28, $0x1;
	[dreg:$0x2] =	wrdreg s3  }
0xa9: {  	[dreg:$0x3] =	wrdreg s5  }
0xaa: {  	[dreg:$0x4] =	wrdreg $0xC0  }
0xab: {  	_ =	task [dreg:s7], $0x5FFFF  }
0xac: {  	[dreg:$0x1] =	wrdreg $0xFFFFFFFF  }
0xad: {  	[dreg:$0x0] =	wrdreg $0x60  }
0xae: {  	[dreg:$0x2] =	wrdreg s24  }
0xaf: {  	[dreg:$0x3] =	wrdreg s2  }
0xb0: {  	[dreg:$0x4] =	wrdreg $0x117800  }
0xb1: {  	[dreg:$0x5] =	wrdreg $0x9  }
0xb2: {  	_ =	task.clear_ibuf [dreg:s7], $0x6FFFF;
	_ =	strace $0x90000046  }
0xb3: {  	s29 =	simm.s32 $0x9;
	_ =	strace $0x80000048  }
0xb4: {  	_ =	swait.ge [sflag:s29], $0x1  }
0xb5: {  	[sflag:s29] =	ssyncadd.s32 $0xFFFFFFFF  }
0xb6: {  	_ =	strace $0x90000048  }
0xb7: {  	_ =	sfence  }
0xb8: {  	s30 =	sld [smem:$0x0];
	_ =	sdelay $0x2  }
0xb9: {  	s31 =	sshll.u32 s1, $0xD;
	s1 =	sshrl.u32 s1, $0x2  }
0xba: {  	s3 =	sand.u32 $0x4000, s31;
	s1 =	sadd.s32 s1, s30  }
0xbb: {  	s0 =	sor.u32 s3, s0;
	s1 =	sshll.u32 s1, $0x11  }
0xbc: {  	s0 =	sor.u32 s1, s0  }
0xbd: {  	s0 =	sadd.s32 $0x8F2B, s0  }
0xbe: {  	[sflag:s0] =	ssyncadd.remote.s32 $0x1  }
0xbf: {  	_ =	sfence.sel $0xFFFF  }
0xc0: {  	[dreg:$0x0] =	wrdreg $0xFFFFFFFF;
	(pc) =	sbr.abs _section_cstart, $3  }
0xc1: {  	[dreg:$0x1] =	wrdreg $0xFFFFFFFF  }
0xc2: {  	_ =	task.clear_ibuf [dreg:s7], $0x2FFFF;
	_ =	strace $0x9FFFFFFF  }
0xc3: {  	(tm) =	ssettm $0x7FFFFFFF  }
tec
execute0_lowered:
.L_overlay_start_1:
0x0: {  	(tag) =	ssettag $0x1  }
0x1: {  	s0 =	rddreg [dreg:$0x0]  }
0x2: {  	s2 =	rddreg [dreg:$0x1]  }
0x3: {  	s3 =	rddreg [dreg:$0x2];
	s1 =	stileid.u32  }
0x4: {  	s4 =	srdreg.scid;
	s6 =	simm.s32 $0x0;
	s5 =	smul.u32 $0x4E2, s1  }
0x5: {  	s28 =	simm.s32 $0x7700;
	s29 =	simm.s32 $0x5;
	s7 =	smul.u32 $0x28000, s1  }
0x6: {  	s31 =	simm.s32 $0xC700;
	s4 =	sand.u32 $0x1, s4;
	[smem:$0x7FF] =	sst s6  }
0x7: {  	_ =	strace $0x80000047;
	s11 =	sadd.s32 s0, s5;
	s12 =	sshrl.u32 s7, $0x2  }
0x8: {  	[dreg:$0x4] =	wrdreg s11;
	s14 =	sadd.s32 $0x5000, s11;
	s7 =	sadd.s32 s12, s3  }
0x9: {  	s8 =	sadd.s32 $0xA000, s0;
	[dreg:$0x5] =	wrdreg s14;
	s0 =	sadd.s32 $0x2000, s7  }
0xa: {  	s21 =	sshll.u32 s1, $0xA;
	s15 =	sadd.s32 $0x3000, s7;
	[dreg:$0x6] =	wrdreg s0  }
0xb: {  	s10 =	ssub.s32 $0x2, s4;
	s16 =	sadd.s32 $0x4000, s7;
	[dreg:$0x7] =	wrdreg s15  }
0xc: {  	s13 =	smul.u32 $0x1388, s4;
	s17 =	sadd.s32 $0x5000, s7;
	[dreg:$0x8] =	wrdreg s16  }
0xd: {  	s18 =	smul.u32 $0x138800, s4;
	s19 =	sadd.s32 $0x6000, s7;
	[dreg:$0x9] =	wrdreg s17  }
0xe: {  	s4 =	simm.s32 $0x6;
	s20 =	sadd.s32 $0x7000, s7;
	[dreg:$0xa] =	wrdreg s19  }
0xf: {  	s9 =	sshrl.u32 s10, $0x1;
	s22 =	sadd.s32 $0x8000, s7;
	[dreg:$0xb] =	wrdreg s20  }
0x10: {  	s6 =	ssub.s32 s10, s9;
	s23 =	sadd.s32 $0x9000, s7;
	[dreg:$0xc] =	wrdreg s22  }
0x11: {  	s30 =	sadd.s32 $0x1000, s7;
	s6 =	smax.u32 s6, $0x1;
	[dreg:$0xd] =	wrdreg s23  }
0x12: {  	v1 =	vimm.f32 $0.0e+00;
	s0 =	sadd.s32 s21, s18;
	s17 =	ssub.s32 $0x271, s1;
	[dreg:$0xe] =	wrdreg s6  }
0x13: {  	v2 =	vimm.s32 $0x0;
	v3 =	vlaneseq.u32;
	v4 =	vimm.s32 $0x27FF;
	s19 =	sadd.s32 s21, s3;
	s23 =	simm.s32 $0x10700;
	s22 =	simm.s32 $0x20  }
0x14: {  	v5 =	vor.u32 $0x10, v3;
	v6 =	vmul.u32 $0xFFFFFFFF, v3;
	v7 =	vor.u32 $0x20, v3;
	s6 =	simm.s32 $0x3;
	s24 =	sadd.s32 $0x9C400, s0;
	s0 =	sshrl.u32 s0, $0x3  }
0x15: {  	v8 =	vor.u32 $0x30, v3;
	v9 =	vadd.s32 $0x1388, v3;
	v11 =	vadd.s32 $0x1398, v3;
	s18 =	simm.s32 $0x0;
	s25 =	sshrl.u32 s24, $0x3;
	s0 =	sadd.s32 s0, s8  }
0x16: {  	v15 =	vor.u32 $0x40, v3;
	v10 =	vadd.s32 $0x10, v6;
	v12 =	vadd.s32 $0x20, v6;
	s24 =	simm.s32 $0x1;
	[dreg:$0xf] =	wrdreg s0;
	s26 =	sadd.s32 s25, s8  }
0x17: {  	v13 =	vadd.s32 $0x30, v6;
	v14 =	vadd.s32 $0x40, v6;
	v0 =	vmov s13;
	s0 =	simm.s32 $0xE700;
	[dreg:$0x10] =	wrdreg s26;
	s26 =	simm.s32 $0x4F00  }
.LBB2_1:
0x18: {  	s5 =	simm.s32 $0x0;
	s8 =	rddreg [dreg:$0x5]  }
0x19: {  	[tilespmem:s5], [sflag:$0x1] =	stream.linear.gather [hbm4b:s8+s5], $0x2710, $0x38;
	[tilespmem:$0x1B780] =	vst v63  }
0x1a: {  	s25 =	rddreg [dreg:$0x4];
	s9 =	simm.s32 $0x2780  }
0x1b: {  	[tilespmem:s9], [sflag:$0x2] =	stream.linear.gather [hbm4b:s25+s5], $0x2710, $0x38;
	[tilespmem:$0x1B780] =	vst v63  }
0x1c: {  	s8 =	simm.s32 $0x200;
	s5 =	simm.s32 $0x0  }
.LBB2_2:
0x1d: {  	p0 =	sne.s32 s8, $0x3E00;
	[tilespmem:s5+$0x10770] =	vst v1  }
0x1e: {  	[tilespmem:s5+$0x10700] =	vst v1  }
0x1f: {  	[tilespmem:s5+$0x10710] =	vst v1  }
.Ltmp0:
0x20: {  	[tilespmem:s5+$0x10720] =	vst v1;
	(pc) =	sbr.rel @p0 .LBB2_2-.Ltmp0, $4  }
0x21: {  	[tilespmem:s5+$0x10730] =	vst v1  }
0x22: {  	[tilespmem:s5+$0x10740] =	vst v1  }
0x23: {  	[tilespmem:s5+$0x10750] =	vst v1  }
0x24: {  	[tilespmem:s5+$0x10760] =	vst v1;
	s5 =	sshra.s32 s8, $0x2;
	s8 =	sadd.s32 $0x200, s8  }
0x25: {  	[tilespmem:s5+$0x10770] =	vst v1  }
0x26: {  	[tilespmem:s5+$0x10700] =	vst v1  }
0x27: {  	[tilespmem:s5+$0x10710] =	vst v1  }
0x28: {  	[tilespmem:s5+$0x10720] =	vst v1  }
0x29: {  	[tilespmem:s5+$0x10730] =	vst v1  }
0x2a: {  	[tilespmem:s5+$0x10740] =	vst v1  }
0x2b: {  	[tilespmem:s5+$0x10750] =	vst v1  }
0x2c: {  	[tilespmem:s5+$0x10760] =	vst v1  }
0x2d: {  	[spmem:s7] =	stream.linear.scatter [tilespmem:s23], [sflag:$0x5], $0x1000, $0x38;
	[tilespmem:$0x1B780] =	vst v63  }
0x2e: {  	_ = 	snop  }
0x2f: {  	[spmem:s30] =	stream.linear.scatter [tilespmem:s23], [sflag:$0x5], $0x1000, $0x38;
	[tilespmem:$0x1B780] =	vst v63  }
0x30: {  	s9 =	rddreg [dreg:$0x6]  }
0x31: {  	[spmem:s9] =	stream.linear.scatter [tilespmem:s23], [sflag:$0x5], $0x1000, $0x38;
	[tilespmem:$0x1B780] =	vst v63  }
0x32: {  	s10 =	rddreg [dreg:$0x7]  }
0x33: {  	[spmem:s10] =	stream.linear.scatter [tilespmem:s23], [sflag:$0x5], $0x1000, $0x38;
	[tilespmem:$0x1B780] =	vst v63  }
0x34: {  	s11 =	rddreg [dreg:$0x8]  }
0x35: {  	[spmem:s11] =	stream.linear.scatter [tilespmem:s23], [sflag:$0x5], $0x1000, $0x38;
	[tilespmem:$0x1B780] =	vst v63  }
0x36: {  	s12 =	rddreg [dreg:$0x9]  }
0x37: {  	[spmem:s12] =	stream.linear.scatter [tilespmem:s23], [sflag:$0x5], $0x1000, $0x38;
	[tilespmem:$0x1B780] =	vst v63  }
0x38: {  	s13 =	rddreg [dreg:$0xa]  }
0x39: {  	[spmem:s13] =	stream.linear.scatter [tilespmem:s23], [sflag:$0x5], $0x1000, $0x38;
	[tilespmem:$0x1B780] =	vst v63  }
0x3a: {  	s14 =	rddreg [dreg:$0xb]  }
0x3b: {  	[spmem:s14] =	stream.linear.scatter [tilespmem:s23], [sflag:$0x5], $0x1000, $0x38;
	[tilespmem:$0x1B780] =	vst v63  }
0x3c: {  	s15 =	rddreg [dreg:$0xc]  }
0x3d: {  	[spmem:s15] =	stream.linear.scatter [tilespmem:s23], [sflag:$0x5], $0x1000, $0x38;
	[tilespmem:$0x1B780] =	vst v63  }
0x3e: {  	s16 =	rddreg [dreg:$0xd]  }
0x3f: {  	[spmem:s16] =	stream.linear.scatter [tilespmem:s23], [sflag:$0x5], $0x1000, $0x38;
	[tilespmem:$0x1B780] =	vst v63  }
0x40: {  	_ =	swait.ge [sflag:s24], $0x2710  }
0x41: {  	[sflag:s24] =	ssyncset.done $0x0  }
0x42: {  	s20 =	simm.s32 $0x2;
	[sflag:s24] =	ssyncadd.s32 $0xFFFFD8F0  }
0x43: {  	_ =	swait.ge [sflag:s20], $0x2710  }
0x44: {  	[sflag:s20] =	ssyncset.done $0x0  }
0x45: {  	s25 =	simm.s32 $0x27A0;
	[sflag:s20] =	ssyncadd.s32 $0xFFFFD8F0  }
0x46: {  	v16 =	vld [tilespmem:s25+$0xFFFFFFE0];
	_ =	sdelay $0x1  }
0x47: {  	v18 =	vld [tilespmem:s25+$0xFFFFFFF0];
	_ =	sdelay $0x1  }
0x48: {  	v17 =	vld [tilespmem:s25+$0x10]  }
0x49: {  	v19 =	vsub.s32 v16, v0  }
0x4a: {  	v16 =	vadd.s32 $0xFFFFF63C, v19;
	vm7 =	vlt.u32 v19, $0x9C4  }
0x4b: {  	v18 =	vsub.s32 v18, v0;
	vm5 =	vlt.u32 v16, $0x9C4;
	v21 =	vsel vm7, $0x1, v2  }
0x4c: {  	vm2 =	vlt.u32 v18, $0x9C4;
	v24 =	vadd.s32 $0xFFFFF63C, v18;
	v22 =	vsel vm5, $0x1, v2;
	(xrf0) =	vadd.scan.msk.s32 $0xffff, v21  }
0x4d: {  	v20 =	vld [tilespmem:s25+$0x0];
	v19 =	vshll.u32 v19, $0x1;
	v16 =	vsub.s32 v17, v0;
	v25 =	vsel vm2, $0x1, v2;
	(xrf0) =	vadd.scan.msk.s32 $0xffff, v22  }
0x4e: {  	v26 =	vsel vm7, $0xFFFFFFFF, v2;
	v27 =	vmpcnt.ones.xlane vm2;
	vm6 =	vlt.u32 v24, $0x9C4  }
0x4f: {  	v39 =	vor.u32 $0x1, v19;
	v42 =	vadd.s32 $0xFFFFEC78, v19;
	v17 =	vadd.s32 $0xFFFFF63C, v16  }
0x50: {  	v21 =	vimm.s32 $0x0;
	vm3 =	vlt.u32 v16, $0x9C4;
	v31 =	vsel vm6, $0x1, v2  }
0x51: {  	v32 =	vmpcnt.ones.xlane vm6;
	v35 =	vsel vm6, $0x2800, v4;
	vm1 =	vlt.u32 v17, $0x9C4  }
0x52: {  	v17 =	vsub.s32 v20, v0;
	v20 =	vmpcnt.ones.xlane vm7;
	v23 =	vsel vm1, $0x1, v2;
	v28, _, _ =	vpop (xrf0)  }
0x53: {  	v26 =	vadd.s32 v26, v21;
	v22 =	vadd.s32 v22, v21;
	(xrf0) =	vadd.scan.msk.s32 $0xffff, v23;
	v23 =	vadd.s32 $0xFFFFF63C, v17;
	v30, _, _ =	vpop (xrf0)  }
0x54: {  	(xrf0) =	vadd.scan.msk.s32 $0xffff, v25;
	vm4 =	vlt.u32 v23, $0x9C4;
	v22 =	vsub.s32 v22, v30;
	v30 =	vsel vm3, $0x1, v2  }
0x55: {  	v29 =	vmpcnt.ones.xlane vm1;
	vm0 =	vlt.u32 v17, $0x9C4;
	v24 =	vsel vm4, $0x1, v2;
	(xrf0) =	vadd.scan.msk.s32 $0xffff, v30  }
0x56: {  	s5 =	simm.s32 $0x20;
	v20 =	vadd.s32 v21, v20;
	v33 =	vsel vm0, $0xFFFFFFFF, v2;
	v34 =	vsel vm0, $0x1, v2;
	(xrf0) =	vadd.scan.msk.s32 $0xffff, v24  }
0x57: {  	v37 =	vmpcnt.ones.xlane vm0;
	v27 =	vadd.s32 v20, v27;
	v26 =	vadd.s32 v28, v26;
	v24 =	vld [tilespmem:s5+$0xFFFFFFE0]  }
0x58: {  	v33 =	vadd.s32 v33, v27;
	v25 =	vmpcnt.ones.xlane vm5;
	v22 =	vadd.s32 $0x27FF, v22  }
0x59: {  	v37 =	vadd.s32 v27, v37;
	v28 =	vsel vm3, $0xFFFFFFFF, v2;
	v23 =	vshll.u32 v26, $0x1;
	v36, _, _ =	vpop (xrf0);
	(xrf0) =	vadd.scan.msk.s32 $0xffff, v34  }
0x5a: {  	v30 =	vsel vm2, $0xFFFFFFFF, v2;
	v38 =	vor.u32 $0x1, v23;
	v21 =	vadd.s32 v21, v25;
	v63, _, _ =	vpop (xrf0);
	(xrf0) =	vadd.scan.msk.s32 $0xffff, v31  }
0x5b: {  	v20 =	vadd.s32 v30, v20;
	v30 =	vmpcnt.ones.xlane vm4;
	v40 =	vshll.u32 v22, $0x1;
	v31, _, _ =	vpop (xrf0)  }
0x5c: {  	v25 =	vadd.s32 v21, v32;
	v41 =	vor.u32 $0x1, v40;
	[tilespmem:v26+s26+$0x0] =	vst.idx.msk vm7, v24;
	v26 =	vadd.s32 v28, v37;
	v27, _, _ =	vpop (xrf0)  }
0x5d: {  	[tilespmem:v22+s26+$0x0] =	vst.idx.msk vm5, v24;
	v24 =	vadd.s32 $0xFFFFEC79, v19;
	v22 =	vsel vm4, $0x2800, v4;
	v27 =	vadd.s32 v27, v25  }
0x5e: {  	[tilespmem:v23+s28+$0x0] =	vst.idx.msk vm7, v19;
	v19 =	vadd.s32 v25, v30;
	v23 =	vsel vm1, $0x2800, v4;
	v25 =	vadd.s32 v63, v20  }
0x5f: {  	v22 =	vsub.s32 v22, v27;
	v27 =	vadd.s32 v31, v26;
	v20 =	vadd.s32 v36, v19;
	v30, _, _ =	vpop (xrf0)  }
0x60: {  	v28 =	vld [tilespmem:s5+$0x10];
	[tilespmem:v38+s28+$0x0] =	vst.idx.msk vm7, v39;
	v19 =	vadd.s32 v19, v29;
	v26 =	vsub.s32 v23, v20;
	v20 =	vmpcnt.ones.xlane vm3;
	v29, _, _ =	vpop (xrf0)  }
0x61: {  	[tilespmem:v40+s28+$0x0] =	vst.idx.msk vm5, v42;
	v23 =	vld [tilespmem:s5+$0xFFFFFFF0];
	v30 =	vadd.s32 v30, v33;
	v29 =	vadd.s32 v29, v21;
	v21 =	vsub.s32 $0x0, v19  }
0x62: {  	s21 =	smov.u32 s30;
	s30 =	simm.s32 $0x0;
	s25 =	simm.s32 $0x27E0;
	[tilespmem:v41+s28+$0x0] =	vst.idx.msk vm5, v24;
	vm5 =	vmmov vm1;
	v24 =	vsub.s32 v35, v29;
	v29 =	vld [tilespmem:s5+$0x0];
	v20 =	vadd.s32 v37, v20  }
.LBB2_4:
0x63: {  	v32 =	vshll.u32 v18, $0x1;
	v33 =	vshll.u32 v25, $0x1;
	vm12 =	vmmov vm2  }
0x64: {  	v31 =	vld [tilespmem:s25+$0xFFFFFFE0];
	s30 =	sadd.s32 $0x4, s30;
	s5 =	sadd.s32 $0x40, s5;
	vm11 =	vmmov vm3;
	vm9 =	vmmov vm4;
	vm7 =	vmmov vm6  }
0x65: {  	v34 =	vshll.u32 v24, $0x1;
	v36 =	vshll.u32 v30, $0x1;
	v18 =	vld [tilespmem:s25+$0x10];
	p0 =	slt.u32 s30, $0x26C;
	v35 =	vadd.s32 $0xFFFFEC79, v32;
	[tilespmem:v27+s26+$0x0] =	vst.idx.msk vm3, v28  }
0x66: {  	v38 =	vadd.s32 $0xFFFFEC78, v32;
	v27 =	vshll.u32 v27, $0x1;
	v37 =	vld [tilespmem:s25+$0x0];
	[tilespmem:v26+s26+$0x0] =	vst.idx.msk vm1, v28;
	v26 =	vshll.u32 v26, $0x1  }
0x67: {  	v39 =	vshll.u32 v22, $0x1;
	v40 =	vshll.u32 v16, $0x1;
	v28 =	vld [tilespmem:s25+$0xFFFFFFF0];
	[tilespmem:v25+s26+$0x0] =	vst.idx.msk vm2, v23;
	v25 =	vor.u32 $0x1, v32  }
0x68: {  	v41 =	vor.u32 $0x1, v39;
	v42 =	vadd.s32 $0xFFFFEC78, v40;
	[tilespmem:v30+s26+$0x0] =	vst.idx.msk vm0, v29;
	v30 =	vor.u32 $0x1, v36  }
0x69: {  	v43 =	vor.u32 $0x1, v33;
	v31 =	vsub.s32 v31, v0;
	[tilespmem:v22+s26+$0x0] =	vst.idx.msk vm4, v29;
	v22 =	vshll.u32 v17, $0x1  }
0x6a: {  	v29 =	vor.u32 $0x1, v26;
	v17 =	vadd.s32 $0xFFFFF63C, v31;
	v16 =	vsub.s32 v18, v0;
	[tilespmem:v36+s28+$0x0] =	vst.idx.msk vm0, v22  }
0x6b: {  	vm10 =	vlt.u32 v31, $0x9C4;
	v18 =	vadd.s32 $0xFFFFF63C, v16;
	[tilespmem:v27+s28+$0x0] =	vst.idx.msk vm3, v40;
	v27 =	vor.u32 $0x1, v27  }
0x6c: {  	vm8 =	vlt.u32 v17, $0x9C4;
	v17 =	vsel vm10, $0x1, v2;
	[tilespmem:v24+s26+$0x0] =	vst.idx.msk vm6, v23;
	v23 =	vadd.s32 $0xFFFFEC79, v40  }
0x6d: {  	v36 =	vadd.s32 $0xFFFFEC79, v22;
	v24 =	vsel vm8, $0x1, v2;
	vm1 =	vlt.u32 v18, $0x9C4;
	(xrf0) =	vadd.scan.msk.s32 $0xffff, v17  }
0x6e: {  	v18 =	vsub.s32 v28, v0;
	v28 =	vor.u32 $0x1, v22;
	v17 =	vsel vm1, $0x1, v2;
	(xrf0) =	vadd.scan.msk.s32 $0xffff, v24  }
0x6f: {  	v40 =	vor.u32 $0x1, v40;
	vm2 =	vlt.u32 v18, $0x9C4;
	v44 =	vadd.s32 $0xFFFFF63C, v18;
	(xrf0) =	vadd.scan.msk.s32 $0xffff, v17  }
0x70: {  	v45 =	vsel vm2, $0x1, v2;
	v17 =	vsub.s32 v37, v0;
	v37 =	vor.u32 $0x1, v34;
	[tilespmem:v30+s28+$0x0] =	vst.idx.msk vm0, v28  }
0x71: {  	vm3 =	vlt.u32 v16, $0x9C4;
	v28 =	vmpcnt.ones.xlane vm10;
	v30 =	vmpcnt.ones.xlane vm1;
	(xrf0) =	vadd.scan.msk.s32 $0xffff, v45  }
0x72: {  	v22 =	vadd.s32 $0xFFFFEC78, v22;
	vm0 =	vlt.u32 v17, $0x9C4;
	v45 =	vsel vm10, $0xFFFFFFFF, v2;
	[tilespmem:v33+s28+$0x0] =	vst.idx.msk vm12, v32  }
0x73: {  	v32 =	vadd.s32 v45, v20;
	v20 =	vadd.s32 v20, v28;
	v28 =	vmpcnt.ones.xlane vm2;
	v33, _, _ =	vpop (xrf0);
	[tilespmem:v43+s28+$0x0] =	vst.idx.msk vm12, v25  }
0x74: {  	v21 =	vadd.s32 v24, v21;
	v24 =	vsel vm3, $0xFFFFFFFF, v2;
	v25 =	vld [tilespmem:s5+$0xFFFFFFE0];
	v32 =	vadd.s32 v33, v32;
	v33, _, _ =	vpop (xrf0);
	[tilespmem:v39+s28+$0x0] =	vst.idx.msk vm9, v22  }
0x75: {  	v43 =	vsel vm3, $0x1, v2;
	v22 =	vadd.s32 $0xFFFFF63C, v17;
	v21 =	vsub.s32 v21, v33;
	v39, _, _ =	vpop (xrf0);
	[tilespmem:v27+s28+$0x0] =	vst.idx.msk vm11, v40  }
0x76: {  	vm4 =	vlt.u32 v22, $0x9C4;
	v21 =	vadd.s32 $0x27FF, v21;
	(xrf0) =	vadd.scan.msk.s32 $0xffff, v43;
	[tilespmem:v34+s28+$0x0] =	vst.idx.msk vm7, v38  }
0x77: {  	v28 =	vadd.s32 v20, v28;
	v22 =	vshll.u32 v32, $0x1;
	v27 =	vmpcnt.ones.xlane vm8;
	v33, _, _ =	vpop (xrf0);
	[tilespmem:v26+s28+$0x0] =	vst.idx.msk vm5, v42  }
0x78: {  	vm6 =	vlt.u32 v44, $0x9C4;
	v34 =	vsel vm4, $0x1, v2;
	v26 =	vsel vm2, $0xFFFFFFFF, v2;
	[tilespmem:v29+s28+$0x0] =	vst.idx.msk vm5, v23  }
0x79: {  	v23 =	vsel vm6, $0x1, v2;
	v20 =	vadd.s32 v26, v20;
	v26 =	vmpcnt.ones.xlane vm4;
	(xrf0) =	vadd.scan.msk.s32 $0xffff, v34  }
0x7a: {  	v42 =	vsel vm0, $0x1, v2;
	v29 =	vmpcnt.ones.xlane vm6;
	v34 =	vsel vm0, $0xFFFFFFFF, v2;
	[tilespmem:v41+s28+$0x0] =	vst.idx.msk vm9, v36  }
0x7b: {  	v34 =	vadd.s32 v34, v28;
	v36 =	vmpcnt.ones.xlane vm0;
	[tilespmem:v32+s26+$0x0] =	vst.idx.msk vm10, v25;
	v32 =	vsel vm6, $0x2800, v4  }
0x7c: {  	v31 =	vshll.u32 v31, $0x1;
	v40 =	vor.u32 $0x1, v22;
	(xrf0) =	vadd.scan.msk.s32 $0xffff, v42;
	v38, _, _ =	vpop (xrf0);
	[tilespmem:v37+s28+$0x0] =	vst.idx.msk vm7, v35  }
0x7d: {  	[tilespmem:v21+s26+$0x0] =	vst.idx.msk vm8, v25;
	v25 =	vor.u32 $0x1, v31;
	v21 =	vshll.u32 v21, $0x1;
	(xrf0) =	vadd.scan.msk.s32 $0xffff, v23  }
0x7e: {  	v35 =	vadd.s32 v19, v27;
	v36 =	vadd.s32 v28, v36;
	[tilespmem:v22+s28+$0x0] =	vst.idx.msk vm10, v31;
	v23 =	vor.u32 $0x1, v21  }
0x7f: {  	v19 =	vadd.s32 $0xFFFFEC78, v31;
	v27 =	vadd.s32 v35, v29;
	v24 =	vadd.s32 v24, v36;
	v22, _, _ =	vpop (xrf0)  }
0x80: {  	v28 =	vsel vm4, $0x2800, v4;
	v29 =	vadd.s32 $0xFFFFEC79, v31;
	v22 =	vadd.s32 v22, v27  }
.Ltmp1:
0x81: {  	v31 =	vadd.s32 v27, v26;
	v26 =	vsel vm1, $0x2800, v4;
	[tilespmem:v40+s28+$0x0] =	vst.idx.msk vm10, v25;
	v22 =	vsub.s32 v28, v22;
	(pc) =	sbr.rel @p0 .LBB2_4-.Ltmp1, $4  }
0x82: {  	v27 =	vadd.s32 v38, v24;
	v25 =	vadd.s32 v33, v20;
	v20 =	vadd.s32 v39, v31;
	v28 =	vld [tilespmem:s5+$0x10];
	v24, _, _ =	vpop (xrf0)  }
0x83: {  	v26 =	vsub.s32 v26, v20;
	v20 =	vmpcnt.ones.xlane vm3;
	[tilespmem:v21+s28+$0x0] =	vst.idx.msk vm8, v19;
	v19 =	vadd.s32 v31, v30;
	v21, _, _ =	vpop (xrf0)  }
0x84: {  	v30 =	vadd.s32 v24, v34;
	[tilespmem:v23+s28+$0x0] =	vst.idx.msk vm8, v29;
	v23 =	vld [tilespmem:s5+$0xFFFFFFF0];
	v29 =	vadd.s32 v21, v35;
	v21 =	vsub.s32 $0x0, v19  }
0x85: {  	s25 =	sadd.s32 $0x40, s25;
	vm5 =	vmmov vm1;
	v20 =	vadd.s32 v36, v20;
	v24 =	vsub.s32 v32, v29;
	v29 =	vld [tilespmem:s5+$0x0]  }
0x86: {  	_ =	sdelay $0x4  }
0x87: {  	[tilespmem:v27+s26+$0x0] =	vst.idx.msk vm3, v28  }
0x88: {  	vm7 =	vmmov vm3;
	v21 =	vshll.u32 v30, $0x1;
	[tilespmem:v26+s26+$0x0] =	vst.idx.msk vm1, v28  }
0x89: {  	v48 =	vshll.u32 v27, $0x1;
	vm12 =	vmmov vm2;
	[tilespmem:v25+s26+$0x0] =	vst.idx.msk vm2, v23  }
0x8a: {  	v50 =	vshll.u32 v25, $0x1;
	[tilespmem:v30+s26+$0x0] =	vst.idx.msk vm0, v29  }
0x8b: {  	v49 =	vor.u32 $0x1, v21;
	[tilespmem:v24+s26+$0x0] =	vst.idx.msk vm6, v23  }
0x8c: {  	v17 =	vshll.u32 v17, $0x1;
	v51 =	vor.u32 $0x1, v50;
	[tilespmem:v22+s26+$0x0] =	vst.idx.msk vm4, v29  }
0x8d: {  	v16 =	vshll.u32 v16, $0x1;
	v53 =	vor.u32 $0x1, v48;
	[tilespmem:v21+s28+$0x0] =	vst.idx.msk vm0, v17  }
0x8e: {  	v52 =	vshll.u32 v22, $0x1;
	v18 =	vshll.u32 v18, $0x1;
	[tilespmem:v48+s28+$0x0] =	vst.idx.msk vm7, v16  }
0x8f: {  	v55 =	vshll.u32 v24, $0x1;
	v54 =	vor.u32 $0x1, v17;
	[tilespmem:v50+s28+$0x0] =	vst.idx.msk vm12, v18  }
0x90: {  	v56 =	vshll.u32 v26, $0x1;
	v57 =	vor.u32 $0x1, v18;
	[tilespmem:v49+s28+$0x0] =	vst.idx.msk vm0, v54  }
0x91: {  	v58 =	vor.u32 $0x1, v56;
	v61 =	vor.u32 $0x1, v16;
	[tilespmem:v51+s28+$0x0] =	vst.idx.msk vm12, v57  }
0x92: {  	v59 =	vadd.s32 $0xFFFFEC78, v17;
	v60 =	vor.u32 $0x1, v52;
	[tilespmem:v53+s28+$0x0] =	vst.idx.msk vm7, v61  }
0x93: {  	v62 =	vadd.s32 $0xFFFFEC78, v18;
	v63 =	vor.u32 $0x1, v55;
	[tilespmem:v52+s28+$0x0] =	vst.idx.msk vm4, v59  }
0x94: {  	v29 =	vadd.s32 $0xFFFFEC78, v16;
	[tilespmem:v55+s28+$0x0] =	vst.idx.msk vm6, v62  }
0x95: {  	v16 =	vadd.s32 $0xFFFFEC79, v16;
	[tilespmem:v56+s28+$0x0] =	vst.idx.msk vm5, v29  }
0x96: {  	v17 =	vadd.s32 $0xFFFFEC79, v17;
	[tilespmem:v58+s28+$0x0] =	vst.idx.msk vm5, v16  }
0x97: {  	v16 =	vadd.s32 $0xFFFFEC79, v18;
	[tilespmem:v60+s28+$0x0] =	vst.idx.msk vm4, v17  }
0x98: {  	[tilespmem:v63+s28+$0x0] =	vst.idx.msk vm6, v16  }
0x99: {  	v16 =	vld [tilespmem:$0x4E80];
	_ =	sdelay $0x4  }
0x9a: {  	v16 =	vsub.s32 v16, v0  }
0x9b: {  	vm14 =	vlt.u32 v16, $0x9C4;
	v17 =	vadd.s32 $0xFFFFF63C, v16  }
0x9c: {  	vm15 =	vlt.u32 v17, $0x9C4;
	v17 =	vmpcnt.ones.xlane vm14  }
0x9d: {  	v30 =	vmpcnt.ones.xlane vm15  }
0x9e: {  	v17 =	vadd.s32 v20, v17  }
0x9f: {  	v31 =	vsel vm14, $0x1, v2;
	v18 =	vadd.s32 v19, v30;
	(v2sf) =	vpush v17, $0x0  }
0xa0: {  	v32 =	vsel vm15, $0x1, v2;
	(xrf0) =	vadd.scan.msk.s32 $0xffff, v31;
	(v2sf) =	vpush v18, $0x0  }
0xa1: {  	(xrf0) =	vadd.scan.msk.s32 $0xffff, v32;
	_ =	sdelay $0x4  }
0xa2: {  	v33 =	vsel vm14, $0xFFFFFFFF, v2;
	v21, _, _ =	vpop (xrf0)  }
0xa3: {  	v34 =	vadd.s32 v33, v20;
	v35, _, _ =	vpop (xrf0)  }
0xa4: {  	v23 =	vld [tilespmem:$0x2700];
	v36 =	vsel vm15, $0x2800, v4;
	v20 =	vadd.s32 v21, v34;
	v37 =	vadd.s32 v35, v19  }
0xa5: {  	v19 =	vsub.s32 v36, v37  }
0xa6: {  	v38 =	vshll.u32 v20, $0x1  }
0xa7: {  	v39 =	vor.u32 $0x1, v38  }
0xa8: {  	v40 =	vshll.u32 v19, $0x1  }
0xa9: {  	v41 =	vor.u32 $0x1, v40;
	[tilespmem:v20+s26+$0x0] =	vst.idx.msk vm14, v23  }
0xaa: {  	v16 =	vshll.u32 v16, $0x1;
	v42 =	vbroadcast v17, $0x0;
	[tilespmem:v19+s26+$0x0] =	vst.idx.msk vm15, v23;
	s8 =	spop (v2sf)  }
0xab: {  	v43 =	vor.u32 $0x1, v16;
	[tilespmem:v38+s28+$0x0] =	vst.idx.msk vm14, v16;
	s5 =	spop (v2sf)  }
0xac: {  	v44 =	vadd.s32 $0xFFFFEC78, v16;
	v45 =	vadd.s32 v3, v42;
	[tilespmem:v39+s28+$0x0] =	vst.idx.msk vm14, v43;
	s9 =	ssub.s32 $0x27C0, s5  }
0xad: {  	v16 =	vadd.s32 $0xFFFFEC79, v16;
	[tilespmem:v40+s28+$0x0] =	vst.idx.msk vm15, v44;
	v46 =	vadd.s32 s9, v3  }
0xae: {  	[tilespmem:v41+s28+$0x0] =	vst.idx.msk vm15, v16;
	v16 =	vadd.s32 v5, v42  }
0xaf: {  	[tilespmem:$0x11700] =	vst v17;
	v17 =	vadd.s32 s9, v5  }
0xb0: {  	v47 =	vadd.s32 v7, v42;
	[tilespmem:$0x11710] =	vst v18  }
0xb1: {  	[tilespmem:v45+s26+$0x0] =	vst.idx.msk $0xffff, v2;
	v48 =	vadd.s32 s9, v7  }
0xb2: {  	v19 =	vadd.s32 v8, v42;
	[tilespmem:v46+s26+$0x0] =	vst.idx.msk $0xffff, v2  }
0xb3: {  	v21 =	vshll.u32 v45, $0x1;
	s16 =	sshll.u32 s5, $0x1;
	[tilespmem:v16+s26+$0x0] =	vst.idx.msk $0xffff, v2;
	v16 =	vadd.s32 s9, v8  }
0xb4: {  	s9 =	ssub.s32 $0x4F80, s16;
	[tilespmem:v17+s26+$0x0] =	vst.idx.msk $0xffff, v2;
	v17 =	vadd.s32 v6, v21  }
0xb5: {  	v49 =	vadd.s32 s9, v3;
	[tilespmem:v47+s26+$0x0] =	vst.idx.msk $0xffff, v2  }
0xb6: {  	v50 =	vadd.s32 v10, v21;
	[tilespmem:v48+s26+$0x0] =	vst.idx.msk $0xffff, v2  }
0xb7: {  	v51 =	vadd.s32 s9, v5;
	[tilespmem:v19+s26+$0x0] =	vst.idx.msk $0xffff, v2  }
0xb8: {  	[tilespmem:v16+s26+$0x0] =	vst.idx.msk $0xffff, v2;
	v16 =	vadd.s32 v12, v21  }
0xb9: {  	[tilespmem:v17+s28+$0x0] =	vst.idx.msk $0xffff, v9;
	v17 =	vadd.s32 s9, v7  }
0xba: {  	v52 =	vadd.s32 v13, v21;
	[tilespmem:v49+s28+$0x0] =	vst.idx.msk $0xffff, v9  }
0xbb: {  	v53 =	vadd.s32 s9, v8;
	[tilespmem:v50+s28+$0x0] =	vst.idx.msk $0xffff, v11  }
0xbc: {  	v54 =	vadd.s32 v14, v21;
	[tilespmem:v51+s28+$0x0] =	vst.idx.msk $0xffff, v11  }
0xbd: {  	v55 =	vadd.s32 $0x50, v6;
	[tilespmem:v16+s28+$0x0] =	vst.idx.msk $0xffff, v9;
	v16 =	vadd.s32 s9, v15  }
0xbe: {  	v56 =	vor.u32 $0x50, v3;
	[tilespmem:v17+s28+$0x0] =	vst.idx.msk $0xffff, v9;
	v17 =	vadd.s32 v55, v21  }
0xbf: {  	v58 =	vadd.s32 $0x60, v6;
	v57 =	vadd.s32 s9, v56;
	[tilespmem:v52+s28+$0x0] =	vst.idx.msk $0xffff, v11  }
0xc0: {  	v60 =	vor.u32 $0x60, v3;
	v59 =	vadd.s32 v58, v21;
	[tilespmem:v53+s28+$0x0] =	vst.idx.msk $0xffff, v11  }
0xc1: {  	v62 =	vadd.s32 $0x70, v6;
	v61 =	vadd.s32 s9, v60;
	[tilespmem:v54+s28+$0x0] =	vst.idx.msk $0xffff, v9  }
0xc2: {  	v63 =	vor.u32 $0x70, v3;
	[tilespmem:v16+s28+$0x0] =	vst.idx.msk $0xffff, v9;
	v16 =	vadd.s32 v62, v21  }
0xc3: {  	[tilespmem:v17+s28+$0x0] =	vst.idx.msk $0xffff, v11;
	v17 =	vadd.s32 s9, v63  }
0xc4: {  	[tilespmem:v57+s28+$0x0] =	vst.idx.msk $0xffff, v11  }
0xc5: {  	[tilespmem:v59+s28+$0x0] =	vst.idx.msk $0xffff, v9  }
0xc6: {  	[tilespmem:v61+s28+$0x0] =	vst.idx.msk $0xffff, v9  }
0xc7: {  	[tilespmem:v16+s28+$0x0] =	vst.idx.msk $0xffff, v11  }
0xc8: {  	[tilespmem:v17+s28+$0x0] =	vst.idx.msk $0xffff, v11  }
0xc9: {  	_ =	swait.ge [sflag:s29], $0x1000  }
0xca: {  	[sflag:s29] =	ssyncset.done $0x0  }
0xcb: {  	[sflag:s29] =	ssyncadd.s32 $0xFFFFF000  }
0xcc: {  	_ =	swait.ge [sflag:s29], $0x1000  }
0xcd: {  	[sflag:s29] =	ssyncset.done $0x0  }
0xce: {  	[sflag:s29] =	ssyncadd.s32 $0xFFFFF000  }
0xcf: {  	_ =	swait.ge [sflag:s29], $0x1000  }
0xd0: {  	[sflag:s29] =	ssyncset.done $0x0  }
0xd1: {  	[sflag:s29] =	ssyncadd.s32 $0xFFFFF000  }
0xd2: {  	_ =	swait.ge [sflag:s29], $0x1000  }
0xd3: {  	[sflag:s29] =	ssyncset.done $0x0  }
0xd4: {  	[sflag:s29] =	ssyncadd.s32 $0xFFFFF000  }
0xd5: {  	_ =	swait.ge [sflag:s29], $0x1000  }
0xd6: {  	[sflag:s29] =	ssyncset.done $0x0  }
0xd7: {  	[sflag:s29] =	ssyncadd.s32 $0xFFFFF000  }
0xd8: {  	_ =	swait.ge [sflag:s29], $0x1000  }
0xd9: {  	[sflag:s29] =	ssyncset.done $0x0  }
0xda: {  	[sflag:s29] =	ssyncadd.s32 $0xFFFFF000  }
0xdb: {  	s8 =	sadd.s32 $0x3F, s8;
	_ =	swait.ge [sflag:s29], $0x1000  }
0xdc: {  	s20 =	sand.u32 $0x3F, s8;
	[sflag:s29] =	ssyncset.done $0x0  }
0xdd: {  	p1 =	slt.s32 s8, $0x1;
	p0 =	sne.s32 s20, $0x0;
	[sflag:s29] =	ssyncadd.s32 $0xFFFFF000  }
0xde: {  	s25 =	sshra.s32 s8, $0x1F;
	p0 =	por !p1, !p0;
	_ =	swait.ge [sflag:s29], $0x1000  }
0xdf: {  	p0 =	por !p0, !p0;
	s9 =	sshrl.u32 s25, $0x1A;
	[sflag:s29] =	ssyncset.done $0x0  }
0xe0: {  	s8 =	sadd.s32 s9, s8;
	s9 =	simm.s32 $0x1;
	[sflag:s29] =	ssyncadd.s32 $0xFFFFF000  }
0xe1: {  	s8 =	sshra.s32 s8, $0x6;
	s9 =	simm.s32 @!p0 $0x0;
	_ =	swait.ge [sflag:s29], $0x1000  }
0xe2: {  	s30 =	ssub.s32 s8, s9;
	[sflag:s29] =	ssyncset.done $0x0  }
0xe3: {  	p0 =	slt.s32 s30, $0x1;
	[sflag:s29] =	ssyncadd.s32 $0xFFFFF000  }
.Ltmp2:
0xe4: {  	_ =	swait.ge [sflag:s29], $0x1000;
	(pc) =	sbr.rel @p0 .LBB2_9-.Ltmp2, $4  }
0xe5: {  	[sflag:s29] =	ssyncset.done $0x0  }
0xe6: {  	[sflag:s29] =	ssyncadd.s32 $0xFFFFF000  }
0xe7: {  	[bflag:$0x0] =	sbarrier.arrive $0xFFFF  }
0xe8: {  	vm11 =	vmmov vm6;
	vm13 =	vmmov vm4  }
0xe9: {  	s8 =	simm.s32 $0x10  }
0xea: {  	[tilespmem:s31], [sflag:$0x1] =	stream.indirect.gather [hbm4b:s2+s8], $0x100, s26, s8, $0xb8;
	[tilespmem:$0x1B780] =	vst v63  }
0xeb: {  	s9 =	simm.s32 $0x4F10;
	s10 =	simm.s32 $0xD700  }
0xec: {  	[tilespmem:s10], [sflag:$0x2] =	stream.indirect.gather [hbm4b:s2+s8], $0x100, s9, s8, $0xb8;
	[tilespmem:$0x1B780] =	vst v63  }
0xed: {  	s13 =	simm.s32 $0x4F20  }
0xee: {  	[tilespmem:s0], [sflag:$0x3] =	stream.indirect.gather [hbm4b:s2+s8], $0x100, s13, s8, $0xb8;
	[tilespmem:$0x1B780] =	vst v63  }
0xef: {  	s14 =	simm.s32 $0x4F30;
	s15 =	simm.s32 $0xF700  }
0xf0: {  	[tilespmem:s15], [sflag:$0x4] =	stream.indirect.gather [hbm4b:s2+s8], $0x100, s14, s8, $0xb8;
	[tilespmem:$0x1B780] =	vst v63  }
0xf1: {  	_ =	swait.ge [sflag:s24], $0x1000  }
0xf2: {  	[sflag:s24] =	ssyncset.done $0x0  }
0xf3: {  	s16 =	simm.s32 $0x7700;
	[sflag:s24] =	ssyncadd.s32 $0xFFFFF000  }
0xf4: {  	[spmem:s3] =	stream.indirect.scatter.add.f32 [tilespmem:s31], [sflag:$0x6], $0x80, s16, s22, $0xb8;
	[tilespmem:$0x1B780] =	vst v63  }
0xf5: {  	_ =	swait.ge [sflag:s4], $0x1000  }
0xf6: {  	p0 =	sle.s32 s30, $0x1;
	[sflag:s4] =	ssyncset.done $0x0  }
0xf7: {  	s8 =	simm.s32 @p0 $0x2;
	[sflag:s4] =	ssyncadd.s32 $0xFFFFF000  }
0xf8: {  	_ =	swait.ge @p0 [sflag:s8], $0x1000  }
0xf9: {  	s11 =	simm.s32 @p0 $0x20;
	s9 =	simm.s32 @p0 $0xD700;
	[sflag:s8] =	ssyncset.done @p0 $0x0  }
0xfa: {  	s10 =	simm.s32 @p0 $0x6;
	[sflag:s8] =	ssyncadd.s32 @p0 $0xFFFFF000;
	s8 =	simm.s32 @p0 $0x7720  }
0xfb: {  	[spmem:s3] =	stream.indirect.scatter.add.f32 @p0 [tilespmem:s9], [sflag:$0x6], $0x80, s8, s11, $0xb8;
	[tilespmem:$0x1B780] =	vst v63  }
0xfc: {  	_ =	swait.ge @p0 [sflag:s10], $0x1000  }
0xfd: {  	s12 =	simm.s32 @!p0 $0x4F40;
	s25 =	simm.s32 @!p0 $0x10;
	[sflag:s10] =	ssyncset.done @p0 $0x0  }
0xfe: {  	s8 =	simm.s32 @!p0 $0xC700;
	s9 =	simm.s32 @!p0 $0x2;
	[sflag:s10] =	ssyncadd.s32 @p0 $0xFFFFF000  }
0xff: {  	[tilespmem:s8], [sflag:$0x1] =	stream.indirect.gather @!p0 [hbm4b:s2+s25], $0x100, s12, s25, $0xb8;
	[tilespmem:$0x1B780] =	vst v63  }
0x100: {  	_ =	swait.ge @!p0 [sflag:s9], $0x1000  }
0x101: {  	s13 =	simm.s32 @!p0 $0x6;
	s14 =	simm.s32 @!p0 $0x20;
	[sflag:s9] =	ssyncset.done @!p0 $0x0  }
0x102: {  	s8 =	simm.s32 @!p0 $0xD700;
	[sflag:s9] =	ssyncadd.s32 @!p0 $0xFFFFF000;
	s9 =	simm.s32 @!p0 $0x7720  }
0x103: {  	[spmem:s3] =	stream.indirect.scatter.add.f32 @!p0 [tilespmem:s8], [sflag:$0x6], $0x80, s9, s14, $0xb8;
	[tilespmem:$0x1B780] =	vst v63  }
0x104: {  	_ =	swait.ge @!p0 [sflag:s13], $0x1000  }
0x105: {  	[sflag:s13] =	ssyncset.done @!p0 $0x0  }
0x106: {  	s9 =	simm.s32 @!p0 $0x4F50;
	[sflag:s13] =	ssyncadd.s32 @!p0 $0xFFFFF000  }
0x107: {  	[tilespmem:s8], [sflag:$0x2] =	stream.indirect.gather @!p0 [hbm4b:s2+s25], $0x100, s9, s25, $0xb8;
	[tilespmem:$0x1B780] =	vst v63  }
0x108: {  	_ =	swait.ge [sflag:s6], $0x1000  }
0x109: {  	[sflag:s6] =	ssyncset.done $0x0  }
0x10a: {  	s20 =	simm.s32 $0x7740;
	[sflag:s6] =	ssyncadd.s32 $0xFFFFF000  }
0x10b: {  	[spmem:s3] =	stream.indirect.scatter.add.f32 [tilespmem:s0], [sflag:$0x6], $0x80, s20, s22, $0xb8;
	[tilespmem:$0x1B780] =	vst v63  }
0x10c: {  	_ =	swait.ge [sflag:s4], $0x1000  }
0x10d: {  	[sflag:s4] =	ssyncset.done $0x0  }
0x10e: {  	s8 =	simm.s32 @p0 $0x4;
	[sflag:s4] =	ssyncadd.s32 $0xFFFFF000  }
0x10f: {  	_ =	swait.ge @p0 [sflag:s8], $0x1000  }
0x110: {  	[sflag:s8] =	ssyncset.done @p0 $0x0  }
0x111: {  	s9 =	simm.s32 $0x7760;
	[sflag:s8] =	ssyncadd.s32 @p0 $0xFFFFF000;
	s8 =	simm.s32 @p0 $0xF700  }
0x112: {  	[spmem:s3] =	stream.indirect.scatter.add.f32 @p0 [tilespmem:s8], [sflag:$0x6], $0x80, s9, s11, $0xb8;
	[tilespmem:$0x1B780] =	vst v63  }
0x113: {  	_ =	swait.ge @p0 [sflag:s10], $0x1000  }
0x114: {  	s8 =	simm.s32 @!p0 $0x4;
	[sflag:s10] =	ssyncset.done @p0 $0x0  }
0x115: {  	s11 =	simm.s32 @!p0 $0xE700;
	[sflag:s10] =	ssyncadd.s32 @p0 $0xFFFFF000;
	s10 =	simm.s32 @!p0 $0x4F60  }
0x116: {  	[tilespmem:s11], [sflag:$0x3] =	stream.indirect.gather @!p0 [hbm4b:s2+s25], $0x100, s10, s25, $0xb8;
	[tilespmem:$0x1B780] =	vst v63  }
0x117: {  	_ =	swait.ge @!p0 [sflag:s8], $0x1000  }
0x118: {  	p1 =	sne.s32 s30, $0x1;
	[sflag:s8] =	ssyncset.done @!p0 $0x0  }
.Ltmp3:
0x119: {  	s12 =	simm.s32 @!p0 $0xF700;
	[sflag:s8] =	ssyncadd.s32 @!p0 $0xFFFFF000;
	(pc) =	sbr.rel @!p1 .LBB2_8-.Ltmp3, $4  }
0x11a: {  	[spmem:s3] =	stream.indirect.scatter.add.f32 @!p0 [tilespmem:s12], [sflag:$0x6], $0x80, s9, s14, $0xb8;
	[tilespmem:$0x1B780] =	vst v63  }
0x11b: {  	_ =	swait.ge @!p0 [sflag:s13], $0x1000  }
0x11c: {  	s10 =	simm.s32 $0x4FB0;
	s11 =	simm.s32 $0x77E0;
	[sflag:s13] =	ssyncset.done @!p0 $0x0  }
0x11d: {  	s8 =	simm.s32 $0x1;
	s9 =	simm.s32 $0x4F70;
	[sflag:s13] =	ssyncadd.s32 @!p0 $0xFFFFF000  }
.LBB2_7:
0x11e: {  	[tilespmem:s12], [sflag:$0x4] =	stream.indirect.gather @!p0 [hbm4b:s2+s25], $0x100, s9, s25, $0xb8;
	[tilespmem:$0x1B780] =	vst v63  }
0x11f: {  	s8 =	sadd.s32 $0x1, s8;
	s9 =	smov.u32 s10;
	_ =	swait.ge [sflag:s24], $0x1000  }
0x120: {  	p1 =	sne.s32 s30, s8;
	[sflag:s24] =	ssyncset.done $0x0  }
0x121: {  	s12 =	sadd.s32 $0xFFFFFFA0, s11;
	[sflag:s24] =	ssyncadd.s32 $0xFFFFF000  }
0x122: {  	[spmem:s3] =	stream.indirect.scatter.add.f32 [tilespmem:s31], [sflag:$0x6], $0x80, s12, s22, $0xb8;
	[tilespmem:$0x1B780] =	vst v63  }
0x123: {  	_ =	swait.ge [sflag:s4], $0x1000  }
0x124: {  	p0 =	sge.s32 s8, s30;
	[sflag:s4] =	ssyncset.done $0x0  }
0x125: {  	s13 =	simm.s32 @p0 $0x2;
	[sflag:s4] =	ssyncadd.s32 $0xFFFFF000  }
0x126: {  	_ =	swait.ge @p0 [sflag:s13], $0x1000  }
0x127: {  	s14 =	simm.s32 @p0 $0xD700;
	s12 =	simm.s32 @p0 $0x6;
	[sflag:s13] =	ssyncset.done @p0 $0x0  }
0x128: {  	s15 =	simm.s32 @p0 $0x20;
	[sflag:s13] =	ssyncadd.s32 @p0 $0xFFFFF000;
	s13 =	sadd.s32 @p0 $0xFFFFFFC0, s11  }
0x129: {  	[spmem:s3] =	stream.indirect.scatter.add.f32 @p0 [tilespmem:s14], [sflag:$0x6], $0x80, s13, s15, $0xb8;
	[tilespmem:$0x1B780] =	vst v63  }
0x12a: {  	_ =	swait.ge @p0 [sflag:s12], $0x1000  }
0x12b: {  	s13 =	simm.s32 @!p0 $0xC700;
	s14 =	simm.s32 @!p0 $0x2;
	[sflag:s12] =	ssyncset.done @p0 $0x0  }
0x12c: {  	s16 =	sadd.s32 @!p0 $0xFFFFFFD0, s10;
	s25 =	simm.s32 @!p0 $0x10;
	[sflag:s12] =	ssyncadd.s32 @p0 $0xFFFFF000  }
0x12d: {  	[tilespmem:s13], [sflag:$0x1] =	stream.indirect.gather @!p0 [hbm4b:s2+s25], $0x100, s16, s25, $0xb8;
	[tilespmem:$0x1B780] =	vst v63  }
0x12e: {  	_ =	swait.ge @!p0 [sflag:s14], $0x1000  }
0x12f: {  	s16 =	simm.s32 @!p0 $0xD700;
	s13 =	simm.s32 @!p0 $0x6;
	[sflag:s14] =	ssyncset.done @!p0 $0x0  }
0x130: {  	s20 =	simm.s32 @!p0 $0x20;
	[sflag:s14] =	ssyncadd.s32 @!p0 $0xFFFFF000;
	s14 =	sadd.s32 @!p0 $0xFFFFFFC0, s11  }
0x131: {  	[spmem:s3] =	stream.indirect.scatter.add.f32 @!p0 [tilespmem:s16], [sflag:$0x6], $0x80, s14, s20, $0xb8;
	[tilespmem:$0x1B780] =	vst v63  }
0x132: {  	_ =	swait.ge @!p0 [sflag:s13], $0x1000  }
0x133: {  	[sflag:s13] =	ssyncset.done @!p0 $0x0  }
0x134: {  	s14 =	sadd.s32 @!p0 $0xFFFFFFE0, s10;
	[sflag:s13] =	ssyncadd.s32 @!p0 $0xFFFFF000  }
0x135: {  	[tilespmem:s16], [sflag:$0x2] =	stream.indirect.gather @!p0 [hbm4b:s2+s25], $0x100, s14, s25, $0xb8;
	[tilespmem:$0x1B780] =	vst v63  }
0x136: {  	_ =	swait.ge [sflag:s6], $0x1000  }
0x137: {  	[sflag:s6] =	ssyncset.done $0x0  }
0x138: {  	s14 =	sadd.s32 $0xFFFFFFE0, s11;
	[sflag:s6] =	ssyncadd.s32 $0xFFFFF000  }
0x139: {  	[spmem:s3] =	stream.indirect.scatter.add.f32 [tilespmem:s0], [sflag:$0x6], $0x80, s14, s22, $0xb8;
	[tilespmem:$0x1B780] =	vst v63  }
0x13a: {  	_ =	swait.ge [sflag:s4], $0x1000  }
0x13b: {  	[sflag:s4] =	ssyncset.done $0x0  }
0x13c: {  	s14 =	simm.s32 @p0 $0x4;
	[sflag:s4] =	ssyncadd.s32 $0xFFFFF000  }
0x13d: {  	_ =	swait.ge @p0 [sflag:s14], $0x1000  }
0x13e: {  	[sflag:s14] =	ssyncset.done @p0 $0x0  }
0x13f: {  	[sflag:s14] =	ssyncadd.s32 @p0 $0xFFFFF000;
	s14 =	simm.s32 @p0 $0xF700  }
0x140: {  	[spmem:s3] =	stream.indirect.scatter.add.f32 @p0 [tilespmem:s14], [sflag:$0x6], $0x80, s11, s15, $0xb8;
	[tilespmem:$0x1B780] =	vst v63  }
0x141: {  	_ =	swait.ge @p0 [sflag:s12], $0x1000  }
0x142: {  	s14 =	simm.s32 @!p0 $0x4;
	[sflag:s12] =	ssyncset.done @p0 $0x0  }
0x143: {  	s15 =	simm.s32 @!p0 $0xE700;
	[sflag:s12] =	ssyncadd.s32 @p0 $0xFFFFF000;
	s12 =	sadd.s32 @!p0 $0xFFFFFFF0, s10  }
0x144: {  	[tilespmem:s15], [sflag:$0x3] =	stream.indirect.gather @!p0 [hbm4b:s2+s25], $0x100, s12, s25, $0xb8;
	[tilespmem:$0x1B780] =	vst v63  }
0x145: {  	_ =	swait.ge @!p0 [sflag:s14], $0x1000  }
0x146: {  	[sflag:s14] =	ssyncset.done @!p0 $0x0  }
.Ltmp4:
0x147: {  	s12 =	simm.s32 @!p0 $0xF700;
	[sflag:s14] =	ssyncadd.s32 @!p0 $0xFFFFF000;
	(pc) =	sbr.rel @p1 .LBB2_7-.Ltmp4, $4  }
0x148: {  	[spmem:s3] =	stream.indirect.scatter.add.f32 @!p0 [tilespmem:s12], [sflag:$0x6], $0x80, s11, s20, $0xb8;
	[tilespmem:$0x1B780] =	vst v63  }
0x149: {  	_ =	swait.ge @!p0 [sflag:s13], $0x1000  }
0x14a: {  	[sflag:s13] =	ssyncset.done @!p0 $0x0  }
0x14b: {  	s10 =	sadd.s32 $0x40, s10;
	s11 =	sadd.s32 $0x80, s11;
	[sflag:s13] =	ssyncadd.s32 @!p0 $0xFFFFF000  }
.LBB2_8:
0x14c: {  	[tilespmem:s12], [sflag:$0x4] =	stream.indirect.gather @!p0 [hbm4b:s2+s25], $0x100, s9, s25, $0xb8;
	[tilespmem:$0x1B780] =	vst v63  }
.LBB2_9:
0x14d: {  	s5 =	sadd.s32 $0x3F, s5  }
0x14e: {  	s8 =	sand.u32 $0x3F, s5  }
0x14f: {  	s9 =	sshra.s32 s5, $0x1F;
	p0 =	slt.s32 s5, $0x1;
	p1 =	sne.s32 s8, $0x0  }
0x150: {  	s25 =	sshrl.u32 s9, $0x1A;
	p0 =	por !p0, !p1  }
0x151: {  	s8 =	simm.s32 $0x1;
	s5 =	sadd.s32 s25, s5;
	p0 =	por !p0, !p0  }
0x152: {  	s5 =	sshra.s32 s5, $0x6;
	s8 =	simm.s32 @!p0 $0x0  }
0x153: {  	s5 =	ssub.s32 s5, s8  }
0x154: {  	p0 =	slt.s32 s5, $0x1  }
0x155: {  	s8 =	simm.s32 @!p0 $0x10;
	s9 =	simm.s32 @!p0 $0x76F0;
	s10 =	simm.s32 @!p0 $0xC700  }
0x156: {  	[tilespmem:s10], [sflag:$0x1] =	stream.indirect.gather @!p0 [hbm4b:s2+s8], $0x100, s9, s8, $0xb8;
	[tilespmem:$0x1B780] =	vst v63  }
0x157: {  	s9 =	simm.s32 @!p0 $0x76E0;
	s10 =	simm.s32 @!p0 $0xD700  }
0x158: {  	[tilespmem:s10], [sflag:$0x2] =	stream.indirect.gather @!p0 [hbm4b:s2+s8], $0x100, s9, s8, $0xb8;
	[tilespmem:$0x1B780] =	vst v63  }
0x159: {  	s30 =	sadd.s32 $0x0, s1;
	s9 =	simm.s32 @!p0 $0x76D0;
	s10 =	simm.s32 @!p0 $0xE700  }
0x15a: {  	[tilespmem:s10], [sflag:$0x3] =	stream.indirect.gather @!p0 [hbm4b:s2+s8], $0x100, s9, s8, $0xb8;
	[tilespmem:$0x1B780] =	vst v63  }
0x15b: {  	p1 =	sgt.u32 s30, $0x270;
	s9 =	simm.s32 @!p0 $0x76C0;
	s10 =	simm.s32 @!p0 $0xF700  }
0x15c: {  	[tilespmem:s10], [sflag:$0x4] =	stream.indirect.gather @!p0 [hbm4b:s2+s8], $0x100, s9, s8, $0xb8;
	[tilespmem:$0x1B780] =	vst v63  }
0x15d: {  	s13 =	sshrl.u32 @!p1 s19, $0x3;
	[bflag:$0x0] =	sbarrier.arrive $0xFFFF  }
0x15e: {  	s8 =	simm.s32 $0x10;
	s10 =	sshll.u32 @!p1 s1, $0x6;
	s11 =	rddreg [dreg:$0xf]  }
0x15f: {  	s12 =	sor.u32 @!p1 $0x1C05, s10;
	s10 =	sadd.s32 $0x4000, s19;
	s9 =	sadd.s32 $0x800, s11  }
.LBB2_10:
0x160: {  	[hbm:s11], [sflag:s12] =	dma.local @!p1 [spmem:s13], $0x80  }
0x161: {  	s11 =	smov.u32 s8;
	s8 =	sadd.s32 $0x10, s8  }
0x162: {  	p2 =	sne.s32 s8, $0x280  }
.Ltmp5:
0x163: {  	(pc) =	sbr.rel @p2 .LBB2_10-.Ltmp5, $4  }
0x164: {  	s12 =	sadd.s32 s11, s1;
	s11 =	smov.u32 s9  }
0x165: {  	p1 =	sgt.u32 s12, $0x270  }
0x166: {  	s9 =	sadd.s32 $0x800, s9;
	s12 =	sshll.u32 @!p1 s1, $0x6  }
0x167: {  	s13 =	sshrl.u32 @!p1 s10, $0x3;
	s10 =	sadd.s32 $0x4000, s10;
	s12 =	sor.u32 @!p1 $0x1C05, s12  }
0x168: {  	[hbm:s11], [sflag:s12] =	dma.local @!p1 [spmem:s13], $0x80  }
0x169: {  	p1 =	sle.u32 s17, $0x0  }
0x16a: {  	s9 =	simm.s32 @!p1 $0x5  }
0x16b: {  	_ =	swait.ge @!p1 [sflag:s9], $0x80  }
0x16c: {  	s8 =	simm.s32 $0x10;
	s30 =	smov.u32 s21;
	[sflag:s9] =	ssyncset.done @!p1 $0x0  }
.LBB2_12:
0x16d: {  	[sflag:s9] =	ssyncadd.s32 @!p1 $0xFFFFFF80;
	s9 =	smov.u32 s8;
	s8 =	sadd.s32 $0x10, s8  }
0x16e: {  	p2 =	sne.s32 s8, $0x280  }
.Ltmp6:
0x16f: {  	(pc) =	sbr.rel @p2 .LBB2_12-.Ltmp6, $4  }
0x170: {  	p1 =	sge.u32 s9, s17  }
0x171: {  	s9 =	simm.s32 @!p1 $0x5  }
0x172: {  	_ =	swait.ge @!p1 [sflag:s9], $0x80  }
0x173: {  	[sflag:s9] =	ssyncset.done @!p1 $0x0  }
0x174: {  	[sflag:s9] =	ssyncadd.s32 @!p1 $0xFFFFFF80  }
0x175: {  	[bflag:$0x0] =	sbarrier.arrive $0xFFFF  }
0x176: {  	[spmem:s7] =	stream.linear.scatter [tilespmem:s23], [sflag:$0x5], $0x1000, $0x38;
	[tilespmem:$0x1B780] =	vst v63  }
0x177: {  	_ = 	snop  }
0x178: {  	[spmem:s30] =	stream.linear.scatter [tilespmem:s23], [sflag:$0x5], $0x1000, $0x38;
	[tilespmem:$0x1B780] =	vst v63  }
0x179: {  	s8 =	rddreg [dreg:$0x6]  }
0x17a: {  	[spmem:s8] =	stream.linear.scatter [tilespmem:s23], [sflag:$0x5], $0x1000, $0x38;
	[tilespmem:$0x1B780] =	vst v63  }
0x17b: {  	s13 =	rddreg [dreg:$0x7]  }
0x17c: {  	[spmem:s13] =	stream.linear.scatter [tilespmem:s23], [sflag:$0x5], $0x1000, $0x38;
	[tilespmem:$0x1B780] =	vst v63  }
0x17d: {  	s14 =	rddreg [dreg:$0x8]  }
0x17e: {  	[spmem:s14] =	stream.linear.scatter [tilespmem:s23], [sflag:$0x5], $0x1000, $0x38;
	[tilespmem:$0x1B780] =	vst v63  }
0x17f: {  	s15 =	rddreg [dreg:$0x9]  }
0x180: {  	[spmem:s15] =	stream.linear.scatter [tilespmem:s23], [sflag:$0x5], $0x1000, $0x38;
	[tilespmem:$0x1B780] =	vst v63  }
0x181: {  	s16 =	rddreg [dreg:$0xa]  }
0x182: {  	[spmem:s16] =	stream.linear.scatter [tilespmem:s23], [sflag:$0x5], $0x1000, $0x38;
	[tilespmem:$0x1B780] =	vst v63  }
0x183: {  	s20 =	rddreg [dreg:$0xb]  }
0x184: {  	[spmem:s20] =	stream.linear.scatter [tilespmem:s23], [sflag:$0x5], $0x1000, $0x38;
	[tilespmem:$0x1B780] =	vst v63  }
0x185: {  	s21 =	rddreg [dreg:$0xc]  }
0x186: {  	[spmem:s21] =	stream.linear.scatter [tilespmem:s23], [sflag:$0x5], $0x1000, $0x38;
	[tilespmem:$0x1B780] =	vst v63  }
0x187: {  	s25 =	rddreg [dreg:$0xd]  }
0x188: {  	[spmem:s25] =	stream.linear.scatter [tilespmem:s23], [sflag:$0x5], $0x1000, $0x38;
	[tilespmem:$0x1B780] =	vst v63  }
0x189: {  	_ =	swait.ge [sflag:s29], $0x1000  }
0x18a: {  	[sflag:s29] =	ssyncset.done $0x0  }
0x18b: {  	[sflag:s29] =	ssyncadd.s32 $0xFFFFF000  }
0x18c: {  	_ =	swait.ge [sflag:s29], $0x1000  }
0x18d: {  	[sflag:s29] =	ssyncset.done $0x0  }
0x18e: {  	[sflag:s29] =	ssyncadd.s32 $0xFFFFF000  }
0x18f: {  	_ =	swait.ge [sflag:s29], $0x1000  }
0x190: {  	[sflag:s29] =	ssyncset.done $0x0  }
0x191: {  	[sflag:s29] =	ssyncadd.s32 $0xFFFFF000  }
0x192: {  	_ =	swait.ge [sflag:s29], $0x1000  }
0x193: {  	[sflag:s29] =	ssyncset.done $0x0  }
0x194: {  	[sflag:s29] =	ssyncadd.s32 $0xFFFFF000  }
0x195: {  	_ =	swait.ge [sflag:s29], $0x1000  }
0x196: {  	[sflag:s29] =	ssyncset.done $0x0  }
0x197: {  	[sflag:s29] =	ssyncadd.s32 $0xFFFFF000  }
0x198: {  	_ =	swait.ge [sflag:s29], $0x1000  }
0x199: {  	[sflag:s29] =	ssyncset.done $0x0  }
0x19a: {  	[sflag:s29] =	ssyncadd.s32 $0xFFFFF000  }
0x19b: {  	_ =	swait.ge [sflag:s29], $0x1000  }
0x19c: {  	[sflag:s29] =	ssyncset.done $0x0  }
0x19d: {  	[sflag:s29] =	ssyncadd.s32 $0xFFFFF000  }
0x19e: {  	_ =	swait.ge [sflag:s29], $0x1000  }
0x19f: {  	[sflag:s29] =	ssyncset.done $0x0  }
0x1a0: {  	[sflag:s29] =	ssyncadd.s32 $0xFFFFF000  }
0x1a1: {  	_ =	swait.ge [sflag:s29], $0x1000  }
0x1a2: {  	[sflag:s29] =	ssyncset.done $0x0  }
0x1a3: {  	[sflag:s29] =	ssyncadd.s32 $0xFFFFF000  }
.Ltmp7:
0x1a4: {  	_ =	swait.ge [sflag:s29], $0x1000;
	(pc) =	sbr.rel @p0 .LBB2_17-.Ltmp7, $3  }
0x1a5: {  	[sflag:s29] =	ssyncset.done $0x0  }
0x1a6: {  	[sflag:s29] =	ssyncadd.s32 $0xFFFFF000  }
0x1a7: {  	[bflag:$0x0] =	sbarrier.arrive $0xFFFF;
	_ =	sdelay $0x1  }
0x1a8: {  	_ =	swait.ge [sflag:s24], $0x1000  }
0x1a9: {  	[sflag:s24] =	ssyncset.done $0x0  }
0x1aa: {  	s8 =	simm.s32 $0xC6E0;
	[sflag:s24] =	ssyncadd.s32 $0xFFFFF000  }
0x1ab: {  	[spmem:s3] =	stream.indirect.scatter.add.f32 [tilespmem:s31], [sflag:$0x6], $0x80, s8, s22, $0xb8;
	[tilespmem:$0x1B780] =	vst v63  }
0x1ac: {  	_ =	swait.ge [sflag:s4], $0x1000  }
0x1ad: {  	p0 =	sle.s32 s5, $0x1;
	[sflag:s4] =	ssyncset.done $0x0  }
0x1ae: {  	s8 =	simm.s32 @p0 $0x2;
	[sflag:s4] =	ssyncadd.s32 $0xFFFFF000  }
0x1af: {  	_ =	swait.ge @p0 [sflag:s8], $0x1000  }
0x1b0: {  	s9 =	simm.s32 @p0 $0xD700;
	s10 =	simm.s32 @p0 $0x6;
	[sflag:s8] =	ssyncset.done @p0 $0x0  }
0x1b1: {  	s11 =	simm.s32 @p0 $0x20;
	[sflag:s8] =	ssyncadd.s32 @p0 $0xFFFFF000;
	s8 =	simm.s32 @p0 $0xC6C0  }
0x1b2: {  	[spmem:s3] =	stream.indirect.scatter.add.f32 @p0 [tilespmem:s9], [sflag:$0x6], $0x80, s8, s11, $0xb8;
	[tilespmem:$0x1B780] =	vst v63  }
0x1b3: {  	_ =	swait.ge @p0 [sflag:s10], $0x1000  }
0x1b4: {  	s12 =	simm.s32 @!p0 $0x76B0;
	s25 =	simm.s32 @!p0 $0x10;
	[sflag:s10] =	ssyncset.done @p0 $0x0  }
0x1b5: {  	s8 =	simm.s32 @!p0 $0xC700;
	s9 =	simm.s32 @!p0 $0x2;
	[sflag:s10] =	ssyncadd.s32 @p0 $0xFFFFF000  }
0x1b6: {  	[tilespmem:s8], [sflag:$0x1] =	stream.indirect.gather @!p0 [hbm4b:s2+s25], $0x100, s12, s25, $0xb8;
	[tilespmem:$0x1B780] =	vst v63  }
0x1b7: {  	_ =	swait.ge @!p0 [sflag:s9], $0x1000  }
0x1b8: {  	s13 =	simm.s32 @!p0 $0x6;
	s14 =	simm.s32 @!p0 $0x20;
	[sflag:s9] =	ssyncset.done @!p0 $0x0  }
0x1b9: {  	s8 =	simm.s32 @!p0 $0xD700;
	[sflag:s9] =	ssyncadd.s32 @!p0 $0xFFFFF000;
	s9 =	simm.s32 @!p0 $0xC6C0  }
0x1ba: {  	[spmem:s3] =	stream.indirect.scatter.add.f32 @!p0 [tilespmem:s8], [sflag:$0x6], $0x80, s9, s14, $0xb8;
	[tilespmem:$0x1B780] =	vst v63  }
0x1bb: {  	_ =	swait.ge @!p0 [sflag:s13], $0x1000  }
0x1bc: {  	[sflag:s13] =	ssyncset.done @!p0 $0x0  }
0x1bd: {  	s9 =	simm.s32 @!p0 $0x76A0;
	[sflag:s13] =	ssyncadd.s32 @!p0 $0xFFFFF000  }
0x1be: {  	[tilespmem:s8], [sflag:$0x2] =	stream.indirect.gather @!p0 [hbm4b:s2+s25], $0x100, s9, s25, $0xb8;
	[tilespmem:$0x1B780] =	vst v63  }
0x1bf: {  	_ =	swait.ge [sflag:s6], $0x1000  }
0x1c0: {  	[sflag:s6] =	ssyncset.done $0x0  }
0x1c1: {  	s21 =	simm.s32 $0xC6A0;
	[sflag:s6] =	ssyncadd.s32 $0xFFFFF000  }
0x1c2: {  	[spmem:s3] =	stream.indirect.scatter.add.f32 [tilespmem:s0], [sflag:$0x6], $0x80, s21, s22, $0xb8;
	[tilespmem:$0x1B780] =	vst v63  }
0x1c3: {  	_ =	swait.ge [sflag:s4], $0x1000  }
0x1c4: {  	[sflag:s4] =	ssyncset.done $0x0  }
0x1c5: {  	s8 =	simm.s32 @p0 $0x4;
	[sflag:s4] =	ssyncadd.s32 $0xFFFFF000  }
0x1c6: {  	_ =	swait.ge @p0 [sflag:s8], $0x1000  }
0x1c7: {  	[sflag:s8] =	ssyncset.done @p0 $0x0  }
0x1c8: {  	s9 =	simm.s32 $0xC680;
	[sflag:s8] =	ssyncadd.s32 @p0 $0xFFFFF000;
	s8 =	simm.s32 @p0 $0xF700  }
0x1c9: {  	[spmem:s3] =	stream.indirect.scatter.add.f32 @p0 [tilespmem:s8], [sflag:$0x6], $0x80, s9, s11, $0xb8;
	[tilespmem:$0x1B780] =	vst v63  }
0x1ca: {  	_ =	swait.ge @p0 [sflag:s10], $0x1000  }
0x1cb: {  	s8 =	simm.s32 @!p0 $0x4;
	[sflag:s10] =	ssyncset.done @p0 $0x0  }
0x1cc: {  	s11 =	simm.s32 @!p0 $0xE700;
	[sflag:s10] =	ssyncadd.s32 @p0 $0xFFFFF000;
	s10 =	simm.s32 @!p0 $0x7690  }
0x1cd: {  	[tilespmem:s11], [sflag:$0x3] =	stream.indirect.gather @!p0 [hbm4b:s2+s25], $0x100, s10, s25, $0xb8;
	[tilespmem:$0x1B780] =	vst v63  }
0x1ce: {  	_ =	swait.ge @!p0 [sflag:s8], $0x1000  }
0x1cf: {  	p1 =	sne.s32 s5, $0x1;
	[sflag:s8] =	ssyncset.done @!p0 $0x0  }
.Ltmp8:
0x1d0: {  	s12 =	simm.s32 @!p0 $0xF700;
	[sflag:s8] =	ssyncadd.s32 @!p0 $0xFFFFF000;
	(pc) =	sbr.rel @!p1 .LBB2_16-.Ltmp8, $4  }
0x1d1: {  	[spmem:s3] =	stream.indirect.scatter.add.f32 @!p0 [tilespmem:s12], [sflag:$0x6], $0x80, s9, s14, $0xb8;
	[tilespmem:$0x1B780] =	vst v63  }
0x1d2: {  	_ =	swait.ge @!p0 [sflag:s13], $0x1000  }
0x1d3: {  	s10 =	simm.s32 $0x7640;
	s11 =	simm.s32 $0xC600;
	[sflag:s13] =	ssyncset.done @!p0 $0x0  }
0x1d4: {  	s8 =	simm.s32 $0x1;
	s9 =	simm.s32 $0x7680;
	[sflag:s13] =	ssyncadd.s32 @!p0 $0xFFFFF000  }
.LBB2_15:
0x1d5: {  	[tilespmem:s12], [sflag:$0x4] =	stream.indirect.gather @!p0 [hbm4b:s2+s25], $0x100, s9, s25, $0xb8;
	[tilespmem:$0x1B780] =	vst v63  }
0x1d6: {  	s8 =	sadd.s32 $0x1, s8;
	s9 =	smov.u32 s10;
	_ =	swait.ge [sflag:s24], $0x1000  }
0x1d7: {  	p1 =	sne.s32 s5, s8;
	[sflag:s24] =	ssyncset.done $0x0  }
0x1d8: {  	s12 =	sadd.s32 $0x60, s11;
	[sflag:s24] =	ssyncadd.s32 $0xFFFFF000  }
0x1d9: {  	[spmem:s3] =	stream.indirect.scatter.add.f32 [tilespmem:s31], [sflag:$0x6], $0x80, s12, s22, $0xb8;
	[tilespmem:$0x1B780] =	vst v63  }
0x1da: {  	_ =	swait.ge [sflag:s4], $0x1000  }
0x1db: {  	p0 =	sge.s32 s8, s5;
	[sflag:s4] =	ssyncset.done $0x0  }
0x1dc: {  	s13 =	simm.s32 @p0 $0x2;
	[sflag:s4] =	ssyncadd.s32 $0xFFFFF000  }
0x1dd: {  	_ =	swait.ge @p0 [sflag:s13], $0x1000  }
0x1de: {  	s14 =	simm.s32 @p0 $0xD700;
	s12 =	simm.s32 @p0 $0x6;
	[sflag:s13] =	ssyncset.done @p0 $0x0  }
0x1df: {  	s15 =	simm.s32 @p0 $0x20;
	[sflag:s13] =	ssyncadd.s32 @p0 $0xFFFFF000;
	s13 =	sadd.s32 @p0 $0x40, s11  }
0x1e0: {  	[spmem:s3] =	stream.indirect.scatter.add.f32 @p0 [tilespmem:s14], [sflag:$0x6], $0x80, s13, s15, $0xb8;
	[tilespmem:$0x1B780] =	vst v63  }
0x1e1: {  	_ =	swait.ge @p0 [sflag:s12], $0x1000  }
0x1e2: {  	s13 =	simm.s32 @!p0 $0xC700;
	s14 =	simm.s32 @!p0 $0x2;
	[sflag:s12] =	ssyncset.done @p0 $0x0  }
0x1e3: {  	s16 =	sadd.s32 @!p0 $0x30, s10;
	s25 =	simm.s32 @!p0 $0x10;
	[sflag:s12] =	ssyncadd.s32 @p0 $0xFFFFF000  }
0x1e4: {  	[tilespmem:s13], [sflag:$0x1] =	stream.indirect.gather @!p0 [hbm4b:s2+s25], $0x100, s16, s25, $0xb8;
	[tilespmem:$0x1B780] =	vst v63  }
0x1e5: {  	_ =	swait.ge @!p0 [sflag:s14], $0x1000  }
0x1e6: {  	s16 =	simm.s32 @!p0 $0xD700;
	s13 =	simm.s32 @!p0 $0x6;
	[sflag:s14] =	ssyncset.done @!p0 $0x0  }
0x1e7: {  	s20 =	simm.s32 @!p0 $0x20;
	[sflag:s14] =	ssyncadd.s32 @!p0 $0xFFFFF000;
	s14 =	sadd.s32 @!p0 $0x40, s11  }
0x1e8: {  	[spmem:s3] =	stream.indirect.scatter.add.f32 @!p0 [tilespmem:s16], [sflag:$0x6], $0x80, s14, s20, $0xb8;
	[tilespmem:$0x1B780] =	vst v63  }
0x1e9: {  	_ =	swait.ge @!p0 [sflag:s13], $0x1000  }
0x1ea: {  	[sflag:s13] =	ssyncset.done @!p0 $0x0  }
0x1eb: {  	s14 =	sadd.s32 @!p0 $0x20, s10;
	[sflag:s13] =	ssyncadd.s32 @!p0 $0xFFFFF000  }
0x1ec: {  	[tilespmem:s16], [sflag:$0x2] =	stream.indirect.gather @!p0 [hbm4b:s2+s25], $0x100, s14, s25, $0xb8;
	[tilespmem:$0x1B780] =	vst v63  }
0x1ed: {  	_ =	swait.ge [sflag:s6], $0x1000  }
0x1ee: {  	[sflag:s6] =	ssyncset.done $0x0  }
0x1ef: {  	s14 =	sadd.s32 $0x20, s11;
	[sflag:s6] =	ssyncadd.s32 $0xFFFFF000  }
0x1f0: {  	[spmem:s3] =	stream.indirect.scatter.add.f32 [tilespmem:s0], [sflag:$0x6], $0x80, s14, s22, $0xb8;
	[tilespmem:$0x1B780] =	vst v63  }
0x1f1: {  	_ =	swait.ge [sflag:s4], $0x1000  }
0x1f2: {  	[sflag:s4] =	ssyncset.done $0x0  }
0x1f3: {  	s14 =	simm.s32 @p0 $0x4;
	[sflag:s4] =	ssyncadd.s32 $0xFFFFF000  }
0x1f4: {  	_ =	swait.ge @p0 [sflag:s14], $0x1000  }
0x1f5: {  	[sflag:s14] =	ssyncset.done @p0 $0x0  }
0x1f6: {  	[sflag:s14] =	ssyncadd.s32 @p0 $0xFFFFF000;
	s14 =	simm.s32 @p0 $0xF700  }
0x1f7: {  	[spmem:s3] =	stream.indirect.scatter.add.f32 @p0 [tilespmem:s14], [sflag:$0x6], $0x80, s11, s15, $0xb8;
	[tilespmem:$0x1B780] =	vst v63  }
0x1f8: {  	_ =	swait.ge @p0 [sflag:s12], $0x1000  }
0x1f9: {  	s14 =	simm.s32 @!p0 $0x4;
	[sflag:s12] =	ssyncset.done @p0 $0x0  }
0x1fa: {  	s15 =	simm.s32 @!p0 $0xE700;
	[sflag:s12] =	ssyncadd.s32 @p0 $0xFFFFF000;
	s12 =	sadd.s32 @!p0 $0x10, s10  }
0x1fb: {  	[tilespmem:s15], [sflag:$0x3] =	stream.indirect.gather @!p0 [hbm4b:s2+s25], $0x100, s12, s25, $0xb8;
	[tilespmem:$0x1B780] =	vst v63  }
0x1fc: {  	_ =	swait.ge @!p0 [sflag:s14], $0x1000  }
0x1fd: {  	[sflag:s14] =	ssyncset.done @!p0 $0x0  }
.Ltmp9:
0x1fe: {  	s12 =	simm.s32 @!p0 $0xF700;
	[sflag:s14] =	ssyncadd.s32 @!p0 $0xFFFFF000;
	(pc) =	sbr.rel @p1 .LBB2_15-.Ltmp9, $4  }
0x1ff: {  	[spmem:s3] =	stream.indirect.scatter.add.f32 @!p0 [tilespmem:s12], [sflag:$0x6], $0x80, s11, s20, $0xb8;
	[tilespmem:$0x1B780] =	vst v63  }
0x200: {  	_ =	swait.ge @!p0 [sflag:s13], $0x1000  }
0x201: {  	[sflag:s13] =	ssyncset.done @!p0 $0x0  }
0x202: {  	s10 =	sadd.s32 $0xFFFFFFC0, s10;
	s11 =	sadd.s32 $0xFFFFFF80, s11;
	[sflag:s13] =	ssyncadd.s32 @!p0 $0xFFFFF000  }
.LBB2_16:
0x203: {  	[tilespmem:s12], [sflag:$0x4] =	stream.indirect.gather @!p0 [hbm4b:s2+s25], $0x100, s9, s25, $0xb8;
	[tilespmem:$0x1B780] =	vst v63  }
.LBB2_17:
0x204: {  	s5 =	sadd.s32 $0x0, s1;
	[bflag:$0x0] =	sbarrier.arrive $0xFFFF  }
0x205: {  	p0 =	sgt.u32 s5, $0x270;
	s10 =	rddreg [dreg:$0x10]  }
0x206: {  	s5 =	simm.s32 $0x10;
	s9 =	sshll.u32 @!p0 s1, $0x6;
	s8 =	sadd.s32 $0x800, s10  }
0x207: {  	s12 =	sshrl.u32 @!p0 s19, $0x3;
	s11 =	sor.u32 @!p0 $0x1C05, s9;
	s9 =	sadd.s32 $0x4000, s19  }
.LBB2_18:
0x208: {  	[hbm:s10], [sflag:s11] =	dma.local @!p0 [spmem:s12], $0x80  }
0x209: {  	s10 =	smov.u32 s5;
	s5 =	sadd.s32 $0x10, s5  }
0x20a: {  	p1 =	sne.s32 s5, $0x280  }
.Ltmp10:
0x20b: {  	(pc) =	sbr.rel @p1 .LBB2_18-.Ltmp10, $4  }
0x20c: {  	s11 =	sadd.s32 s10, s1;
	s10 =	smov.u32 s8  }
0x20d: {  	p0 =	sgt.u32 s11, $0x270  }
0x20e: {  	s8 =	sadd.s32 $0x800, s8;
	s11 =	sshll.u32 @!p0 s1, $0x6  }
0x20f: {  	s12 =	sshrl.u32 @!p0 s9, $0x3;
	s9 =	sadd.s32 $0x4000, s9;
	s11 =	sor.u32 @!p0 $0x1C05, s11  }
0x210: {  	[hbm:s10], [sflag:s11] =	dma.local @!p0 [spmem:s12], $0x80  }
0x211: {  	p0 =	sle.u32 s17, $0x0  }
0x212: {  	s8 =	simm.s32 @!p0 $0x5  }
0x213: {  	_ =	swait.ge @!p0 [sflag:s8], $0x80  }
0x214: {  	s5 =	simm.s32 $0x10;
	[sflag:s8] =	ssyncset.done @!p0 $0x0  }
.LBB2_20:
0x215: {  	[sflag:s8] =	ssyncadd.s32 @!p0 $0xFFFFFF80;
	s8 =	smov.u32 s5;
	s5 =	sadd.s32 $0x10, s5  }
0x216: {  	p1 =	sne.s32 s5, $0x280  }
.Ltmp11:
0x217: {  	(pc) =	sbr.rel @p1 .LBB2_20-.Ltmp11, $4  }
0x218: {  	p0 =	sge.u32 s8, s17  }
0x219: {  	s8 =	simm.s32 @!p0 $0x5  }
0x21a: {  	_ =	swait.ge @!p0 [sflag:s8], $0x80  }
0x21b: {  	[sflag:s8] =	ssyncset.done @!p0 $0x0  }
0x21c: {  	s18 =	sadd.s32 $0x1, s18;
	s5 =	rddreg [dreg:$0xe]  }
0x21d: {  	p1 =	sne.s32 s18, s5  }
.Ltmp12:
0x21e: {  	_ = 	snop;
	(pc) =	sbr.rel @p1 .LBB2_1-.Ltmp12, $2  }
0x21f: {  	_ =	sdelay $0x2  }
0x220: {  	[sflag:s8] =	ssyncadd.s32 @!p0 $0xFFFFFF80  }
0x221: {  	_ =	sfence.sel $0x180000  }
0x222: {  	[bflag:$0x0] =	sbarrier.arrive $0xFFFF  }
0x223: {  	_ =	strace $0x90000047  }
0x224: {  	[bflag:$0x2] =	sbarrier.arrive $0xFFFF  }
0x225: {  	p0 =	sne.s32 s1, $0x0;
	s0 =	rddreg [dreg:$0x3]  }
0x226: {  	s0 =	sadd.s32 @!p0 $0x100000, s0  }
0x227: {  	[sflag:s0] =	ssyncadd.tile.s32 @!p0 $0x1;
	_ =	shalt  }
.Lfunc_end2:
_tile_overlayer_lowered:
.L_overlay_start_2:
0x228: {  	(tag) =	ssettag $0x2  }
0x229: {  	s0 =	rddreg [dreg:$0x0];
	s2 =	stileid.u32  }
0x22a: {  	s1 =	rddreg [dreg:$0x1];
	p0 =	sne.s32 s2, $0x0  }
0x22b: {  	s3 =	rddreg [dreg:$0x2];
	[bflag:$0x3] =	sbarrier.arrive $0xFFFF;
	s2 =	simm.s32 @!p0 $0x1C06  }
0x22c: {  	[timem:s3], [sflag:s2] =	dma.local @!p0 [hbm:s0], s1  }
0x22d: {  	s0 =	simm.s32 @!p0 $0x6  }
0x22e: {  	_ =	swait.ge @!p0 [sflag:s0], s1  }
0x22f: {  	s1 =	ssub.s32 @!p0 $0x0, s1;
	[sflag:s0] =	ssyncset.done @!p0 $0x0  }
0x230: {  	[sflag:s0] =	ssyncadd.s32 @!p0 s1  }
0x231: {  	[bflag:$0x3] =	sbarrier.arrive $0xFFFF  }
0x232: {  	_ =	shalt  }

</sc_bundles>
